<compile_context>
chip_gen: v7x
topology: tpu7x:2x2x1
jax: 0.10.2.dev20260603
libtpu: 0.0.44.dev20260713+nightly
codegen_flags: <defaults>
</compile_context>

<pallas_src>
import functools

import jax
import jax.numpy as jnp
from jax import lax
from jax.experimental import pallas as pl
from jax.experimental.pallas import tpu as pltpu
from jax.experimental.pallas import tpu_sc as plsc

N = 10000
E = 320000
F = 128
H = 256

NC, NS = 2, 16
CHUNK = 128
T_CH = 80
C_TOT = T_CH * NC * NS
E_PAD = C_TOT * CHUNK
N_PAD = 10240
SLICE = N_PAD // NS
ROWS = 2000

_mesh = plsc.VectorSubcoreMesh(
    core_axis_name="c", subcore_axis_name="s", num_cores=NC, num_subcores=NS)


@functools.partial(
    pl.kernel,
    out_type=jax.ShapeDtypeStruct((NC, NS, SLICE), jnp.float32),
    mesh=_mesh,
    scratch_types=[
        pltpu.VMEM((2 * T_CH, CHUNK), jnp.int32),
        pltpu.VMEM((1, CHUNK), jnp.float32),
        pltpu.VMEM_SHARED((N_PAD,), jnp.float32),
        pltpu.SemaphoreType.DMA,
    ],
)
def _sc_degree(edge_hbm, ones_hbm, zeros_hbm, out_hbm, e_v, ones_v, deg_sh, dsem):
    c = lax.axis_index("c")
    s = lax.axis_index("s")
    base = c * (NS * T_CH) + s * T_CH
    pltpu.sync_copy(edge_hbm.at[pl.ds(2 * base, 2 * T_CH)], e_v)
    pltpu.sync_copy(ones_hbm, ones_v)
    pltpu.sync_copy(zeros_hbm.at[pl.ds(s * SLICE, SLICE)],
                    deg_sh.at[pl.ds(s * SLICE, SLICE)])
    plsc.subcore_barrier()

    def fire(j, carry):
        pltpu.async_copy(ones_v.at[0], deg_sh.at[e_v.at[2 * j + 1]], dsem,
                         add=True)
        return carry

    def drain(j, carry):
        pltpu.make_async_copy(ones_v.at[0], deg_sh.at[e_v.at[2 * j + 1]],
                              dsem).wait()
        return carry

    lax.fori_loop(0, T_CH, fire, 0)
    lax.fori_loop(0, T_CH, drain, 0)
    plsc.subcore_barrier()
    pltpu.sync_copy(deg_sh.at[pl.ds(s * SLICE, SLICE)], out_hbm.at[c, s])


@functools.partial(
    pl.kernel,
    out_type=jax.ShapeDtypeStruct((NC, NS, SLICE, F), jnp.float32),
    mesh=_mesh,
    scratch_types=[
        pltpu.VMEM((2, CHUNK), jnp.int32),
        pltpu.VMEM((2, CHUNK), jnp.int32),
        pltpu.VMEM((2, CHUNK), jnp.int32),
        pltpu.VMEM((2, CHUNK), jnp.int32),
        pltpu.VMEM((CHUNK, F), jnp.float32),
        pltpu.VMEM((CHUNK, F), jnp.float32),
        pltpu.VMEM_SHARED((N_PAD, F), jnp.float32),
        pltpu.SemaphoreType.DMA,
        pltpu.SemaphoreType.DMA,
        pltpu.SemaphoreType.DMA,
        pltpu.SemaphoreType.DMA,
        pltpu.SemaphoreType.DMA,
        pltpu.SemaphoreType.DMA,
        pltpu.SemaphoreType.DMA,
        pltpu.SemaphoreType.DMA,
    ],
)
def _sc_aggregate(edge_hbm, z_hbm, zeros_hbm, out_hbm,
                  ib0, ib1, ib2, ib3, msg0, msg1, acc_sh,
                  isem0, isem1, isem2, isem3, gsem0, gsem1, ssem0, ssem1):
    c = lax.axis_index("c")
    s = lax.axis_index("s")
    wid = c * NS + s
    ib = (ib0, ib1, ib2, ib3)
    isem = (isem0, isem1, isem2, isem3)
    msgs = (msg0, msg1)
    gsem = (gsem0, gsem1)
    ssem = (ssem0, ssem1)

    def i_start(j, bi):
        pltpu.async_copy(edge_hbm.at[pl.ds(2 * (wid + NC * NS * j), 2)],
                         ib[bi], isem[bi])

    def i_wait(j, bi):
        pltpu.make_async_copy(edge_hbm.at[pl.ds(2 * (wid + NC * NS * j), 2)],
                              ib[bi], isem[bi]).wait()

    def g_start(bi, bm):
        pltpu.async_copy(z_hbm.at[ib[bi].at[0]], msgs[bm], gsem[bm])

    def g_wait(bi, bm):
        pltpu.make_async_copy(z_hbm.at[ib[bi].at[0]], msgs[bm],
                              gsem[bm]).wait()

    def s_start(bi, bm):
        pltpu.async_copy(msgs[bm], acc_sh.at[ib[bi].at[1]], ssem[bm],
                         add=True)

    def s_wait(bi, bm):
        pltpu.make_async_copy(msgs[bm], acc_sh.at[ib[bi].at[1]],
                              ssem[bm]).wait()

    i_start(0, 0)
    i_start(1, 1)
    pltpu.sync_copy(zeros_hbm.at[pl.ds(s * SLICE, SLICE)],
                    acc_sh.at[pl.ds(s * SLICE, SLICE)])
    i_wait(0, 0)
    g_start(0, 0)
    plsc.subcore_barrier()

    g_wait(0, 0)
    s_start(0, 0)
    i_start(2, 2)
    i_wait(1, 1)
    g_start(1, 1)

    g_wait(1, 1)
    s_start(1, 1)
    s_wait(0, 0)
    i_start(3, 3)
    i_wait(2, 2)
    g_start(2, 0)

    def body(i, carry):
        for k in range(4):
            j = 2 + 4 * i + k
            bi = (2 + k) % 4
            bm = k % 2
            g_wait(bi, bm)
            s_start(bi, bm)
            s_wait((bi - 1) % 4, 1 - bm)
            i_start(j + 2, k)
            i_wait(j + 1, (bi + 1) % 4)
            g_start((bi + 1) % 4, 1 - bm)
        return carry

    lax.fori_loop(0, (T_CH - 4) // 4, body, 0)

    g_wait(2, 0)
    s_start(2, 0)
    s_wait(1, 1)
    i_wait(T_CH - 1, 3)
    g_start(3, 1)

    g_wait(3, 1)
    s_start(3, 1)
    s_wait(2, 0)
    s_wait(3, 1)

    plsc.subcore_barrier()
    pltpu.sync_copy(acc_sh.at[pl.ds(s * SLICE, SLICE)], out_hbm.at[c, s])


def _tc_pre_body(d0, d1, x, dis_ref, y0_ref):
    dis = lax.rsqrt(d0[...] + d1[...] + 1.0)
    dis_ref[...] = dis
    y0_ref[...] = x[...] * dis


def _tc_mid_body(a0, a1, y0, dis, w1, b1, w2, y1_ref):
    out1 = (a0[...] + a1[...] + y0[...]) * dis[...]
    h = jnp.dot(out1, w1[...], preferred_element_type=jnp.float32) + b1[...]
    h = jnp.maximum(h, 0.0)
    y1_ref[...] = jnp.dot(h, w2[...], preferred_element_type=jnp.float32) * dis[...]


def _tc_fin_body(a0, a1, y1, dis, b2, out_ref):
    out_ref[...] = (a0[...] + a1[...] + y1[...]) * dis[...] + b2[...]


def _row_spec(cols):
    return pl.BlockSpec((ROWS, cols), lambda i: (i, 0))


def _full_spec(r, c):
    return pl.BlockSpec((r, c), lambda i: (0, 0))


_GRID = (N // ROWS,)

_tc_pre = pl.pallas_call(
    _tc_pre_body,
    grid=_GRID,
    in_specs=[_row_spec(1), _row_spec(1), _row_spec(F)],
    out_specs=[_row_spec(1), _row_spec(F)],
    out_shape=[jax.ShapeDtypeStruct((N, 1), jnp.float32),
               jax.ShapeDtypeStruct((N, F), jnp.float32)],
)

_tc_mid = pl.pallas_call(
    _tc_mid_body,
    grid=_GRID,
    in_specs=[_row_spec(F), _row_spec(F), _row_spec(F), _row_spec(1),
              _full_spec(F, H), _full_spec(1, H), _full_spec(H, F)],
    out_specs=_row_spec(F),
    out_shape=jax.ShapeDtypeStruct((N, F), jnp.float32),
)

_tc_fin = pl.pallas_call(
    _tc_fin_body,
    grid=_GRID,
    in_specs=[_row_spec(F), _row_spec(F), _row_spec(F), _row_spec(1),
              _full_spec(1, F)],
    out_specs=_row_spec(F),
    out_shape=jax.ShapeDtypeStruct((N, F), jnp.float32),
)


def kernel(x, edge_index, W1, b1, W2, b2):
    ei = edge_index.astype(jnp.int32)
    n_dummy = E_PAD - E
    pad_dst = N + (jnp.arange(n_dummy, dtype=jnp.int32) % (N_PAD - N))
    pad_src = pad_dst
    src = jnp.concatenate([ei[0], pad_src]).reshape(C_TOT, CHUNK)
    dst = jnp.concatenate([ei[1], pad_dst]).reshape(C_TOT, CHUNK)
    edges = jnp.stack([src, dst], axis=1).reshape(2 * C_TOT, CHUNK)

    ones = jnp.ones((1, CHUNK), jnp.float32)
    zeros1 = jnp.zeros((N_PAD,), jnp.float32)
    zeros2 = jnp.zeros((N_PAD, F), jnp.float32)

    deg_parts = _sc_degree(edges, ones, zeros1).reshape(NC, N_PAD)
    d0 = deg_parts[0, :N].reshape(N, 1)
    d1 = deg_parts[1, :N].reshape(N, 1)

    dis, y0 = _tc_pre(d0, d1, x)

    y0_pad = jnp.zeros((N_PAD, F), jnp.float32).at[:N].set(y0)
    acc = _sc_aggregate(edges, y0_pad, zeros2).reshape(NC, N_PAD, F)

    y1 = _tc_mid(acc[0, :N], acc[1, :N], y0, dis,
                 W1, b1.reshape(1, H), W2)

    y1_pad = jnp.zeros((N_PAD, F), jnp.float32).at[:N].set(y1)
    acc2 = _sc_aggregate(edges, y1_pad, zeros2).reshape(NC, N_PAD, F)

    out = _tc_fin(acc2[0, :N], acc2[1, :N], y1, dis, b2.reshape(1, F))
    return out

# --- scband reference (transcript-rebuilt; emitter-appended) ---
"""Pipeline reference for scband-gaedecoder-39367670235138 (READ-ONLY COPY).

The authoritative reference and input builder live on the scoring server;
editing this copy changes nothing except your own understanding.
"""

import jax, jax.numpy as jnp
import numpy as np

N_NODES = 10000
N_EDGES = 320000
IN_CH = 128
HID_CH = 256
OUT_CH = 128


def glorot(key, shape):
    fan_in, fan_out = shape[0], shape[1]
    limit = (6.0 / (fan_in + fan_out)) ** 0.5
    return jax.random.uniform(key, shape, minval=-limit, maxval=limit, dtype=jnp.float32)


def setup_inputs(seed: int = 0) -> dict:
    key = jax.random.key(seed)
    k_x, k_e, k_w1, k_w2 = jax.random.split(key, 4)
    x = jax.random.normal(k_x, (N_NODES, IN_CH), dtype=jnp.float32)
    edge_index = jax.random.randint(k_e, (2, N_EDGES), 0, N_NODES, dtype=jnp.int64)
    W1 = glorot(k_w1, (IN_CH, HID_CH))
    b1 = jnp.zeros((HID_CH,), dtype=jnp.float32)
    W2 = glorot(k_w2, (HID_CH, OUT_CH))
    b2 = jnp.zeros((OUT_CH,), dtype=jnp.float32)
    return {"x": x, "edge_index": edge_index, "W1": W1, "b1": b1, "W2": W2, "b2": b2}


def gcn_conv(x, src, dst, norm, W, b):
    # x' = D^{-1/2} (A + I) D^{-1/2} (x W) + b  (PyG GCNConv with add_self_loops=True)
    xW = x @ W
    msg = jnp.take(xW, src, axis=0) * norm[:, None]
    out = jnp.zeros((x.shape[0], W.shape[1]), dtype=x.dtype).at[dst].add(msg)
    return out + b


def reference(x, edge_index, W1, b1, W2, b2):
    N = x.shape[0]
    loop = jnp.arange(N, dtype=edge_index.dtype)
    src = jnp.concatenate([edge_index[0], loop])
    dst = jnp.concatenate([edge_index[1], loop])
    deg = jnp.zeros((N,), dtype=jnp.float32).at[dst].add(1.0)
    deg_inv_sqrt = jnp.where(deg > 0, jax.lax.rsqrt(deg), 0.0)
    norm = deg_inv_sqrt[src] * deg_inv_sqrt[dst]
    h = gcn_conv(x, src, dst, norm, W1, b1)
    h = jax.nn.relu(h)
    out = gcn_conv(h, src, dst, norm, W2, b2)
    return out

if __name__ == "__main__":
    import jax
    _d = setup_inputs()
    print(jax.jit(kernel)(*tuple(_d.values())))

</pallas_src>

<mosaic_0001>
#map = affine_map<(d0, d1) -> (0, 0)>
#map1 = affine_map<(d0, d1) -> (0, 0, 0, 0)>
module attributes {stable_mosaic.version = 14 : i64} {
  func.func @_sc_aggregate(%arg0: i32, %arg1: i32, %arg2: memref<5120x128xi32, #tpu.memory_space<hbm>>, %arg3: memref<10240x128xf32, #tpu.memory_space<hbm>>, %arg4: memref<10240x128xf32, #tpu.memory_space<hbm>>, %arg5: memref<2x16x640x128xf32, #tpu.memory_space<hbm>>, %arg6: memref<2x128xi32, #tpu.memory_space<vmem>>, %arg7: memref<2x128xi32, #tpu.memory_space<vmem>>, %arg8: memref<2x128xi32, #tpu.memory_space<vmem>>, %arg9: memref<2x128xi32, #tpu.memory_space<vmem>>, %arg10: memref<128x128xf32, #tpu.memory_space<vmem>>, %arg11: memref<128x128xf32, #tpu.memory_space<vmem>>, %arg12: memref<10240x128xf32, #tpu.memory_space<vmem_shared>>, %arg13: memref<!tpu.dma_semaphore, #tpu.memory_space<semaphore_mem>>, %arg14: memref<!tpu.dma_semaphore, #tpu.memory_space<semaphore_mem>>, %arg15: memref<!tpu.dma_semaphore, #tpu.memory_space<semaphore_mem>>, %arg16: memref<!tpu.dma_semaphore, #tpu.memory_space<semaphore_mem>>, %arg17: memref<!tpu.dma_semaphore, #tpu.memory_space<semaphore_mem>>, %arg18: memref<!tpu.dma_semaphore, #tpu.memory_space<semaphore_mem>>, %arg19: memref<!tpu.dma_semaphore, #tpu.memory_space<semaphore_mem>>, %arg20: memref<!tpu.dma_semaphore, #tpu.memory_space<semaphore_mem>>) attributes {dimension_semantics = [#tpu.dimension_semantics<core_parallel>, #tpu.dimension_semantics<subcore_parallel>], iteration_bounds = array<i64: 2, 16>, scalar_prefetch = 0 : i64, scratch_operands = 15 : i64, tpu.core_type = #tpu.core_type<sc_vector_subcore>, window_params = [{transform_indices = #map}, {transform_indices = #map}, {transform_indices = #map}, {transform_indices = #map1}]} {
    %mul3A = arith.constant 16 : i32
    %mul3A_0 = arith.muli %arg0, %mul3A : i32
    %add3A = arith.addi %mul3A_0, %arg1 : i32
    %add3A_1 = arith.constant 0 : i32
    %add3A_2 = arith.addi %add3A, %add3A_1 : i32
    %mul3A_3 = arith.constant 2 : i32
    %mul3A_4 = arith.muli %mul3A_3, %add3A_2 : i32
    %dma_start3A = arith.constant 0 : i32
    %dma_start3A_5 = tpu.memref_slice %arg2[%mul3A_4, %dma_start3A] : memref<5120x128xi32, #tpu.memory_space<hbm>> -> memref<2x128xi32, #tpu.memory_space<hbm>>
    %dma_start3A_6 = arith.constant 0 : i32
    %dma_start3A_7 = tpu.memref_slice %arg2[%mul3A_4, %dma_start3A_6] : memref<5120x128xi32, #tpu.memory_space<hbm>> -> memref<2x128xi32, #tpu.memory_space<hbm>>
    tpu.enqueue_dma source(%dma_start3A_7 : memref<2x128xi32, #tpu.memory_space<hbm>>) target(%arg6 : memref<2x128xi32, #tpu.memory_space<vmem>>) target_semaphore(%arg13 : memref<!tpu.dma_semaphore, #tpu.memory_space<semaphore_mem>>)
    %add3A_8 = arith.constant 32 : i32
    %add3A_9 = arith.addi %add3A, %add3A_8 : i32
    %mul3A_10 = arith.constant 2 : i32
    %mul3A_11 = arith.muli %mul3A_10, %add3A_9 : i32
    %dma_start3A_12 = arith.constant 0 : i32
    %dma_start3A_13 = tpu.memref_slice %arg2[%mul3A_11, %dma_start3A_12] : memref<5120x128xi32, #tpu.memory_space<hbm>> -> memref<2x128xi32, #tpu.memory_space<hbm>>
    %dma_start3A_14 = arith.constant 0 : i32
    %dma_start3A_15 = tpu.memref_slice %arg2[%mul3A_11, %dma_start3A_14] : memref<5120x128xi32, #tpu.memory_space<hbm>> -> memref<2x128xi32, #tpu.memory_space<hbm>>
    tpu.enqueue_dma source(%dma_start3A_15 : memref<2x128xi32, #tpu.memory_space<hbm>>) target(%arg7 : memref<2x128xi32, #tpu.memory_space<vmem>>) target_semaphore(%arg14 : memref<!tpu.dma_semaphore, #tpu.memory_space<semaphore_mem>>)
    %mul3A_16 = arith.constant 640 : i32
    %mul3A_17 = arith.muli %arg1, %mul3A_16 : i32
    %mul3A_18 = arith.constant 640 : i32
    %mul3A_19 = arith.muli %arg1, %mul3A_18 : i32
    "tpu.region"() ({
      %run_scoped3A = tpu.sem_alloc : memref<!tpu.dma_semaphore, #tpu.memory_space<semaphore_mem>>
      %dma_start3A_187 = arith.constant 0 : i32
      %dma_start3A_188 = tpu.memref_slice %arg12[%mul3A_19, %dma_start3A_187] : memref<10240x128xf32, #tpu.memory_space<vmem_shared>> -> memref<640x128xf32, #tpu.memory_space<vmem_shared>>
      %dma_start3A_189 = arith.constant 0 : i32
      %dma_start3A_190 = tpu.memref_slice %arg4[%mul3A_17, %dma_start3A_189] : memref<10240x128xf32, #tpu.memory_space<hbm>> -> memref<640x128xf32, #tpu.memory_space<hbm>>
      tpu.enqueue_dma source(%dma_start3A_190 : memref<640x128xf32, #tpu.memory_space<hbm>>) target(%dma_start3A_188 : memref<640x128xf32, #tpu.memory_space<vmem_shared>>) target_semaphore(%run_scoped3A : memref<!tpu.dma_semaphore, #tpu.memory_space<semaphore_mem>>)
      %dma_wait3A_191 = arith.constant 0 : i32
      %dma_wait3A_192 = tpu.memref_slice %arg12[%mul3A_19, %dma_wait3A_191] : memref<10240x128xf32, #tpu.memory_space<vmem_shared>> -> memref<640x128xf32, #tpu.memory_space<vmem_shared>>
      %dma_wait3A_193 = arith.constant 0 : i32
      %dma_wait3A_194 = tpu.memref_slice %arg4[%mul3A_17, %dma_wait3A_193] : memref<10240x128xf32, #tpu.memory_space<hbm>> -> memref<640x128xf32, #tpu.memory_space<hbm>>
      tpu.wait_dma2 semaphore(%run_scoped3A : memref<!tpu.dma_semaphore, #tpu.memory_space<semaphore_mem>>) src(%dma_wait3A_194 : memref<640x128xf32, #tpu.memory_space<hbm>>) dst(%dma_wait3A_192 : memref<640x128xf32, #tpu.memory_space<vmem_shared>>)
      tpu.yield
    }) : () -> ()
    %add3A_20 = arith.constant 0 : i32
    %add3A_21 = arith.addi %add3A, %add3A_20 : i32
    %mul3A_22 = arith.constant 2 : i32
    %mul3A_23 = arith.muli %mul3A_22, %add3A_21 : i32
    %dma_wait3A = arith.constant 0 : i32
    %dma_wait3A_24 = tpu.memref_slice %arg2[%mul3A_23, %dma_wait3A] : memref<5120x128xi32, #tpu.memory_space<hbm>> -> memref<2x128xi32, #tpu.memory_space<hbm>>
    %dma_wait3A_25 = arith.constant 0 : i32
    %dma_wait3A_26 = tpu.memref_slice %arg2[%mul3A_23, %dma_wait3A_25] : memref<5120x128xi32, #tpu.memory_space<hbm>> -> memref<2x128xi32, #tpu.memory_space<hbm>>
    tpu.wait_dma2 semaphore(%arg13 : memref<!tpu.dma_semaphore, #tpu.memory_space<semaphore_mem>>) src(%dma_wait3A_26 : memref<2x128xi32, #tpu.memory_space<hbm>>) dst(%arg6 : memref<2x128xi32, #tpu.memory_space<vmem>>)
    %dma_start3A_27 = arith.constant 0 : i32
    %dma_start3A_28 = arith.constant 0 : i32
    %dma_start3A_29 = tpu.memref_slice %arg6[%dma_start3A_27, %dma_start3A_28] : memref<2x128xi32, #tpu.memory_space<vmem>> -> memref<1x128xi32, #tpu.memory_space<vmem>>
    %dma_start3A_30 = tpu.memref_squeeze %dma_start3A_29 : memref<1x128xi32, #tpu.memory_space<vmem>> -> memref<128xi32, #tpu.memory_space<vmem>>
    %dma_start3A_31 = arith.constant 0 : i32
    %dma_start3A_32 = arith.constant 0 : i32
    %dma_start3A_33 = tpu.memref_slice %arg3[%dma_start3A_31, %dma_start3A_32] : memref<10240x128xf32, #tpu.memory_space<hbm>> -> memref<10240x128xf32, #tpu.memory_space<hbm>>
    tpu.enqueue_indirect_dma source(%dma_start3A_33 : memref<10240x128xf32, #tpu.memory_space<hbm>>) target(%arg10 : memref<128x128xf32, #tpu.memory_space<vmem>>) offsets(%dma_start3A_30 : memref<128xi32, #tpu.memory_space<vmem>>) semaphore(%arg17 : memref<!tpu.dma_semaphore, #tpu.memory_space<semaphore_mem>>)
    %barrier3A = arith.constant 0 : index
    tpu.barrier barrier_id(%barrier3A)
    %dma_wait3A_34 = arith.constant 0 : i32
    %dma_wait3A_35 = arith.constant 0 : i32
    %dma_wait3A_36 = tpu.memref_slice %arg6[%dma_wait3A_34, %dma_wait3A_35] : memref<2x128xi32, #tpu.memory_space<vmem>> -> memref<1x128xi32, #tpu.memory_space<vmem>>
    %dma_wait3A_37 = tpu.memref_squeeze %dma_wait3A_36 : memref<1x128xi32, #tpu.memory_space<vmem>> -> memref<128xi32, #tpu.memory_space<vmem>>
    %dma_wait3A_38 = arith.constant 0 : i32
    %dma_wait3A_39 = arith.constant 0 : i32
    %dma_wait3A_40 = tpu.memref_slice %arg3[%dma_wait3A_38, %dma_wait3A_39] : memref<10240x128xf32, #tpu.memory_space<hbm>> -> memref<10240x128xf32, #tpu.memory_space<hbm>>
    tpu.wait_indirect_dma semaphore(%arg17 : memref<!tpu.dma_semaphore, #tpu.memory_space<semaphore_mem>>) src(%dma_wait3A_40 : memref<10240x128xf32, #tpu.memory_space<hbm>>) dst(%arg10 : memref<128x128xf32, #tpu.memory_space<vmem>>)
    %dma_start3A_41 = arith.constant 1 : i32
    %dma_start3A_42 = arith.constant 0 : i32
    %dma_start3A_43 = tpu.memref_slice %arg6[%dma_start3A_41, %dma_start3A_42] : memref<2x128xi32, #tpu.memory_space<vmem>> -> memref<1x128xi32, #tpu.memory_space<vmem>>
    %dma_start3A_44 = tpu.memref_squeeze %dma_start3A_43 : memref<1x128xi32, #tpu.memory_space<vmem>> -> memref<128xi32, #tpu.memory_space<vmem>>
    %dma_start3A_45 = arith.constant 0 : i32
    %dma_start3A_46 = arith.constant 0 : i32
    %dma_start3A_47 = tpu.memref_slice %arg12[%dma_start3A_45, %dma_start3A_46] : memref<10240x128xf32, #tpu.memory_space<vmem_shared>> -> memref<10240x128xf32, #tpu.memory_space<vmem_shared>>
    tpu.enqueue_indirect_dma source(%arg10 : memref<128x128xf32, #tpu.memory_space<vmem>>) target(%dma_start3A_47 : memref<10240x128xf32, #tpu.memory_space<vmem_shared>>) offsets(%dma_start3A_44 : memref<128xi32, #tpu.memory_space<vmem>>) semaphore(%arg19 : memref<!tpu.dma_semaphore, #tpu.memory_space<semaphore_mem>>) {add = true}
    %add3A_48 = arith.constant 64 : i32
    %add3A_49 = arith.addi %add3A, %add3A_48 : i32
    %mul3A_50 = arith.constant 2 : i32
    %mul3A_51 = arith.muli %mul3A_50, %add3A_49 : i32
    %dma_start3A_52 = arith.constant 0 : i32
    %dma_start3A_53 = tpu.memref_slice %arg2[%mul3A_51, %dma_start3A_52] : memref<5120x128xi32, #tpu.memory_space<hbm>> -> memref<2x128xi32, #tpu.memory_space<hbm>>
    %dma_start3A_54 = arith.constant 0 : i32
    %dma_start3A_55 = tpu.memref_slice %arg2[%mul3A_51, %dma_start3A_54] : memref<5120x128xi32, #tpu.memory_space<hbm>> -> memref<2x128xi32, #tpu.memory_space<hbm>>
    tpu.enqueue_dma source(%dma_start3A_55 : memref<2x128xi32, #tpu.memory_space<hbm>>) target(%arg8 : memref<2x128xi32, #tpu.memory_space<vmem>>) target_semaphore(%arg15 : memref<!tpu.dma_semaphore, #tpu.memory_space<semaphore_mem>>)
    %add3A_56 = arith.constant 32 : i32
    %add3A_57 = arith.addi %add3A, %add3A_56 : i32
    %mul3A_58 = arith.constant 2 : i32
    %mul3A_59 = arith.muli %mul3A_58, %add3A_57 : i32
    %dma_wait3A_60 = arith.constant 0 : i32
    %dma_wait3A_61 = tpu.memref_slice %arg2[%mul3A_59, %dma_wait3A_60] : memref<5120x128xi32, #tpu.memory_space<hbm>> -> memref<2x128xi32, #tpu.memory_space<hbm>>
    %dma_wait3A_62 = arith.constant 0 : i32
    %dma_wait3A_63 = tpu.memref_slice %arg2[%mul3A_59, %dma_wait3A_62] : memref<5120x128xi32, #tpu.memory_space<hbm>> -> memref<2x128xi32, #tpu.memory_space<hbm>>
    tpu.wait_dma2 semaphore(%arg14 : memref<!tpu.dma_semaphore, #tpu.memory_space<semaphore_mem>>) src(%dma_wait3A_63 : memref<2x128xi32, #tpu.memory_space<hbm>>) dst(%arg7 : memref<2x128xi32, #tpu.memory_space<vmem>>)
    %dma_start3A_64 = arith.constant 0 : i32
    %dma_start3A_65 = arith.constant 0 : i32
    %dma_start3A_66 = tpu.memref_slice %arg7[%dma_start3A_64, %dma_start3A_65] : memref<2x128xi32, #tpu.memory_space<vmem>> -> memref<1x128xi32, #tpu.memory_space<vmem>>
    %dma_start3A_67 = tpu.memref_squeeze %dma_start3A_66 : memref<1x128xi32, #tpu.memory_space<vmem>> -> memref<128xi32, #tpu.memory_space<vmem>>
    %dma_start3A_68 = arith.constant 0 : i32
    %dma_start3A_69 = arith.constant 0 : i32
    %dma_start3A_70 = tpu.memref_slice %arg3[%dma_start3A_68, %dma_start3A_69] : memref<10240x128xf32, #tpu.memory_space<hbm>> -> memref<10240x128xf32, #tpu.memory_space<hbm>>
    tpu.enqueue_indirect_dma source(%dma_start3A_70 : memref<10240x128xf32, #tpu.memory_space<hbm>>) target(%arg11 : memref<128x128xf32, #tpu.memory_space<vmem>>) offsets(%dma_start3A_67 : memref<128xi32, #tpu.memory_space<vmem>>) semaphore(%arg18 : memref<!tpu.dma_semaphore, #tpu.memory_space<semaphore_mem>>)
    %dma_wait3A_71 = arith.constant 0 : i32
    %dma_wait3A_72 = arith.constant 0 : i32
    %dma_wait3A_73 = tpu.memref_slice %arg7[%dma_wait3A_71, %dma_wait3A_72] : memref<2x128xi32, #tpu.memory_space<vmem>> -> memref<1x128xi32, #tpu.memory_space<vmem>>
    %dma_wait3A_74 = tpu.memref_squeeze %dma_wait3A_73 : memref<1x128xi32, #tpu.memory_space<vmem>> -> memref<128xi32, #tpu.memory_space<vmem>>
    %dma_wait3A_75 = arith.constant 0 : i32
    %dma_wait3A_76 = arith.constant 0 : i32
    %dma_wait3A_77 = tpu.memref_slice %arg3[%dma_wait3A_75, %dma_wait3A_76] : memref<10240x128xf32, #tpu.memory_space<hbm>> -> memref<10240x128xf32, #tpu.memory_space<hbm>>
    tpu.wait_indirect_dma semaphore(%arg18 : memref<!tpu.dma_semaphore, #tpu.memory_space<semaphore_mem>>) src(%dma_wait3A_77 : memref<10240x128xf32, #tpu.memory_space<hbm>>) dst(%arg11 : memref<128x128xf32, #tpu.memory_space<vmem>>)
    %dma_start3A_78 = arith.constant 1 : i32
    %dma_start3A_79 = arith.constant 0 : i32
    %dma_start3A_80 = tpu.memref_slice %arg7[%dma_start3A_78, %dma_start3A_79] : memref<2x128xi32, #tpu.memory_space<vmem>> -> memref<1x128xi32, #tpu.memory_space<vmem>>
    %dma_start3A_81 = tpu.memref_squeeze %dma_start3A_80 : memref<1x128xi32, #tpu.memory_space<vmem>> -> memref<128xi32, #tpu.memory_space<vmem>>
    %dma_start3A_82 = arith.constant 0 : i32
    %dma_start3A_83 = arith.constant 0 : i32
    %dma_start3A_84 = tpu.memref_slice %arg12[%dma_start3A_82, %dma_start3A_83] : memref<10240x128xf32, #tpu.memory_space<vmem_shared>> -> memref<10240x128xf32, #tpu.memory_space<vmem_shared>>
    tpu.enqueue_indirect_dma source(%arg11 : memref<128x128xf32, #tpu.memory_space<vmem>>) target(%dma_start3A_84 : memref<10240x128xf32, #tpu.memory_space<vmem_shared>>) offsets(%dma_start3A_81 : memref<128xi32, #tpu.memory_space<vmem>>) semaphore(%arg20 : memref<!tpu.dma_semaphore, #tpu.memory_space<semaphore_mem>>) {add = true}
    %dma_wait3A_85 = arith.constant 1 : i32
    %dma_wait3A_86 = arith.constant 0 : i32
    %dma_wait3A_87 = tpu.memref_slice %arg6[%dma_wait3A_85, %dma_wait3A_86] : memref<2x128xi32, #tpu.memory_space<vmem>> -> memref<1x128xi32, #tpu.memory_space<vmem>>
    %dma_wait3A_88 = tpu.memref_squeeze %dma_wait3A_87 : memref<1x128xi32, #tpu.memory_space<vmem>> -> memref<128xi32, #tpu.memory_space<vmem>>
    %dma_wait3A_89 = arith.constant 0 : i32
    %dma_wait3A_90 = arith.constant 0 : i32
    %dma_wait3A_91 = tpu.memref_slice %arg12[%dma_wait3A_89, %dma_wait3A_90] : memref<10240x128xf32, #tpu.memory_space<vmem_shared>> -> memref<10240x128xf32, #tpu.memory_space<vmem_shared>>
    tpu.wait_indirect_dma semaphore(%arg19 : memref<!tpu.dma_semaphore, #tpu.memory_space<semaphore_mem>>) src(%arg10 : memref<128x128xf32, #tpu.memory_space<vmem>>) dst(%dma_wait3A_91 : memref<10240x128xf32, #tpu.memory_space<vmem_shared>>)
    %add3A_92 = arith.constant 96 : i32
    %add3A_93 = arith.addi %add3A, %add3A_92 : i32
    %mul3A_94 = arith.constant 2 : i32
    %mul3A_95 = arith.muli %mul3A_94, %add3A_93 : i32
    %dma_start3A_96 = arith.constant 0 : i32
    %dma_start3A_97 = tpu.memref_slice %arg2[%mul3A_95, %dma_start3A_96] : memref<5120x128xi32, #tpu.memory_space<hbm>> -> memref<2x128xi32, #tpu.memory_space<hbm>>
    %dma_start3A_98 = arith.constant 0 : i32
    %dma_start3A_99 = tpu.memref_slice %arg2[%mul3A_95, %dma_start3A_98] : memref<5120x128xi32, #tpu.memory_space<hbm>> -> memref<2x128xi32, #tpu.memory_space<hbm>>
    tpu.enqueue_dma source(%dma_start3A_99 : memref<2x128xi32, #tpu.memory_space<hbm>>) target(%arg9 : memref<2x128xi32, #tpu.memory_space<vmem>>) target_semaphore(%arg16 : memref<!tpu.dma_semaphore, #tpu.memory_space<semaphore_mem>>)
    %add3A_100 = arith.constant 64 : i32
    %add3A_101 = arith.addi %add3A, %add3A_100 : i32
    %mul3A_102 = arith.constant 2 : i32
    %mul3A_103 = arith.muli %mul3A_102, %add3A_101 : i32
    %dma_wait3A_104 = arith.constant 0 : i32
    %dma_wait3A_105 = tpu.memref_slice %arg2[%mul3A_103, %dma_wait3A_104] : memref<5120x128xi32, #tpu.memory_space<hbm>> -> memref<2x128xi32, #tpu.memory_space<hbm>>
    %dma_wait3A_106 = arith.constant 0 : i32
    %dma_wait3A_107 = tpu.memref_slice %arg2[%mul3A_103, %dma_wait3A_106] : memref<5120x128xi32, #tpu.memory_space<hbm>> -> memref<2x128xi32, #tpu.memory_space<hbm>>
    tpu.wait_dma2 semaphore(%arg15 : memref<!tpu.dma_semaphore, #tpu.memory_space<semaphore_mem>>) src(%dma_wait3A_107 : memref<2x128xi32, #tpu.memory_space<hbm>>) dst(%arg8 : memref<2x128xi32, #tpu.memory_space<vmem>>)
    %dma_start3A_108 = arith.constant 0 : i32
    %dma_start3A_109 = arith.constant 0 : i32
    %dma_start3A_110 = tpu.memref_slice %arg8[%dma_start3A_108, %dma_start3A_109] : memref<2x128xi32, #tpu.memory_space<vmem>> -> memref<1x128xi32, #tpu.memory_space<vmem>>
    %dma_start3A_111 = tpu.memref_squeeze %dma_start3A_110 : memref<1x128xi32, #tpu.memory_space<vmem>> -> memref<128xi32, #tpu.memory_space<vmem>>
    %dma_start3A_112 = arith.constant 0 : i32
    %dma_start3A_113 = arith.constant 0 : i32
    %dma_start3A_114 = tpu.memref_slice %arg3[%dma_start3A_112, %dma_start3A_113] : memref<10240x128xf32, #tpu.memory_space<hbm>> -> memref<10240x128xf32, #tpu.memory_space<hbm>>
    tpu.enqueue_indirect_dma source(%dma_start3A_114 : memref<10240x128xf32, #tpu.memory_space<hbm>>) target(%arg10 : memref<128x128xf32, #tpu.memory_space<vmem>>) offsets(%dma_start3A_111 : memref<128xi32, #tpu.memory_space<vmem>>) semaphore(%arg17 : memref<!tpu.dma_semaphore, #tpu.memory_space<semaphore_mem>>)
    %scan3A = arith.constant 0 : i32
    %scan3A_115 = arith.constant 0 : i32
    %scan3A_116 = arith.constant 19 : i32
    %scan3A_117 = arith.addi %scan3A_115, %scan3A_116 : i32
    %scan3A_118 = arith.constant 1 : i32
    scf.for %scan3A_187 = %scan3A_115 to %scan3A_117 step %scan3A_118  : i32 {
      %mul3A_188 = arith.constant 4 : i32
      %mul3A_189 = arith.muli %mul3A_188, %scan3A_187 : i32
      %add3A_190 = arith.constant 2 : i32
      %add3A_191 = arith.addi %add3A_190, %mul3A_189 : i32
      %add3A_192 = arith.constant 0 : i32
      %add3A_193 = arith.addi %add3A_191, %add3A_192 : i32
      %dma_wait3A_194 = arith.constant 0 : i32
      %dma_wait3A_195 = arith.constant 0 : i32
      %dma_wait3A_196 = tpu.memref_slice %arg8[%dma_wait3A_194, %dma_wait3A_195] : memref<2x128xi32, #tpu.memory_space<vmem>> -> memref<1x128xi32, #tpu.memory_space<vmem>>
      %dma_wait3A_197 = tpu.memref_squeeze %dma_wait3A_196 : memref<1x128xi32, #tpu.memory_space<vmem>> -> memref<128xi32, #tpu.memory_space<vmem>>
      %dma_wait3A_198 = arith.constant 0 : i32
      %dma_wait3A_199 = arith.constant 0 : i32
      %dma_wait3A_200 = tpu.memref_slice %arg3[%dma_wait3A_198, %dma_wait3A_199] : memref<10240x128xf32, #tpu.memory_space<hbm>> -> memref<10240x128xf32, #tpu.memory_space<hbm>>
      tpu.wait_indirect_dma semaphore(%arg17 : memref<!tpu.dma_semaphore, #tpu.memory_space<semaphore_mem>>) src(%dma_wait3A_200 : memref<10240x128xf32, #tpu.memory_space<hbm>>) dst(%arg10 : memref<128x128xf32, #tpu.memory_space<vmem>>)
      %dma_start3A_201 = arith.constant 1 : i32
      %dma_start3A_202 = arith.constant 0 : i32
      %dma_start3A_203 = tpu.memref_slice %arg8[%dma_start3A_201, %dma_start3A_202] : memref<2x128xi32, #tpu.memory_space<vmem>> -> memref<1x128xi32, #tpu.memory_space<vmem>>
      %dma_start3A_204 = tpu.memref_squeeze %dma_start3A_203 : memref<1x128xi32, #tpu.memory_space<vmem>> -> memref<128xi32, #tpu.memory_space<vmem>>
      %dma_start3A_205 = arith.constant 0 : i32
      %dma_start3A_206 = arith.constant 0 : i32
      %dma_start3A_207 = tpu.memref_slice %arg12[%dma_start3A_205, %dma_start3A_206] : memref<10240x128xf32, #tpu.memory_space<vmem_shared>> -> memref<10240x128xf32, #tpu.memory_space<vmem_shared>>
      tpu.enqueue_indirect_dma source(%arg10 : memref<128x128xf32, #tpu.memory_space<vmem>>) target(%dma_start3A_207 : memref<10240x128xf32, #tpu.memory_space<vmem_shared>>) offsets(%dma_start3A_204 : memref<128xi32, #tpu.memory_space<vmem>>) semaphore(%arg19 : memref<!tpu.dma_semaphore, #tpu.memory_space<semaphore_mem>>) {add = true}
      %dma_wait3A_208 = arith.constant 1 : i32
      %dma_wait3A_209 = arith.constant 0 : i32
      %dma_wait3A_210 = tpu.memref_slice %arg7[%dma_wait3A_208, %dma_wait3A_209] : memref<2x128xi32, #tpu.memory_space<vmem>> -> memref<1x128xi32, #tpu.memory_space<vmem>>
      %dma_wait3A_211 = tpu.memref_squeeze %dma_wait3A_210 : memref<1x128xi32, #tpu.memory_space<vmem>> -> memref<128xi32, #tpu.memory_space<vmem>>
      %dma_wait3A_212 = arith.constant 0 : i32
      %dma_wait3A_213 = arith.constant 0 : i32
      %dma_wait3A_214 = tpu.memref_slice %arg12[%dma_wait3A_212, %dma_wait3A_213] : memref<10240x128xf32, #tpu.memory_space<vmem_shared>> -> memref<10240x128xf32, #tpu.memory_space<vmem_shared>>
      tpu.wait_indirect_dma semaphore(%arg20 : memref<!tpu.dma_semaphore, #tpu.memory_space<semaphore_mem>>) src(%arg11 : memref<128x128xf32, #tpu.memory_space<vmem>>) dst(%dma_wait3A_214 : memref<10240x128xf32, #tpu.memory_space<vmem_shared>>)
      %add3A_215 = arith.constant 2 : i32
      %add3A_216 = arith.addi %add3A_193, %add3A_215 : i32
      %mul3A_217 = arith.constant 32 : i32
      %mul3A_218 = arith.muli %mul3A_217, %add3A_216 : i32
      %add3A_219 = arith.addi %add3A, %mul3A_218 : i32
      %mul3A_220 = arith.constant 2 : i32
      %mul3A_221 = arith.muli %mul3A_220, %add3A_219 : i32
      %dma_start3A_222 = arith.constant 0 : i32
      %dma_start3A_223 = tpu.memref_slice %arg2[%mul3A_221, %dma_start3A_222] : memref<5120x128xi32, #tpu.memory_space<hbm>> -> memref<2x128xi32, #tpu.memory_space<hbm>>
      %dma_start3A_224 = arith.constant 0 : i32
      %dma_start3A_225 = tpu.memref_slice %arg2[%mul3A_221, %dma_start3A_224] : memref<5120x128xi32, #tpu.memory_space<hbm>> -> memref<2x128xi32, #tpu.memory_space<hbm>>
      tpu.enqueue_dma source(%dma_start3A_225 : memref<2x128xi32, #tpu.memory_space<hbm>>) target(%arg6 : memref<2x128xi32, #tpu.memory_space<vmem>>) target_semaphore(%arg13 : memref<!tpu.dma_semaphore, #tpu.memory_space<semaphore_mem>>)
      %add3A_226 = arith.constant 1 : i32
      %add3A_227 = arith.addi %add3A_193, %add3A_226 : i32
      %mul3A_228 = arith.constant 32 : i32
      %mul3A_229 = arith.muli %mul3A_228, %add3A_227 : i32
      %add3A_230 = arith.addi %add3A, %mul3A_229 : i32
      %mul3A_231 = arith.constant 2 : i32
      %mul3A_232 = arith.muli %mul3A_231, %add3A_230 : i32
      %dma_wait3A_233 = arith.constant 0 : i32
      %dma_wait3A_234 = tpu.memref_slice %arg2[%mul3A_232, %dma_wait3A_233] : memref<5120x128xi32, #tpu.memory_space<hbm>> -> memref<2x128xi32, #tpu.memory_space<hbm>>
      %dma_wait3A_235 = arith.constant 0 : i32
      %dma_wait3A_236 = tpu.memref_slice %arg2[%mul3A_232, %dma_wait3A_235] : memref<5120x128xi32, #tpu.memory_space<hbm>> -> memref<2x128xi32, #tpu.memory_space<hbm>>
      tpu.wait_dma2 semaphore(%arg16 : memref<!tpu.dma_semaphore, #tpu.memory_space<semaphore_mem>>) src(%dma_wait3A_236 : memref<2x128xi32, #tpu.memory_space<hbm>>) dst(%arg9 : memref<2x128xi32, #tpu.memory_space<vmem>>)
      %dma_start3A_237 = arith.constant 0 : i32
      %dma_start3A_238 = arith.constant 0 : i32
      %dma_start3A_239 = tpu.memref_slice %arg9[%dma_start3A_237, %dma_start3A_238] : memref<2x128xi32, #tpu.memory_space<vmem>> -> memref<1x128xi32, #tpu.memory_space<vmem>>
      %dma_start3A_240 = tpu.memref_squeeze %dma_start3A_239 : memref<1x128xi32, #tpu.memory_space<vmem>> -> memref<128xi32, #tpu.memory_space<vmem>>
      %dma_start3A_241 = arith.constant 0 : i32
      %dma_start3A_242 = arith.constant 0 : i32
      %dma_start3A_243 = tpu.memref_slice %arg3[%dma_start3A_241, %dma_start3A_242] : memref<10240x128xf32, #tpu.memory_space<hbm>> -> memref<10240x128xf32, #tpu.memory_space<hbm>>
      tpu.enqueue_indirect_dma source(%dma_start3A_243 : memref<10240x128xf32, #tpu.memory_space<hbm>>) target(%arg11 : memref<128x128xf32, #tpu.memory_space<vmem>>) offsets(%dma_start3A_240 : memref<128xi32, #tpu.memory_space<vmem>>) semaphore(%arg18 : memref<!tpu.dma_semaphore, #tpu.memory_space<semaphore_mem>>)
      %mul3A_244 = arith.constant 4 : i32
      %mul3A_245 = arith.muli %mul3A_244, %scan3A_187 : i32
      %add3A_246 = arith.constant 2 : i32
      %add3A_247 = arith.addi %add3A_246, %mul3A_245 : i32
      %add3A_248 = arith.constant 1 : i32
      %add3A_249 = arith.addi %add3A_247, %add3A_248 : i32
      %dma_wait3A_250 = arith.constant 0 : i32
      %dma_wait3A_251 = arith.constant 0 : i32
      %dma_wait3A_252 = tpu.memref_slice %arg9[%dma_wait3A_250, %dma_wait3A_251] : memref<2x128xi32, #tpu.memory_space<vmem>> -> memref<1x128xi32, #tpu.memory_space<vmem>>
      %dma_wait3A_253 = tpu.memref_squeeze %dma_wait3A_252 : memref<1x128xi32, #tpu.memory_space<vmem>> -> memref<128xi32, #tpu.memory_space<vmem>>
      %dma_wait3A_254 = arith.constant 0 : i32
      %dma_wait3A_255 = arith.constant 0 : i32
      %dma_wait3A_256 = tpu.memref_slice %arg3[%dma_wait3A_254, %dma_wait3A_255] : memref<10240x128xf32, #tpu.memory_space<hbm>> -> memref<10240x128xf32, #tpu.memory_space<hbm>>
      tpu.wait_indirect_dma semaphore(%arg18 : memref<!tpu.dma_semaphore, #tpu.memory_space<semaphore_mem>>) src(%dma_wait3A_256 : memref<10240x128xf32, #tpu.memory_space<hbm>>) dst(%arg11 : memref<128x128xf32, #tpu.memory_space<vmem>>)
      %dma_start3A_257 = arith.constant 1 : i32
      %dma_start3A_258 = arith.constant 0 : i32
      %dma_start3A_259 = tpu.memref_slice %arg9[%dma_start3A_257, %dma_start3A_258] : memref<2x128xi32, #tpu.memory_space<vmem>> -> memref<1x128xi32, #tpu.memory_space<vmem>>
      %dma_start3A_260 = tpu.memref_squeeze %dma_start3A_259 : memref<1x128xi32, #tpu.memory_space<vmem>> -> memref<128xi32, #tpu.memory_space<vmem>>
      %dma_start3A_261 = arith.constant 0 : i32
      %dma_start3A_262 = arith.constant 0 : i32
      %dma_start3A_263 = tpu.memref_slice %arg12[%dma_start3A_261, %dma_start3A_262] : memref<10240x128xf32, #tpu.memory_space<vmem_shared>> -> memref<10240x128xf32, #tpu.memory_space<vmem_shared>>
      tpu.enqueue_indirect_dma source(%arg11 : memref<128x128xf32, #tpu.memory_space<vmem>>) target(%dma_start3A_263 : memref<10240x128xf32, #tpu.memory_space<vmem_shared>>) offsets(%dma_start3A_260 : memref<128xi32, #tpu.memory_space<vmem>>) semaphore(%arg20 : memref<!tpu.dma_semaphore, #tpu.memory_space<semaphore_mem>>) {add = true}
      %dma_wait3A_264 = arith.constant 1 : i32
      %dma_wait3A_265 = arith.constant 0 : i32
      %dma_wait3A_266 = tpu.memref_slice %arg8[%dma_wait3A_264, %dma_wait3A_265] : memref<2x128xi32, #tpu.memory_space<vmem>> -> memref<1x128xi32, #tpu.memory_space<vmem>>
      %dma_wait3A_267 = tpu.memref_squeeze %dma_wait3A_266 : memref<1x128xi32, #tpu.memory_space<vmem>> -> memref<128xi32, #tpu.memory_space<vmem>>
      %dma_wait3A_268 = arith.constant 0 : i32
      %dma_wait3A_269 = arith.constant 0 : i32
      %dma_wait3A_270 = tpu.memref_slice %arg12[%dma_wait3A_268, %dma_wait3A_269] : memref<10240x128xf32, #tpu.memory_space<vmem_shared>> -> memref<10240x128xf32, #tpu.memory_space<vmem_shared>>
      tpu.wait_indirect_dma semaphore(%arg19 : memref<!tpu.dma_semaphore, #tpu.memory_space<semaphore_mem>>) src(%arg10 : memref<128x128xf32, #tpu.memory_space<vmem>>) dst(%dma_wait3A_270 : memref<10240x128xf32, #tpu.memory_space<vmem_shared>>)
      %add3A_271 = arith.constant 2 : i32
      %add3A_272 = arith.addi %add3A_249, %add3A_271 : i32
      %mul3A_273 = arith.constant 32 : i32
      %mul3A_274 = arith.muli %mul3A_273, %add3A_272 : i32
      %add3A_275 = arith.addi %add3A, %mul3A_274 : i32
      %mul3A_276 = arith.constant 2 : i32
      %mul3A_277 = arith.muli %mul3A_276, %add3A_275 : i32
      %dma_start3A_278 = arith.constant 0 : i32
      %dma_start3A_279 = tpu.memref_slice %arg2[%mul3A_277, %dma_start3A_278] : memref<5120x128xi32, #tpu.memory_space<hbm>> -> memref<2x128xi32, #tpu.memory_space<hbm>>
      %dma_start3A_280 = arith.constant 0 : i32
      %dma_start3A_281 = tpu.memref_slice %arg2[%mul3A_277, %dma_start3A_280] : memref<5120x128xi32, #tpu.memory_space<hbm>> -> memref<2x128xi32, #tpu.memory_space<hbm>>
      tpu.enqueue_dma source(%dma_start3A_281 : memref<2x128xi32, #tpu.memory_space<hbm>>) target(%arg7 : memref<2x128xi32, #tpu.memory_space<vmem>>) target_semaphore(%arg14 : memref<!tpu.dma_semaphore, #tpu.memory_space<semaphore_mem>>)
      %add3A_282 = arith.constant 1 : i32
      %add3A_283 = arith.addi %add3A_249, %add3A_282 : i32
      %mul3A_284 = arith.constant 32 : i32
      %mul3A_285 = arith.muli %mul3A_284, %add3A_283 : i32
      %add3A_286 = arith.addi %add3A, %mul3A_285 : i32
      %mul3A_287 = arith.constant 2 : i32
      %mul3A_288 = arith.muli %mul3A_287, %add3A_286 : i32
      %dma_wait3A_289 = arith.constant 0 : i32
      %dma_wait3A_290 = tpu.memref_slice %arg2[%mul3A_288, %dma_wait3A_289] : memref<5120x128xi32, #tpu.memory_space<hbm>> -> memref<2x128xi32, #tpu.memory_space<hbm>>
      %dma_wait3A_291 = arith.constant 0 : i32
      %dma_wait3A_292 = tpu.memref_slice %arg2[%mul3A_288, %dma_wait3A_291] : memref<5120x128xi32, #tpu.memory_space<hbm>> -> memref<2x128xi32, #tpu.memory_space<hbm>>
      tpu.wait_dma2 semaphore(%arg13 : memref<!tpu.dma_semaphore, #tpu.memory_space<semaphore_mem>>) src(%dma_wait3A_292 : memref<2x128xi32, #tpu.memory_space<hbm>>) dst(%arg6 : memref<2x128xi32, #tpu.memory_space<vmem>>)
      %dma_start3A_293 = arith.constant 0 : i32
      %dma_start3A_294 = arith.constant 0 : i32
      %dma_start3A_295 = tpu.memref_slice %arg6[%dma_start3A_293, %dma_start3A_294] : memref<2x128xi32, #tpu.memory_space<vmem>> -> memref<1x128xi32, #tpu.memory_space<vmem>>
      %dma_start3A_296 = tpu.memref_squeeze %dma_start3A_295 : memref<1x128xi32, #tpu.memory_space<vmem>> -> memref<128xi32, #tpu.memory_space<vmem>>
      %dma_start3A_297 = arith.constant 0 : i32
      %dma_start3A_298 = arith.constant 0 : i32
      %dma_start3A_299 = tpu.memref_slice %arg3[%dma_start3A_297, %dma_start3A_298] : memref<10240x128xf32, #tpu.memory_space<hbm>> -> memref<10240x128xf32, #tpu.memory_space<hbm>>
      tpu.enqueue_indirect_dma source(%dma_start3A_299 : memref<10240x128xf32, #tpu.memory_space<hbm>>) target(%arg10 : memref<128x128xf32, #tpu.memory_space<vmem>>) offsets(%dma_start3A_296 : memref<128xi32, #tpu.memory_space<vmem>>) semaphore(%arg17 : memref<!tpu.dma_semaphore, #tpu.memory_space<semaphore_mem>>)
      %mul3A_300 = arith.constant 4 : i32
      %mul3A_301 = arith.muli %mul3A_300, %scan3A_187 : i32
      %add3A_302 = arith.constant 2 : i32
      %add3A_303 = arith.addi %add3A_302, %mul3A_301 : i32
      %add3A_304 = arith.constant 2 : i32
      %add3A_305 = arith.addi %add3A_303, %add3A_304 : i32
      %dma_wait3A_306 = arith.constant 0 : i32
      %dma_wait3A_307 = arith.constant 0 : i32
      %dma_wait3A_308 = tpu.memref_slice %arg6[%dma_wait3A_306, %dma_wait3A_307] : memref<2x128xi32, #tpu.memory_space<vmem>> -> memref<1x128xi32, #tpu.memory_space<vmem>>
      %dma_wait3A_309 = tpu.memref_squeeze %dma_wait3A_308 : memref<1x128xi32, #tpu.memory_space<vmem>> -> memref<128xi32, #tpu.memory_space<vmem>>
      %dma_wait3A_310 = arith.constant 0 : i32
      %dma_wait3A_311 = arith.constant 0 : i32
      %dma_wait3A_312 = tpu.memref_slice %arg3[%dma_wait3A_310, %dma_wait3A_311] : memref<10240x128xf32, #tpu.memory_space<hbm>> -> memref<10240x128xf32, #tpu.memory_space<hbm>>
      tpu.wait_indirect_dma semaphore(%arg17 : memref<!tpu.dma_semaphore, #tpu.memory_space<semaphore_mem>>) src(%dma_wait3A_312 : memref<10240x128xf32, #tpu.memory_space<hbm>>) dst(%arg10 : memref<128x128xf32, #tpu.memory_space<vmem>>)
      %dma_start3A_313 = arith.constant 1 : i32
      %dma_start3A_314 = arith.constant 0 : i32
      %dma_start3A_315 = tpu.memref_slice %arg6[%dma_start3A_313, %dma_start3A_314] : memref<2x128xi32, #tpu.memory_space<vmem>> -> memref<1x128xi32, #tpu.memory_space<vmem>>
      %dma_start3A_316 = tpu.memref_squeeze %dma_start3A_315 : memref<1x128xi32, #tpu.memory_space<vmem>> -> memref<128xi32, #tpu.memory_space<vmem>>
      %dma_start3A_317 = arith.constant 0 : i32
      %dma_start3A_318 = arith.constant 0 : i32
      %dma_start3A_319 = tpu.memref_slice %arg12[%dma_start3A_317, %dma_start3A_318] : memref<10240x128xf32, #tpu.memory_space<vmem_shared>> -> memref<10240x128xf32, #tpu.memory_space<vmem_shared>>
      tpu.enqueue_indirect_dma source(%arg10 : memref<128x128xf32, #tpu.memory_space<vmem>>) target(%dma_start3A_319 : memref<10240x128xf32, #tpu.memory_space<vmem_shared>>) offsets(%dma_start3A_316 : memref<128xi32, #tpu.memory_space<vmem>>) semaphore(%arg19 : memref<!tpu.dma_semaphore, #tpu.memory_space<semaphore_mem>>) {add = true}
      %dma_wait3A_320 = arith.constant 1 : i32
      %dma_wait3A_321 = arith.constant 0 : i32
      %dma_wait3A_322 = tpu.memref_slice %arg9[%dma_wait3A_320, %dma_wait3A_321] : memref<2x128xi32, #tpu.memory_space<vmem>> -> memref<1x128xi32, #tpu.memory_space<vmem>>
      %dma_wait3A_323 = tpu.memref_squeeze %dma_wait3A_322 : memref<1x128xi32, #tpu.memory_space<vmem>> -> memref<128xi32, #tpu.memory_space<vmem>>
      %dma_wait3A_324 = arith.constant 0 : i32
      %dma_wait3A_325 = arith.constant 0 : i32
      %dma_wait3A_326 = tpu.memref_slice %arg12[%dma_wait3A_324, %dma_wait3A_325] : memref<10240x128xf32, #tpu.memory_space<vmem_shared>> -> memref<10240x128xf32, #tpu.memory_space<vmem_shared>>
      tpu.wait_indirect_dma semaphore(%arg20 : memref<!tpu.dma_semaphore, #tpu.memory_space<semaphore_mem>>) src(%arg11 : memref<128x128xf32, #tpu.memory_space<vmem>>) dst(%dma_wait3A_326 : memref<10240x128xf32, #tpu.memory_space<vmem_shared>>)
      %add3A_327 = arith.constant 2 : i32
      %add3A_328 = arith.addi %add3A_305, %add3A_327 : i32
      %mul3A_329 = arith.constant 32 : i32
      %mul3A_330 = arith.muli %mul3A_329, %add3A_328 : i32
      %add3A_331 = arith.addi %add3A, %mul3A_330 : i32
      %mul3A_332 = arith.constant 2 : i32
      %mul3A_333 = arith.muli %mul3A_332, %add3A_331 : i32
      %dma_start3A_334 = arith.constant 0 : i32
      %dma_start3A_335 = tpu.memref_slice %arg2[%mul3A_333, %dma_start3A_334] : memref<5120x128xi32, #tpu.memory_space<hbm>> -> memref<2x128xi32, #tpu.memory_space<hbm>>
      %dma_start3A_336 = arith.constant 0 : i32
      %dma_start3A_337 = tpu.memref_slice %arg2[%mul3A_333, %dma_start3A_336] : memref<5120x128xi32, #tpu.memory_space<hbm>> -> memref<2x128xi32, #tpu.memory_space<hbm>>
      tpu.enqueue_dma source(%dma_start3A_337 : memref<2x128xi32, #tpu.memory_space<hbm>>) target(%arg8 : memref<2x128xi32, #tpu.memory_space<vmem>>) target_semaphore(%arg15 : memref<!tpu.dma_semaphore, #tpu.memory_space<semaphore_mem>>)
      %add3A_338 = arith.constant 1 : i32
      %add3A_339 = arith.addi %add3A_305, %add3A_338 : i32
      %mul3A_340 = arith.constant 32 : i32
      %mul3A_341 = arith.muli %mul3A_340, %add3A_339 : i32
      %add3A_342 = arith.addi %add3A, %mul3A_341 : i32
      %mul3A_343 = arith.constant 2 : i32
      %mul3A_344 = arith.muli %mul3A_343, %add3A_342 : i32
      %dma_wait3A_345 = arith.constant 0 : i32
      %dma_wait3A_346 = tpu.memref_slice %arg2[%mul3A_344, %dma_wait3A_345] : memref<5120x128xi32, #tpu.memory_space<hbm>> -> memref<2x128xi32, #tpu.memory_space<hbm>>
      %dma_wait3A_347 = arith.constant 0 : i32
      %dma_wait3A_348 = tpu.memref_slice %arg2[%mul3A_344, %dma_wait3A_347] : memref<5120x128xi32, #tpu.memory_space<hbm>> -> memref<2x128xi32, #tpu.memory_space<hbm>>
      tpu.wait_dma2 semaphore(%arg14 : memref<!tpu.dma_semaphore, #tpu.memory_space<semaphore_mem>>) src(%dma_wait3A_348 : memref<2x128xi32, #tpu.memory_space<hbm>>) dst(%arg7 : memref<2x128xi32, #tpu.memory_space<vmem>>)
      %dma_start3A_349 = arith.constant 0 : i32
      %dma_start3A_350 = arith.constant 0 : i32
      %dma_start3A_351 = tpu.memref_slice %arg7[%dma_start3A_349, %dma_start3A_350] : memref<2x128xi32, #tpu.memory_space<vmem>> -> memref<1x128xi32, #tpu.memory_space<vmem>>
      %dma_start3A_352 = tpu.memref_squeeze %dma_start3A_351 : memref<1x128xi32, #tpu.memory_space<vmem>> -> memref<128xi32, #tpu.memory_space<vmem>>
      %dma_start3A_353 = arith.constant 0 : i32
      %dma_start3A_354 = arith.constant 0 : i32
      %dma_start3A_355 = tpu.memref_slice %arg3[%dma_start3A_353, %dma_start3A_354] : memref<10240x128xf32, #tpu.memory_space<hbm>> -> memref<10240x128xf32, #tpu.memory_space<hbm>>
      tpu.enqueue_indirect_dma source(%dma_start3A_355 : memref<10240x128xf32, #tpu.memory_space<hbm>>) target(%arg11 : memref<128x128xf32, #tpu.memory_space<vmem>>) offsets(%dma_start3A_352 : memref<128xi32, #tpu.memory_space<vmem>>) semaphore(%arg18 : memref<!tpu.dma_semaphore, #tpu.memory_space<semaphore_mem>>)
      %mul3A_356 = arith.constant 4 : i32
      %mul3A_357 = arith.muli %mul3A_356, %scan3A_187 : i32
      %add3A_358 = arith.constant 2 : i32
      %add3A_359 = arith.addi %add3A_358, %mul3A_357 : i32
      %add3A_360 = arith.constant 3 : i32
      %add3A_361 = arith.addi %add3A_359, %add3A_360 : i32
      %dma_wait3A_362 = arith.constant 0 : i32
      %dma_wait3A_363 = arith.constant 0 : i32
      %dma_wait3A_364 = tpu.memref_slice %arg7[%dma_wait3A_362, %dma_wait3A_363] : memref<2x128xi32, #tpu.memory_space<vmem>> -> memref<1x128xi32, #tpu.memory_space<vmem>>
      %dma_wait3A_365 = tpu.memref_squeeze %dma_wait3A_364 : memref<1x128xi32, #tpu.memory_space<vmem>> -> memref<128xi32, #tpu.memory_space<vmem>>
      %dma_wait3A_366 = arith.constant 0 : i32
      %dma_wait3A_367 = arith.constant 0 : i32
      %dma_wait3A_368 = tpu.memref_slice %arg3[%dma_wait3A_366, %dma_wait3A_367] : memref<10240x128xf32, #tpu.memory_space<hbm>> -> memref<10240x128xf32, #tpu.memory_space<hbm>>
      tpu.wait_indirect_dma semaphore(%arg18 : memref<!tpu.dma_semaphore, #tpu.memory_space<semaphore_mem>>) src(%dma_wait3A_368 : memref<10240x128xf32, #tpu.memory_space<hbm>>) dst(%arg11 : memref<128x128xf32, #tpu.memory_space<vmem>>)
      %dma_start3A_369 = arith.constant 1 : i32
      %dma_start3A_370 = arith.constant 0 : i32
      %dma_start3A_371 = tpu.memref_slice %arg7[%dma_start3A_369, %dma_start3A_370] : memref<2x128xi32, #tpu.memory_space<vmem>> -> memref<1x128xi32, #tpu.memory_space<vmem>>
      %dma_start3A_372 = tpu.memref_squeeze %dma_start3A_371 : memref<1x128xi32, #tpu.memory_space<vmem>> -> memref<128xi32, #tpu.memory_space<vmem>>
      %dma_start3A_373 = arith.constant 0 : i32
      %dma_start3A_374 = arith.constant 0 : i32
      %dma_start3A_375 = tpu.memref_slice %arg12[%dma_start3A_373, %dma_start3A_374] : memref<10240x128xf32, #tpu.memory_space<vmem_shared>> -> memref<10240x128xf32, #tpu.memory_space<vmem_shared>>
      tpu.enqueue_indirect_dma source(%arg11 : memref<128x128xf32, #tpu.memory_space<vmem>>) target(%dma_start3A_375 : memref<10240x128xf32, #tpu.memory_space<vmem_shared>>) offsets(%dma_start3A_372 : memref<128xi32, #tpu.memory_space<vmem>>) semaphore(%arg20 : memref<!tpu.dma_semaphore, #tpu.memory_space<semaphore_mem>>) {add = true}
      %dma_wait3A_376 = arith.constant 1 : i32
      %dma_wait3A_377 = arith.constant 0 : i32
      %dma_wait3A_378 = tpu.memref_slice %arg6[%dma_wait3A_376, %dma_wait3A_377] : memref<2x128xi32, #tpu.memory_space<vmem>> -> memref<1x128xi32, #tpu.memory_space<vmem>>
      %dma_wait3A_379 = tpu.memref_squeeze %dma_wait3A_378 : memref<1x128xi32, #tpu.memory_space<vmem>> -> memref<128xi32, #tpu.memory_space<vmem>>
      %dma_wait3A_380 = arith.constant 0 : i32
      %dma_wait3A_381 = arith.constant 0 : i32
      %dma_wait3A_382 = tpu.memref_slice %arg12[%dma_wait3A_380, %dma_wait3A_381] : memref<10240x128xf32, #tpu.memory_space<vmem_shared>> -> memref<10240x128xf32, #tpu.memory_space<vmem_shared>>
      tpu.wait_indirect_dma semaphore(%arg19 : memref<!tpu.dma_semaphore, #tpu.memory_space<semaphore_mem>>) src(%arg10 : memref<128x128xf32, #tpu.memory_space<vmem>>) dst(%dma_wait3A_382 : memref<10240x128xf32, #tpu.memory_space<vmem_shared>>)
      %add3A_383 = arith.constant 2 : i32
      %add3A_384 = arith.addi %add3A_361, %add3A_383 : i32
      %mul3A_385 = arith.constant 32 : i32
      %mul3A_386 = arith.muli %mul3A_385, %add3A_384 : i32
      %add3A_387 = arith.addi %add3A, %mul3A_386 : i32
      %mul3A_388 = arith.constant 2 : i32
      %mul3A_389 = arith.muli %mul3A_388, %add3A_387 : i32
      %dma_start3A_390 = arith.constant 0 : i32
      %dma_start3A_391 = tpu.memref_slice %arg2[%mul3A_389, %dma_start3A_390] : memref<5120x128xi32, #tpu.memory_space<hbm>> -> memref<2x128xi32, #tpu.memory_space<hbm>>
      %dma_start3A_392 = arith.constant 0 : i32
      %dma_start3A_393 = tpu.memref_slice %arg2[%mul3A_389, %dma_start3A_392] : memref<5120x128xi32, #tpu.memory_space<hbm>> -> memref<2x128xi32, #tpu.memory_space<hbm>>
      tpu.enqueue_dma source(%dma_start3A_393 : memref<2x128xi32, #tpu.memory_space<hbm>>) target(%arg9 : memref<2x128xi32, #tpu.memory_space<vmem>>) target_semaphore(%arg16 : memref<!tpu.dma_semaphore, #tpu.memory_space<semaphore_mem>>)
      %add3A_394 = arith.constant 1 : i32
      %add3A_395 = arith.addi %add3A_361, %add3A_394 : i32
      %mul3A_396 = arith.constant 32 : i32
      %mul3A_397 = arith.muli %mul3A_396, %add3A_395 : i32
      %add3A_398 = arith.addi %add3A, %mul3A_397 : i32
      %mul3A_399 = arith.constant 2 : i32
      %mul3A_400 = arith.muli %mul3A_399, %add3A_398 : i32
      %dma_wait3A_401 = arith.constant 0 : i32
      %dma_wait3A_402 = tpu.memref_slice %arg2[%mul3A_400, %dma_wait3A_401] : memref<5120x128xi32, #tpu.memory_space<hbm>> -> memref<2x128xi32, #tpu.memory_space<hbm>>
      %dma_wait3A_403 = arith.constant 0 : i32
      %dma_wait3A_404 = tpu.memref_slice %arg2[%mul3A_400, %dma_wait3A_403] : memref<5120x128xi32, #tpu.memory_space<hbm>> -> memref<2x128xi32, #tpu.memory_space<hbm>>
      tpu.wait_dma2 semaphore(%arg15 : memref<!tpu.dma_semaphore, #tpu.memory_space<semaphore_mem>>) src(%dma_wait3A_404 : memref<2x128xi32, #tpu.memory_space<hbm>>) dst(%arg8 : memref<2x128xi32, #tpu.memory_space<vmem>>)
      %dma_start3A_405 = arith.constant 0 : i32
      %dma_start3A_406 = arith.constant 0 : i32
      %dma_start3A_407 = tpu.memref_slice %arg8[%dma_start3A_405, %dma_start3A_406] : memref<2x128xi32, #tpu.memory_space<vmem>> -> memref<1x128xi32, #tpu.memory_space<vmem>>
      %dma_start3A_408 = tpu.memref_squeeze %dma_start3A_407 : memref<1x128xi32, #tpu.memory_space<vmem>> -> memref<128xi32, #tpu.memory_space<vmem>>
      %dma_start3A_409 = arith.constant 0 : i32
      %dma_start3A_410 = arith.constant 0 : i32
      %dma_start3A_411 = tpu.memref_slice %arg3[%dma_start3A_409, %dma_start3A_410] : memref<10240x128xf32, #tpu.memory_space<hbm>> -> memref<10240x128xf32, #tpu.memory_space<hbm>>
      tpu.enqueue_indirect_dma source(%dma_start3A_411 : memref<10240x128xf32, #tpu.memory_space<hbm>>) target(%arg10 : memref<128x128xf32, #tpu.memory_space<vmem>>) offsets(%dma_start3A_408 : memref<128xi32, #tpu.memory_space<vmem>>) semaphore(%arg17 : memref<!tpu.dma_semaphore, #tpu.memory_space<semaphore_mem>>)
    }
    %scan3A_119 = arith.constant 19 : i32
    %dma_wait3A_120 = arith.constant 0 : i32
    %dma_wait3A_121 = arith.constant 0 : i32
    %dma_wait3A_122 = tpu.memref_slice %arg8[%dma_wait3A_120, %dma_wait3A_121] : memref<2x128xi32, #tpu.memory_space<vmem>> -> memref<1x128xi32, #tpu.memory_space<vmem>>
    %dma_wait3A_123 = tpu.memref_squeeze %dma_wait3A_122 : memref<1x128xi32, #tpu.memory_space<vmem>> -> memref<128xi32, #tpu.memory_space<vmem>>
    %dma_wait3A_124 = arith.constant 0 : i32
    %dma_wait3A_125 = arith.constant 0 : i32
    %dma_wait3A_126 = tpu.memref_slice %arg3[%dma_wait3A_124, %dma_wait3A_125] : memref<10240x128xf32, #tpu.memory_space<hbm>> -> memref<10240x128xf32, #tpu.memory_space<hbm>>
    tpu.wait_indirect_dma semaphore(%arg17 : memref<!tpu.dma_semaphore, #tpu.memory_space<semaphore_mem>>) src(%dma_wait3A_126 : memref<10240x128xf32, #tpu.memory_space<hbm>>) dst(%arg10 : memref<128x128xf32, #tpu.memory_space<vmem>>)
    %dma_start3A_127 = arith.constant 1 : i32
    %dma_start3A_128 = arith.constant 0 : i32
    %dma_start3A_129 = tpu.memref_slice %arg8[%dma_start3A_127, %dma_start3A_128] : memref<2x128xi32, #tpu.memory_space<vmem>> -> memref<1x128xi32, #tpu.memory_space<vmem>>
    %dma_start3A_130 = tpu.memref_squeeze %dma_start3A_129 : memref<1x128xi32, #tpu.memory_space<vmem>> -> memref<128xi32, #tpu.memory_space<vmem>>
    %dma_start3A_131 = arith.constant 0 : i32
    %dma_start3A_132 = arith.constant 0 : i32
    %dma_start3A_133 = tpu.memref_slice %arg12[%dma_start3A_131, %dma_start3A_132] : memref<10240x128xf32, #tpu.memory_space<vmem_shared>> -> memref<10240x128xf32, #tpu.memory_space<vmem_shared>>
    tpu.enqueue_indirect_dma source(%arg10 : memref<128x128xf32, #tpu.memory_space<vmem>>) target(%dma_start3A_133 : memref<10240x128xf32, #tpu.memory_space<vmem_shared>>) offsets(%dma_start3A_130 : memref<128xi32, #tpu.memory_space<vmem>>) semaphore(%arg19 : memref<!tpu.dma_semaphore, #tpu.memory_space<semaphore_mem>>) {add = true}
    %dma_wait3A_134 = arith.constant 1 : i32
    %dma_wait3A_135 = arith.constant 0 : i32
    %dma_wait3A_136 = tpu.memref_slice %arg7[%dma_wait3A_134, %dma_wait3A_135] : memref<2x128xi32, #tpu.memory_space<vmem>> -> memref<1x128xi32, #tpu.memory_space<vmem>>
    %dma_wait3A_137 = tpu.memref_squeeze %dma_wait3A_136 : memref<1x128xi32, #tpu.memory_space<vmem>> -> memref<128xi32, #tpu.memory_space<vmem>>
    %dma_wait3A_138 = arith.constant 0 : i32
    %dma_wait3A_139 = arith.constant 0 : i32
    %dma_wait3A_140 = tpu.memref_slice %arg12[%dma_wait3A_138, %dma_wait3A_139] : memref<10240x128xf32, #tpu.memory_space<vmem_shared>> -> memref<10240x128xf32, #tpu.memory_space<vmem_shared>>
    tpu.wait_indirect_dma semaphore(%arg20 : memref<!tpu.dma_semaphore, #tpu.memory_space<semaphore_mem>>) src(%arg11 : memref<128x128xf32, #tpu.memory_space<vmem>>) dst(%dma_wait3A_140 : memref<10240x128xf32, #tpu.memory_space<vmem_shared>>)
    %add3A_141 = arith.constant 2528 : i32
    %add3A_142 = arith.addi %add3A, %add3A_141 : i32
    %mul3A_143 = arith.constant 2 : i32
    %mul3A_144 = arith.muli %mul3A_143, %add3A_142 : i32
    %dma_wait3A_145 = arith.constant 0 : i32
    %dma_wait3A_146 = tpu.memref_slice %arg2[%mul3A_144, %dma_wait3A_145] : memref<5120x128xi32, #tpu.memory_space<hbm>> -> memref<2x128xi32, #tpu.memory_space<hbm>>
    %dma_wait3A_147 = arith.constant 0 : i32
    %dma_wait3A_148 = tpu.memref_slice %arg2[%mul3A_144, %dma_wait3A_147] : memref<5120x128xi32, #tpu.memory_space<hbm>> -> memref<2x128xi32, #tpu.memory_space<hbm>>
    tpu.wait_dma2 semaphore(%arg16 : memref<!tpu.dma_semaphore, #tpu.memory_space<semaphore_mem>>) src(%dma_wait3A_148 : memref<2x128xi32, #tpu.memory_space<hbm>>) dst(%arg9 : memref<2x128xi32, #tpu.memory_space<vmem>>)
    %dma_start3A_149 = arith.constant 0 : i32
    %dma_start3A_150 = arith.constant 0 : i32
    %dma_start3A_151 = tpu.memref_slice %arg9[%dma_start3A_149, %dma_start3A_150] : memref<2x128xi32, #tpu.memory_space<vmem>> -> memref<1x128xi32, #tpu.memory_space<vmem>>
    %dma_start3A_152 = tpu.memref_squeeze %dma_start3A_151 : memref<1x128xi32, #tpu.memory_space<vmem>> -> memref<128xi32, #tpu.memory_space<vmem>>
    %dma_start3A_153 = arith.constant 0 : i32
    %dma_start3A_154 = arith.constant 0 : i32
    %dma_start3A_155 = tpu.memref_slice %arg3[%dma_start3A_153, %dma_start3A_154] : memref<10240x128xf32, #tpu.memory_space<hbm>> -> memref<10240x128xf32, #tpu.memory_space<hbm>>
    tpu.enqueue_indirect_dma source(%dma_start3A_155 : memref<10240x128xf32, #tpu.memory_space<hbm>>) target(%arg11 : memref<128x128xf32, #tpu.memory_space<vmem>>) offsets(%dma_start3A_152 : memref<128xi32, #tpu.memory_space<vmem>>) semaphore(%arg18 : memref<!tpu.dma_semaphore, #tpu.memory_space<semaphore_mem>>)
    %dma_wait3A_156 = arith.constant 0 : i32
    %dma_wait3A_157 = arith.constant 0 : i32
    %dma_wait3A_158 = tpu.memref_slice %arg9[%dma_wait3A_156, %dma_wait3A_157] : memref<2x128xi32, #tpu.memory_space<vmem>> -> memref<1x128xi32, #tpu.memory_space<vmem>>
    %dma_wait3A_159 = tpu.memref_squeeze %dma_wait3A_158 : memref<1x128xi32, #tpu.memory_space<vmem>> -> memref<128xi32, #tpu.memory_space<vmem>>
    %dma_wait3A_160 = arith.constant 0 : i32
    %dma_wait3A_161 = arith.constant 0 : i32
    %dma_wait3A_162 = tpu.memref_slice %arg3[%dma_wait3A_160, %dma_wait3A_161] : memref<10240x128xf32, #tpu.memory_space<hbm>> -> memref<10240x128xf32, #tpu.memory_space<hbm>>
    tpu.wait_indirect_dma semaphore(%arg18 : memref<!tpu.dma_semaphore, #tpu.memory_space<semaphore_mem>>) src(%dma_wait3A_162 : memref<10240x128xf32, #tpu.memory_space<hbm>>) dst(%arg11 : memref<128x128xf32, #tpu.memory_space<vmem>>)
    %dma_start3A_163 = arith.constant 1 : i32
    %dma_start3A_164 = arith.constant 0 : i32
    %dma_start3A_165 = tpu.memref_slice %arg9[%dma_start3A_163, %dma_start3A_164] : memref<2x128xi32, #tpu.memory_space<vmem>> -> memref<1x128xi32, #tpu.memory_space<vmem>>
    %dma_start3A_166 = tpu.memref_squeeze %dma_start3A_165 : memref<1x128xi32, #tpu.memory_space<vmem>> -> memref<128xi32, #tpu.memory_space<vmem>>
    %dma_start3A_167 = arith.constant 0 : i32
    %dma_start3A_168 = arith.constant 0 : i32
    %dma_start3A_169 = tpu.memref_slice %arg12[%dma_start3A_167, %dma_start3A_168] : memref<10240x128xf32, #tpu.memory_space<vmem_shared>> -> memref<10240x128xf32, #tpu.memory_space<vmem_shared>>
    tpu.enqueue_indirect_dma source(%arg11 : memref<128x128xf32, #tpu.memory_space<vmem>>) target(%dma_start3A_169 : memref<10240x128xf32, #tpu.memory_space<vmem_shared>>) offsets(%dma_start3A_166 : memref<128xi32, #tpu.memory_space<vmem>>) semaphore(%arg20 : memref<!tpu.dma_semaphore, #tpu.memory_space<semaphore_mem>>) {add = true}
    %dma_wait3A_170 = arith.constant 1 : i32
    %dma_wait3A_171 = arith.constant 0 : i32
    %dma_wait3A_172 = tpu.memref_slice %arg8[%dma_wait3A_170, %dma_wait3A_171] : memref<2x128xi32, #tpu.memory_space<vmem>> -> memref<1x128xi32, #tpu.memory_space<vmem>>
    %dma_wait3A_173 = tpu.memref_squeeze %dma_wait3A_172 : memref<1x128xi32, #tpu.memory_space<vmem>> -> memref<128xi32, #tpu.memory_space<vmem>>
    %dma_wait3A_174 = arith.constant 0 : i32
    %dma_wait3A_175 = arith.constant 0 : i32
    %dma_wait3A_176 = tpu.memref_slice %arg12[%dma_wait3A_174, %dma_wait3A_175] : memref<10240x128xf32, #tpu.memory_space<vmem_shared>> -> memref<10240x128xf32, #tpu.memory_space<vmem_shared>>
    tpu.wait_indirect_dma semaphore(%arg19 : memref<!tpu.dma_semaphore, #tpu.memory_space<semaphore_mem>>) src(%arg10 : memref<128x128xf32, #tpu.memory_space<vmem>>) dst(%dma_wait3A_176 : memref<10240x128xf32, #tpu.memory_space<vmem_shared>>)
    %dma_wait3A_177 = arith.constant 1 : i32
    %dma_wait3A_178 = arith.constant 0 : i32
    %dma_wait3A_179 = tpu.memref_slice %arg9[%dma_wait3A_177, %dma_wait3A_178] : memref<2x128xi32, #tpu.memory_space<vmem>> -> memref<1x128xi32, #tpu.memory_space<vmem>>
    %dma_wait3A_180 = tpu.memref_squeeze %dma_wait3A_179 : memref<1x128xi32, #tpu.memory_space<vmem>> -> memref<128xi32, #tpu.memory_space<vmem>>
    %dma_wait3A_181 = arith.constant 0 : i32
    %dma_wait3A_182 = arith.constant 0 : i32
    %dma_wait3A_183 = tpu.memref_slice %arg12[%dma_wait3A_181, %dma_wait3A_182] : memref<10240x128xf32, #tpu.memory_space<vmem_shared>> -> memref<10240x128xf32, #tpu.memory_space<vmem_shared>>
    tpu.wait_indirect_dma semaphore(%arg20 : memref<!tpu.dma_semaphore, #tpu.memory_space<semaphore_mem>>) src(%arg11 : memref<128x128xf32, #tpu.memory_space<vmem>>) dst(%dma_wait3A_183 : memref<10240x128xf32, #tpu.memory_space<vmem_shared>>)
    %barrier3A_184 = arith.constant 0 : index
    tpu.barrier barrier_id(%barrier3A_184)
    %mul3A_185 = arith.constant 640 : i32
    %mul3A_186 = arith.muli %arg1, %mul3A_185 : i32
    "tpu.region"() ({
      %run_scoped3A = tpu.sem_alloc : memref<!tpu.dma_semaphore, #tpu.memory_space<semaphore_mem>>
      %dma_start3A_187 = arith.constant 0 : i32
      %dma_start3A_188 = arith.constant 0 : i32
      %dma_start3A_189 = tpu.memref_slice %arg5[%arg0, %arg1, %dma_start3A_187, %dma_start3A_188] : memref<2x16x640x128xf32, #tpu.memory_space<hbm>> -> memref<1x1x640x128xf32, #tpu.memory_space<hbm>>
      %dma_start3A_190 = tpu.memref_squeeze %dma_start3A_189 : memref<1x1x640x128xf32, #tpu.memory_space<hbm>> -> memref<640x128xf32, #tpu.memory_space<hbm>>
      %dma_start3A_191 = arith.constant 0 : i32
      %dma_start3A_192 = tpu.memref_slice %arg12[%mul3A_186, %dma_start3A_191] : memref<10240x128xf32, #tpu.memory_space<vmem_shared>> -> memref<640x128xf32, #tpu.memory_space<vmem_shared>>
      tpu.enqueue_dma source(%dma_start3A_192 : memref<640x128xf32, #tpu.memory_space<vmem_shared>>) target(%dma_start3A_190 : memref<640x128xf32, #tpu.memory_space<hbm>>) target_semaphore(%run_scoped3A : memref<!tpu.dma_semaphore, #tpu.memory_space<semaphore_mem>>)
      %dma_wait3A_193 = arith.constant 0 : i32
      %dma_wait3A_194 = arith.constant 0 : i32
      %dma_wait3A_195 = tpu.memref_slice %arg5[%arg0, %arg1, %dma_wait3A_193, %dma_wait3A_194] : memref<2x16x640x128xf32, #tpu.memory_space<hbm>> -> memref<1x1x640x128xf32, #tpu.memory_space<hbm>>
      %dma_wait3A_196 = tpu.memref_squeeze %dma_wait3A_195 : memref<1x1x640x128xf32, #tpu.memory_space<hbm>> -> memref<640x128xf32, #tpu.memory_space<hbm>>
      %dma_wait3A_197 = arith.constant 0 : i32
      %dma_wait3A_198 = tpu.memref_slice %arg12[%mul3A_186, %dma_wait3A_197] : memref<10240x128xf32, #tpu.memory_space<vmem_shared>> -> memref<640x128xf32, #tpu.memory_space<vmem_shared>>
      tpu.wait_dma2 semaphore(%run_scoped3A : memref<!tpu.dma_semaphore, #tpu.memory_space<semaphore_mem>>) src(%dma_wait3A_198 : memref<640x128xf32, #tpu.memory_space<vmem_shared>>) dst(%dma_wait3A_196 : memref<640x128xf32, #tpu.memory_space<hbm>>)
      tpu.yield
    }) : () -> ()
    return
  }
}

#map = affine_map<(d0, d1) -> (0, 0)>
#map1 = affine_map<(d0, d1) -> (0)>
#map2 = affine_map<(d0, d1) -> (0, 0, 0)>
module attributes {stable_mosaic.version = 14 : i64} {
  func.func @_sc_degree(%arg0: i32, %arg1: i32, %arg2: memref<5120x128xi32, #tpu.memory_space<hbm>>, %arg3: memref<1x128xf32, #tpu.memory_space<hbm>>, %arg4: memref<10240xf32, #tpu.memory_space<hbm>>, %arg5: memref<2x16x640xf32, #tpu.memory_space<hbm>>, %arg6: memref<160x128xi32, #tpu.memory_space<vmem>>, %arg7: memref<1x128xf32, #tpu.memory_space<vmem>>, %arg8: memref<10240xf32, #tpu.memory_space<vmem_shared>>, %arg9: memref<!tpu.dma_semaphore, #tpu.memory_space<semaphore_mem>>) attributes {dimension_semantics = [#tpu.dimension_semantics<core_parallel>, #tpu.dimension_semantics<subcore_parallel>], iteration_bounds = array<i64: 2, 16>, scalar_prefetch = 0 : i64, scratch_operands = 4 : i64, tpu.core_type = #tpu.core_type<sc_vector_subcore>, window_params = [{transform_indices = #map}, {transform_indices = #map}, {transform_indices = #map1}, {transform_indices = #map2}]} {
    %mul3A = arith.constant 1280 : i32
    %mul3A_0 = arith.muli %arg0, %mul3A : i32
    %mul3A_1 = arith.constant 80 : i32
    %mul3A_2 = arith.muli %arg1, %mul3A_1 : i32
    %add3A = arith.addi %mul3A_0, %mul3A_2 : i32
    %mul3A_3 = arith.constant 2 : i32
    %mul3A_4 = arith.muli %mul3A_3, %add3A : i32
    "tpu.region"() ({
      %run_scoped3A = tpu.sem_alloc : memref<!tpu.dma_semaphore, #tpu.memory_space<semaphore_mem>>
      %dma_start3A = arith.constant 0 : i32
      %dma_start3A_23 = tpu.memref_slice %arg2[%mul3A_4, %dma_start3A] : memref<5120x128xi32, #tpu.memory_space<hbm>> -> memref<160x128xi32, #tpu.memory_space<hbm>>
      %dma_start3A_24 = arith.constant 0 : i32
      %dma_start3A_25 = tpu.memref_slice %arg2[%mul3A_4, %dma_start3A_24] : memref<5120x128xi32, #tpu.memory_space<hbm>> -> memref<160x128xi32, #tpu.memory_space<hbm>>
      tpu.enqueue_dma source(%dma_start3A_25 : memref<160x128xi32, #tpu.memory_space<hbm>>) target(%arg6 : memref<160x128xi32, #tpu.memory_space<vmem>>) target_semaphore(%run_scoped3A : memref<!tpu.dma_semaphore, #tpu.memory_space<semaphore_mem>>)
      %dma_wait3A = arith.constant 0 : i32
      %dma_wait3A_26 = tpu.memref_slice %arg2[%mul3A_4, %dma_wait3A] : memref<5120x128xi32, #tpu.memory_space<hbm>> -> memref<160x128xi32, #tpu.memory_space<hbm>>
      %dma_wait3A_27 = arith.constant 0 : i32
      %dma_wait3A_28 = tpu.memref_slice %arg2[%mul3A_4, %dma_wait3A_27] : memref<5120x128xi32, #tpu.memory_space<hbm>> -> memref<160x128xi32, #tpu.memory_space<hbm>>
      tpu.wait_dma2 semaphore(%run_scoped3A : memref<!tpu.dma_semaphore, #tpu.memory_space<semaphore_mem>>) src(%dma_wait3A_28 : memref<160x128xi32, #tpu.memory_space<hbm>>) dst(%arg6 : memref<160x128xi32, #tpu.memory_space<vmem>>)
      tpu.yield
    }) : () -> ()
    "tpu.region"() ({
      %run_scoped3A = tpu.sem_alloc : memref<!tpu.dma_semaphore, #tpu.memory_space<semaphore_mem>>
      tpu.enqueue_dma source(%arg3 : memref<1x128xf32, #tpu.memory_space<hbm>>) target(%arg7 : memref<1x128xf32, #tpu.memory_space<vmem>>) target_semaphore(%run_scoped3A : memref<!tpu.dma_semaphore, #tpu.memory_space<semaphore_mem>>)
      tpu.wait_dma2 semaphore(%run_scoped3A : memref<!tpu.dma_semaphore, #tpu.memory_space<semaphore_mem>>) src(%arg3 : memref<1x128xf32, #tpu.memory_space<hbm>>) dst(%arg7 : memref<1x128xf32, #tpu.memory_space<vmem>>)
      tpu.yield
    }) : () -> ()
    %mul3A_5 = arith.constant 640 : i32
    %mul3A_6 = arith.muli %arg1, %mul3A_5 : i32
    %mul3A_7 = arith.constant 640 : i32
    %mul3A_8 = arith.muli %arg1, %mul3A_7 : i32
    "tpu.region"() ({
      %run_scoped3A = tpu.sem_alloc : memref<!tpu.dma_semaphore, #tpu.memory_space<semaphore_mem>>
      %dma_start3A = tpu.memref_slice %arg8[%mul3A_8] : memref<10240xf32, #tpu.memory_space<vmem_shared>> -> memref<640xf32, #tpu.memory_space<vmem_shared>>
      %dma_start3A_23 = tpu.memref_slice %arg4[%mul3A_6] : memref<10240xf32, #tpu.memory_space<hbm>> -> memref<640xf32, #tpu.memory_space<hbm>>
      tpu.enqueue_dma source(%dma_start3A_23 : memref<640xf32, #tpu.memory_space<hbm>>) target(%dma_start3A : memref<640xf32, #tpu.memory_space<vmem_shared>>) target_semaphore(%run_scoped3A : memref<!tpu.dma_semaphore, #tpu.memory_space<semaphore_mem>>)
      %dma_wait3A = tpu.memref_slice %arg8[%mul3A_8] : memref<10240xf32, #tpu.memory_space<vmem_shared>> -> memref<640xf32, #tpu.memory_space<vmem_shared>>
      %dma_wait3A_24 = tpu.memref_slice %arg4[%mul3A_6] : memref<10240xf32, #tpu.memory_space<hbm>> -> memref<640xf32, #tpu.memory_space<hbm>>
      tpu.wait_dma2 semaphore(%run_scoped3A : memref<!tpu.dma_semaphore, #tpu.memory_space<semaphore_mem>>) src(%dma_wait3A_24 : memref<640xf32, #tpu.memory_space<hbm>>) dst(%dma_wait3A : memref<640xf32, #tpu.memory_space<vmem_shared>>)
      tpu.yield
    }) : () -> ()
    %barrier3A = arith.constant 0 : index
    tpu.barrier barrier_id(%barrier3A)
    %scan3A = arith.constant 0 : i32
    %scan3A_9 = arith.constant 0 : i32
    %scan3A_10 = arith.constant 80 : i32
    %scan3A_11 = arith.addi %scan3A_9, %scan3A_10 : i32
    %scan3A_12 = arith.constant 1 : i32
    scf.for %scan3A_23 = %scan3A_9 to %scan3A_11 step %scan3A_12  : i32 {
      %mul3A_24 = arith.constant 2 : i32
      %mul3A_25 = arith.muli %mul3A_24, %scan3A_23 : i32
      %add3A_26 = arith.constant 1 : i32
      %add3A_27 = arith.addi %mul3A_25, %add3A_26 : i32
      %dma_start3A = arith.constant 0 : i32
      %dma_start3A_28 = arith.constant 0 : i32
      %dma_start3A_29 = tpu.memref_slice %arg7[%dma_start3A, %dma_start3A_28] : memref<1x128xf32, #tpu.memory_space<vmem>> -> memref<1x128xf32, #tpu.memory_space<vmem>>
      %dma_start3A_30 = tpu.memref_squeeze %dma_start3A_29 : memref<1x128xf32, #tpu.memory_space<vmem>> -> memref<128xf32, #tpu.memory_space<vmem>>
      %dma_start3A_31 = arith.constant 0 : i32
      %dma_start3A_32 = tpu.memref_slice %arg6[%add3A_27, %dma_start3A_31] : memref<160x128xi32, #tpu.memory_space<vmem>> -> memref<1x128xi32, #tpu.memory_space<vmem>>
      %dma_start3A_33 = tpu.memref_squeeze %dma_start3A_32 : memref<1x128xi32, #tpu.memory_space<vmem>> -> memref<128xi32, #tpu.memory_space<vmem>>
      %dma_start3A_34 = arith.constant 0 : i32
      %dma_start3A_35 = tpu.memref_slice %arg8[%dma_start3A_34] : memref<10240xf32, #tpu.memory_space<vmem_shared>> -> memref<10240xf32, #tpu.memory_space<vmem_shared>>
      tpu.enqueue_indirect_dma source(%dma_start3A_30 : memref<128xf32, #tpu.memory_space<vmem>>) target(%dma_start3A_35 : memref<10240xf32, #tpu.memory_space<vmem_shared>>) offsets(%dma_start3A_33 : memref<128xi32, #tpu.memory_space<vmem>>) semaphore(%arg9 : memref<!tpu.dma_semaphore, #tpu.memory_space<semaphore_mem>>) {add = true}
    }
    %scan3A_13 = arith.constant 80 : i32
    %scan3A_14 = arith.constant 0 : i32
    %scan3A_15 = arith.constant 0 : i32
    %scan3A_16 = arith.constant 80 : i32
    %scan3A_17 = arith.addi %scan3A_15, %scan3A_16 : i32
    %scan3A_18 = arith.constant 1 : i32
    scf.for %scan3A_23 = %scan3A_15 to %scan3A_17 step %scan3A_18  : i32 {
      %mul3A_24 = arith.constant 2 : i32
      %mul3A_25 = arith.muli %mul3A_24, %scan3A_23 : i32
      %add3A_26 = arith.constant 1 : i32
      %add3A_27 = arith.addi %mul3A_25, %add3A_26 : i32
      %dma_wait3A = arith.constant 0 : i32
      %dma_wait3A_28 = arith.constant 0 : i32
      %dma_wait3A_29 = tpu.memref_slice %arg7[%dma_wait3A, %dma_wait3A_28] : memref<1x128xf32, #tpu.memory_space<vmem>> -> memref<1x128xf32, #tpu.memory_space<vmem>>
      %dma_wait3A_30 = tpu.memref_squeeze %dma_wait3A_29 : memref<1x128xf32, #tpu.memory_space<vmem>> -> memref<128xf32, #tpu.memory_space<vmem>>
      %dma_wait3A_31 = arith.constant 0 : i32
      %dma_wait3A_32 = tpu.memref_slice %arg6[%add3A_27, %dma_wait3A_31] : memref<160x128xi32, #tpu.memory_space<vmem>> -> memref<1x128xi32, #tpu.memory_space<vmem>>
      %dma_wait3A_33 = tpu.memref_squeeze %dma_wait3A_32 : memref<1x128xi32, #tpu.memory_space<vmem>> -> memref<128xi32, #tpu.memory_space<vmem>>
      %dma_wait3A_34 = arith.constant 0 : i32
      %dma_wait3A_35 = tpu.memref_slice %arg8[%dma_wait3A_34] : memref<10240xf32, #tpu.memory_space<vmem_shared>> -> memref<10240xf32, #tpu.memory_space<vmem_shared>>
      tpu.wait_indirect_dma semaphore(%arg9 : memref<!tpu.dma_semaphore, #tpu.memory_space<semaphore_mem>>) src(%dma_wait3A_30 : memref<128xf32, #tpu.memory_space<vmem>>) dst(%dma_wait3A_35 : memref<10240xf32, #tpu.memory_space<vmem_shared>>)
    }
    %scan3A_19 = arith.constant 80 : i32
    %barrier3A_20 = arith.constant 0 : index
    tpu.barrier barrier_id(%barrier3A_20)
    %mul3A_21 = arith.constant 640 : i32
    %mul3A_22 = arith.muli %arg1, %mul3A_21 : i32
    "tpu.region"() ({
      %run_scoped3A = tpu.sem_alloc : memref<!tpu.dma_semaphore, #tpu.memory_space<semaphore_mem>>
      %dma_start3A = arith.constant 0 : i32
      %dma_start3A_23 = tpu.memref_slice %arg5[%arg0, %arg1, %dma_start3A] : memref<2x16x640xf32, #tpu.memory_space<hbm>> -> memref<1x1x640xf32, #tpu.memory_space<hbm>>
      %dma_start3A_24 = tpu.memref_squeeze %dma_start3A_23 : memref<1x1x640xf32, #tpu.memory_space<hbm>> -> memref<640xf32, #tpu.memory_space<hbm>>
      %dma_start3A_25 = tpu.memref_slice %arg8[%mul3A_22] : memref<10240xf32, #tpu.memory_space<vmem_shared>> -> memref<640xf32, #tpu.memory_space<vmem_shared>>
      tpu.enqueue_dma source(%dma_start3A_25 : memref<640xf32, #tpu.memory_space<vmem_shared>>) target(%dma_start3A_24 : memref<640xf32, #tpu.memory_space<hbm>>) target_semaphore(%run_scoped3A : memref<!tpu.dma_semaphore, #tpu.memory_space<semaphore_mem>>)
      %dma_wait3A = arith.constant 0 : i32
      %dma_wait3A_26 = tpu.memref_slice %arg5[%arg0, %arg1, %dma_wait3A] : memref<2x16x640xf32, #tpu.memory_space<hbm>> -> memref<1x1x640xf32, #tpu.memory_space<hbm>>
      %dma_wait3A_27 = tpu.memref_squeeze %dma_wait3A_26 : memref<1x1x640xf32, #tpu.memory_space<hbm>> -> memref<640xf32, #tpu.memory_space<hbm>>
      %dma_wait3A_28 = tpu.memref_slice %arg8[%mul3A_22] : memref<10240xf32, #tpu.memory_space<vmem_shared>> -> memref<640xf32, #tpu.memory_space<vmem_shared>>
      tpu.wait_dma2 semaphore(%run_scoped3A : memref<!tpu.dma_semaphore, #tpu.memory_space<semaphore_mem>>) src(%dma_wait3A_28 : memref<640xf32, #tpu.memory_space<vmem_shared>>) dst(%dma_wait3A_27 : memref<640xf32, #tpu.memory_space<hbm>>)
      tpu.yield
    }) : () -> ()
    return
  }
}

#map = affine_map<(d0, d1) -> (0, 0)>
#map1 = affine_map<(d0, d1) -> (0, 0, 0, 0)>
module attributes {stable_mosaic.version = 14 : i64} {
  func.func @_sc_aggregate(%arg0: i32, %arg1: i32, %arg2: memref<5120x128xi32, #tpu.memory_space<hbm>>, %arg3: memref<10240x128xf32, #tpu.memory_space<hbm>>, %arg4: memref<10240x128xf32, #tpu.memory_space<hbm>>, %arg5: memref<2x16x640x128xf32, #tpu.memory_space<hbm>>, %arg6: memref<2x128xi32, #tpu.memory_space<vmem>>, %arg7: memref<2x128xi32, #tpu.memory_space<vmem>>, %arg8: memref<2x128xi32, #tpu.memory_space<vmem>>, %arg9: memref<2x128xi32, #tpu.memory_space<vmem>>, %arg10: memref<128x128xf32, #tpu.memory_space<vmem>>, %arg11: memref<128x128xf32, #tpu.memory_space<vmem>>, %arg12: memref<10240x128xf32, #tpu.memory_space<vmem_shared>>, %arg13: memref<!tpu.dma_semaphore, #tpu.memory_space<semaphore_mem>>, %arg14: memref<!tpu.dma_semaphore, #tpu.memory_space<semaphore_mem>>, %arg15: memref<!tpu.dma_semaphore, #tpu.memory_space<semaphore_mem>>, %arg16: memref<!tpu.dma_semaphore, #tpu.memory_space<semaphore_mem>>, %arg17: memref<!tpu.dma_semaphore, #tpu.memory_space<semaphore_mem>>, %arg18: memref<!tpu.dma_semaphore, #tpu.memory_space<semaphore_mem>>, %arg19: memref<!tpu.dma_semaphore, #tpu.memory_space<semaphore_mem>>, %arg20: memref<!tpu.dma_semaphore, #tpu.memory_space<semaphore_mem>>) attributes {dimension_semantics = [#tpu.dimension_semantics<core_parallel>, #tpu.dimension_semantics<subcore_parallel>], iteration_bounds = array<i64: 2, 16>, scalar_prefetch = 0 : i64, scratch_operands = 15 : i64, tpu.core_type = #tpu.core_type<sc_vector_subcore>, window_params = [{transform_indices = #map}, {transform_indices = #map}, {transform_indices = #map}, {transform_indices = #map1}]} {
    %mul3A = arith.constant 16 : i32
    %mul3A_0 = arith.muli %arg0, %mul3A : i32
    %add3A = arith.addi %mul3A_0, %arg1 : i32
    %add3A_1 = arith.constant 0 : i32
    %add3A_2 = arith.addi %add3A, %add3A_1 : i32
    %mul3A_3 = arith.constant 2 : i32
    %mul3A_4 = arith.muli %mul3A_3, %add3A_2 : i32
    %dma_start3A = arith.constant 0 : i32
    %dma_start3A_5 = tpu.memref_slice %arg2[%mul3A_4, %dma_start3A] : memref<5120x128xi32, #tpu.memory_space<hbm>> -> memref<2x128xi32, #tpu.memory_space<hbm>>
    %dma_start3A_6 = arith.constant 0 : i32
    %dma_start3A_7 = tpu.memref_slice %arg2[%mul3A_4, %dma_start3A_6] : memref<5120x128xi32, #tpu.memory_space<hbm>> -> memref<2x128xi32, #tpu.memory_space<hbm>>
    tpu.enqueue_dma source(%dma_start3A_7 : memref<2x128xi32, #tpu.memory_space<hbm>>) target(%arg6 : memref<2x128xi32, #tpu.memory_space<vmem>>) target_semaphore(%arg13 : memref<!tpu.dma_semaphore, #tpu.memory_space<semaphore_mem>>)
    %add3A_8 = arith.constant 32 : i32
    %add3A_9 = arith.addi %add3A, %add3A_8 : i32
    %mul3A_10 = arith.constant 2 : i32
    %mul3A_11 = arith.muli %mul3A_10, %add3A_9 : i32
    %dma_start3A_12 = arith.constant 0 : i32
    %dma_start3A_13 = tpu.memref_slice %arg2[%mul3A_11, %dma_start3A_12] : memref<5120x128xi32, #tpu.memory_space<hbm>> -> memref<2x128xi32, #tpu.memory_space<hbm>>
    %dma_start3A_14 = arith.constant 0 : i32
    %dma_start3A_15 = tpu.memref_slice %arg2[%mul3A_11, %dma_start3A_14] : memref<5120x128xi32, #tpu.memory_space<hbm>> -> memref<2x128xi32, #tpu.memory_space<hbm>>
    tpu.enqueue_dma source(%dma_start3A_15 : memref<2x128xi32, #tpu.memory_space<hbm>>) target(%arg7 : memref<2x128xi32, #tpu.memory_space<vmem>>) target_semaphore(%arg14 : memref<!tpu.dma_semaphore, #tpu.memory_space<semaphore_mem>>)
    %mul3A_16 = arith.constant 640 : i32
    %mul3A_17 = arith.muli %arg1, %mul3A_16 : i32
    %mul3A_18 = arith.constant 640 : i32
    %mul3A_19 = arith.muli %arg1, %mul3A_18 : i32
    "tpu.region"() ({
      %run_scoped3A = tpu.sem_alloc : memref<!tpu.dma_semaphore, #tpu.memory_space<semaphore_mem>>
      %dma_start3A_187 = arith.constant 0 : i32
      %dma_start3A_188 = tpu.memref_slice %arg12[%mul3A_19, %dma_start3A_187] : memref<10240x128xf32, #tpu.memory_space<vmem_shared>> -> memref<640x128xf32, #tpu.memory_space<vmem_shared>>
      %dma_start3A_189 = arith.constant 0 : i32
      %dma_start3A_190 = tpu.memref_slice %arg4[%mul3A_17, %dma_start3A_189] : memref<10240x128xf32, #tpu.memory_space<hbm>> -> memref<640x128xf32, #tpu.memory_space<hbm>>
      tpu.enqueue_dma source(%dma_start3A_190 : memref<640x128xf32, #tpu.memory_space<hbm>>) target(%dma_start3A_188 : memref<640x128xf32, #tpu.memory_space<vmem_shared>>) target_semaphore(%run_scoped3A : memref<!tpu.dma_semaphore, #tpu.memory_space<semaphore_mem>>)
      %dma_wait3A_191 = arith.constant 0 : i32
      %dma_wait3A_192 = tpu.memref_slice %arg12[%mul3A_19, %dma_wait3A_191] : memref<10240x128xf32, #tpu.memory_space<vmem_shared>> -> memref<640x128xf32, #tpu.memory_space<vmem_shared>>
      %dma_wait3A_193 = arith.constant 0 : i32
      %dma_wait3A_194 = tpu.memref_slice %arg4[%mul3A_17, %dma_wait3A_193] : memref<10240x128xf32, #tpu.memory_space<hbm>> -> memref<640x128xf32, #tpu.memory_space<hbm>>
      tpu.wait_dma2 semaphore(%run_scoped3A : memref<!tpu.dma_semaphore, #tpu.memory_space<semaphore_mem>>) src(%dma_wait3A_194 : memref<640x128xf32, #tpu.memory_space<hbm>>) dst(%dma_wait3A_192 : memref<640x128xf32, #tpu.memory_space<vmem_shared>>)
      tpu.yield
    }) : () -> ()
    %add3A_20 = arith.constant 0 : i32
    %add3A_21 = arith.addi %add3A, %add3A_20 : i32
    %mul3A_22 = arith.constant 2 : i32
    %mul3A_23 = arith.muli %mul3A_22, %add3A_21 : i32
    %dma_wait3A = arith.constant 0 : i32
    %dma_wait3A_24 = tpu.memref_slice %arg2[%mul3A_23, %dma_wait3A] : memref<5120x128xi32, #tpu.memory_space<hbm>> -> memref<2x128xi32, #tpu.memory_space<hbm>>
    %dma_wait3A_25 = arith.constant 0 : i32
    %dma_wait3A_26 = tpu.memref_slice %arg2[%mul3A_23, %dma_wait3A_25] : memref<5120x128xi32, #tpu.memory_space<hbm>> -> memref<2x128xi32, #tpu.memory_space<hbm>>
    tpu.wait_dma2 semaphore(%arg13 : memref<!tpu.dma_semaphore, #tpu.memory_space<semaphore_mem>>) src(%dma_wait3A_26 : memref<2x128xi32, #tpu.memory_space<hbm>>) dst(%arg6 : memref<2x128xi32, #tpu.memory_space<vmem>>)
    %dma_start3A_27 = arith.constant 0 : i32
    %dma_start3A_28 = arith.constant 0 : i32
    %dma_start3A_29 = tpu.memref_slice %arg6[%dma_start3A_27, %dma_start3A_28] : memref<2x128xi32, #tpu.memory_space<vmem>> -> memref<1x128xi32, #tpu.memory_space<vmem>>
    %dma_start3A_30 = tpu.memref_squeeze %dma_start3A_29 : memref<1x128xi32, #tpu.memory_space<vmem>> -> memref<128xi32, #tpu.memory_space<vmem>>
    %dma_start3A_31 = arith.constant 0 : i32
    %dma_start3A_32 = arith.constant 0 : i32
    %dma_start3A_33 = tpu.memref_slice %arg3[%dma_start3A_31, %dma_start3A_32] : memref<10240x128xf32, #tpu.memory_space<hbm>> -> memref<10240x128xf32, #tpu.memory_space<hbm>>
    tpu.enqueue_indirect_dma source(%dma_start3A_33 : memref<10240x128xf32, #tpu.memory_space<hbm>>) target(%arg10 : memref<128x128xf32, #tpu.memory_space<vmem>>) offsets(%dma_start3A_30 : memref<128xi32, #tpu.memory_space<vmem>>) semaphore(%arg17 : memref<!tpu.dma_semaphore, #tpu.memory_space<semaphore_mem>>)
    %barrier3A = arith.constant 0 : index
    tpu.barrier barrier_id(%barrier3A)
    %dma_wait3A_34 = arith.constant 0 : i32
    %dma_wait3A_35 = arith.constant 0 : i32
    %dma_wait3A_36 = tpu.memref_slice %arg6[%dma_wait3A_34, %dma_wait3A_35] : memref<2x128xi32, #tpu.memory_space<vmem>> -> memref<1x128xi32, #tpu.memory_space<vmem>>
    %dma_wait3A_37 = tpu.memref_squeeze %dma_wait3A_36 : memref<1x128xi32, #tpu.memory_space<vmem>> -> memref<128xi32, #tpu.memory_space<vmem>>
    %dma_wait3A_38 = arith.constant 0 : i32
    %dma_wait3A_39 = arith.constant 0 : i32
    %dma_wait3A_40 = tpu.memref_slice %arg3[%dma_wait3A_38, %dma_wait3A_39] : memref<10240x128xf32, #tpu.memory_space<hbm>> -> memref<10240x128xf32, #tpu.memory_space<hbm>>
    tpu.wait_indirect_dma semaphore(%arg17 : memref<!tpu.dma_semaphore, #tpu.memory_space<semaphore_mem>>) src(%dma_wait3A_40 : memref<10240x128xf32, #tpu.memory_space<hbm>>) dst(%arg10 : memref<128x128xf32, #tpu.memory_space<vmem>>)
    %dma_start3A_41 = arith.constant 1 : i32
    %dma_start3A_42 = arith.constant 0 : i32
    %dma_start3A_43 = tpu.memref_slice %arg6[%dma_start3A_41, %dma_start3A_42] : memref<2x128xi32, #tpu.memory_space<vmem>> -> memref<1x128xi32, #tpu.memory_space<vmem>>
    %dma_start3A_44 = tpu.memref_squeeze %dma_start3A_43 : memref<1x128xi32, #tpu.memory_space<vmem>> -> memref<128xi32, #tpu.memory_space<vmem>>
    %dma_start3A_45 = arith.constant 0 : i32
    %dma_start3A_46 = arith.constant 0 : i32
    %dma_start3A_47 = tpu.memref_slice %arg12[%dma_start3A_45, %dma_start3A_46] : memref<10240x128xf32, #tpu.memory_space<vmem_shared>> -> memref<10240x128xf32, #tpu.memory_space<vmem_shared>>
    tpu.enqueue_indirect_dma source(%arg10 : memref<128x128xf32, #tpu.memory_space<vmem>>) target(%dma_start3A_47 : memref<10240x128xf32, #tpu.memory_space<vmem_shared>>) offsets(%dma_start3A_44 : memref<128xi32, #tpu.memory_space<vmem>>) semaphore(%arg19 : memref<!tpu.dma_semaphore, #tpu.memory_space<semaphore_mem>>) {add = true}
    %add3A_48 = arith.constant 64 : i32
    %add3A_49 = arith.addi %add3A, %add3A_48 : i32
    %mul3A_50 = arith.constant 2 : i32
    %mul3A_51 = arith.muli %mul3A_50, %add3A_49 : i32
    %dma_start3A_52 = arith.constant 0 : i32
    %dma_start3A_53 = tpu.memref_slice %arg2[%mul3A_51, %dma_start3A_52] : memref<5120x128xi32, #tpu.memory_space<hbm>> -> memref<2x128xi32, #tpu.memory_space<hbm>>
    %dma_start3A_54 = arith.constant 0 : i32
    %dma_start3A_55 = tpu.memref_slice %arg2[%mul3A_51, %dma_start3A_54] : memref<5120x128xi32, #tpu.memory_space<hbm>> -> memref<2x128xi32, #tpu.memory_space<hbm>>
    tpu.enqueue_dma source(%dma_start3A_55 : memref<2x128xi32, #tpu.memory_space<hbm>>) target(%arg8 : memref<2x128xi32, #tpu.memory_space<vmem>>) target_semaphore(%arg15 : memref<!tpu.dma_semaphore, #tpu.memory_space<semaphore_mem>>)
    %add3A_56 = arith.constant 32 : i32
    %add3A_57 = arith.addi %add3A, %add3A_56 : i32
    %mul3A_58 = arith.constant 2 : i32
    %mul3A_59 = arith.muli %mul3A_58, %add3A_57 : i32
    %dma_wait3A_60 = arith.constant 0 : i32
    %dma_wait3A_61 = tpu.memref_slice %arg2[%mul3A_59, %dma_wait3A_60] : memref<5120x128xi32, #tpu.memory_space<hbm>> -> memref<2x128xi32, #tpu.memory_space<hbm>>
    %dma_wait3A_62 = arith.constant 0 : i32
    %dma_wait3A_63 = tpu.memref_slice %arg2[%mul3A_59, %dma_wait3A_62] : memref<5120x128xi32, #tpu.memory_space<hbm>> -> memref<2x128xi32, #tpu.memory_space<hbm>>
    tpu.wait_dma2 semaphore(%arg14 : memref<!tpu.dma_semaphore, #tpu.memory_space<semaphore_mem>>) src(%dma_wait3A_63 : memref<2x128xi32, #tpu.memory_space<hbm>>) dst(%arg7 : memref<2x128xi32, #tpu.memory_space<vmem>>)
    %dma_start3A_64 = arith.constant 0 : i32
    %dma_start3A_65 = arith.constant 0 : i32
    %dma_start3A_66 = tpu.memref_slice %arg7[%dma_start3A_64, %dma_start3A_65] : memref<2x128xi32, #tpu.memory_space<vmem>> -> memref<1x128xi32, #tpu.memory_space<vmem>>
    %dma_start3A_67 = tpu.memref_squeeze %dma_start3A_66 : memref<1x128xi32, #tpu.memory_space<vmem>> -> memref<128xi32, #tpu.memory_space<vmem>>
    %dma_start3A_68 = arith.constant 0 : i32
    %dma_start3A_69 = arith.constant 0 : i32
    %dma_start3A_70 = tpu.memref_slice %arg3[%dma_start3A_68, %dma_start3A_69] : memref<10240x128xf32, #tpu.memory_space<hbm>> -> memref<10240x128xf32, #tpu.memory_space<hbm>>
    tpu.enqueue_indirect_dma source(%dma_start3A_70 : memref<10240x128xf32, #tpu.memory_space<hbm>>) target(%arg11 : memref<128x128xf32, #tpu.memory_space<vmem>>) offsets(%dma_start3A_67 : memref<128xi32, #tpu.memory_space<vmem>>) semaphore(%arg18 : memref<!tpu.dma_semaphore, #tpu.memory_space<semaphore_mem>>)
    %dma_wait3A_71 = arith.constant 0 : i32
    %dma_wait3A_72 = arith.constant 0 : i32
    %dma_wait3A_73 = tpu.memref_slice %arg7[%dma_wait3A_71, %dma_wait3A_72] : memref<2x128xi32, #tpu.memory_space<vmem>> -> memref<1x128xi32, #tpu.memory_space<vmem>>
    %dma_wait3A_74 = tpu.memref_squeeze %dma_wait3A_73 : memref<1x128xi32, #tpu.memory_space<vmem>> -> memref<128xi32, #tpu.memory_space<vmem>>
    %dma_wait3A_75 = arith.constant 0 : i32
    %dma_wait3A_76 = arith.constant 0 : i32
    %dma_wait3A_77 = tpu.memref_slice %arg3[%dma_wait3A_75, %dma_wait3A_76] : memref<10240x128xf32, #tpu.memory_space<hbm>> -> memref<10240x128xf32, #tpu.memory_space<hbm>>
    tpu.wait_indirect_dma semaphore(%arg18 : memref<!tpu.dma_semaphore, #tpu.memory_space<semaphore_mem>>) src(%dma_wait3A_77 : memref<10240x128xf32, #tpu.memory_space<hbm>>) dst(%arg11 : memref<128x128xf32, #tpu.memory_space<vmem>>)
    %dma_start3A_78 = arith.constant 1 : i32
    %dma_start3A_79 = arith.constant 0 : i32
    %dma_start3A_80 = tpu.memref_slice %arg7[%dma_start3A_78, %dma_start3A_79] : memref<2x128xi32, #tpu.memory_space<vmem>> -> memref<1x128xi32, #tpu.memory_space<vmem>>
    %dma_start3A_81 = tpu.memref_squeeze %dma_start3A_80 : memref<1x128xi32, #tpu.memory_space<vmem>> -> memref<128xi32, #tpu.memory_space<vmem>>
    %dma_start3A_82 = arith.constant 0 : i32
    %dma_start3A_83 = arith.constant 0 : i32
    %dma_start3A_84 = tpu.memref_slice %arg12[%dma_start3A_82, %dma_start3A_83] : memref<10240x128xf32, #tpu.memory_space<vmem_shared>> -> memref<10240x128xf32, #tpu.memory_space<vmem_shared>>
    tpu.enqueue_indirect_dma source(%arg11 : memref<128x128xf32, #tpu.memory_space<vmem>>) target(%dma_start3A_84 : memref<10240x128xf32, #tpu.memory_space<vmem_shared>>) offsets(%dma_start3A_81 : memref<128xi32, #tpu.memory_space<vmem>>) semaphore(%arg20 : memref<!tpu.dma_semaphore, #tpu.memory_space<semaphore_mem>>) {add = true}
    %dma_wait3A_85 = arith.constant 1 : i32
    %dma_wait3A_86 = arith.constant 0 : i32
    %dma_wait3A_87 = tpu.memref_slice %arg6[%dma_wait3A_85, %dma_wait3A_86] : memref<2x128xi32, #tpu.memory_space<vmem>> -> memref<1x128xi32, #tpu.memory_space<vmem>>
    %dma_wait3A_88 = tpu.memref_squeeze %dma_wait3A_87 : memref<1x128xi32, #tpu.memory_space<vmem>> -> memref<128xi32, #tpu.memory_space<vmem>>
    %dma_wait3A_89 = arith.constant 0 : i32
    %dma_wait3A_90 = arith.constant 0 : i32
    %dma_wait3A_91 = tpu.memref_slice %arg12[%dma_wait3A_89, %dma_wait3A_90] : memref<10240x128xf32, #tpu.memory_space<vmem_shared>> -> memref<10240x128xf32, #tpu.memory_space<vmem_shared>>
    tpu.wait_indirect_dma semaphore(%arg19 : memref<!tpu.dma_semaphore, #tpu.memory_space<semaphore_mem>>) src(%arg10 : memref<128x128xf32, #tpu.memory_space<vmem>>) dst(%dma_wait3A_91 : memref<10240x128xf32, #tpu.memory_space<vmem_shared>>)
    %add3A_92 = arith.constant 96 : i32
    %add3A_93 = arith.addi %add3A, %add3A_92 : i32
    %mul3A_94 = arith.constant 2 : i32
    %mul3A_95 = arith.muli %mul3A_94, %add3A_93 : i32
    %dma_start3A_96 = arith.constant 0 : i32
    %dma_start3A_97 = tpu.memref_slice %arg2[%mul3A_95, %dma_start3A_96] : memref<5120x128xi32, #tpu.memory_space<hbm>> -> memref<2x128xi32, #tpu.memory_space<hbm>>
    %dma_start3A_98 = arith.constant 0 : i32
    %dma_start3A_99 = tpu.memref_slice %arg2[%mul3A_95, %dma_start3A_98] : memref<5120x128xi32, #tpu.memory_space<hbm>> -> memref<2x128xi32, #tpu.memory_space<hbm>>
    tpu.enqueue_dma source(%dma_start3A_99 : memref<2x128xi32, #tpu.memory_space<hbm>>) target(%arg9 : memref<2x128xi32, #tpu.memory_space<vmem>>) target_semaphore(%arg16 : memref<!tpu.dma_semaphore, #tpu.memory_space<semaphore_mem>>)
    %add3A_100 = arith.constant 64 : i32
    %add3A_101 = arith.addi %add3A, %add3A_100 : i32
    %mul3A_102 = arith.constant 2 : i32
    %mul3A_103 = arith.muli %mul3A_102, %add3A_101 : i32
    %dma_wait3A_104 = arith.constant 0 : i32
    %dma_wait3A_105 = tpu.memref_slice %arg2[%mul3A_103, %dma_wait3A_104] : memref<5120x128xi32, #tpu.memory_space<hbm>> -> memref<2x128xi32, #tpu.memory_space<hbm>>
    %dma_wait3A_106 = arith.constant 0 : i32
    %dma_wait3A_107 = tpu.memref_slice %arg2[%mul3A_103, %dma_wait3A_106] : memref<5120x128xi32, #tpu.memory_space<hbm>> -> memref<2x128xi32, #tpu.memory_space<hbm>>
    tpu.wait_dma2 semaphore(%arg15 : memref<!tpu.dma_semaphore, #tpu.memory_space<semaphore_mem>>) src(%dma_wait3A_107 : memref<2x128xi32, #tpu.memory_space<hbm>>) dst(%arg8 : memref<2x128xi32, #tpu.memory_space<vmem>>)
    %dma_start3A_108 = arith.constant 0 : i32
    %dma_start3A_109 = arith.constant 0 : i32
    %dma_start3A_110 = tpu.memref_slice %arg8[%dma_start3A_108, %dma_start3A_109] : memref<2x128xi32, #tpu.memory_space<vmem>> -> memref<1x128xi32, #tpu.memory_space<vmem>>
    %dma_start3A_111 = tpu.memref_squeeze %dma_start3A_110 : memref<1x128xi32, #tpu.memory_space<vmem>> -> memref<128xi32, #tpu.memory_space<vmem>>
    %dma_start3A_112 = arith.constant 0 : i32
    %dma_start3A_113 = arith.constant 0 : i32
    %dma_start3A_114 = tpu.memref_slice %arg3[%dma_start3A_112, %dma_start3A_113] : memref<10240x128xf32, #tpu.memory_space<hbm>> -> memref<10240x128xf32, #tpu.memory_space<hbm>>
    tpu.enqueue_indirect_dma source(%dma_start3A_114 : memref<10240x128xf32, #tpu.memory_space<hbm>>) target(%arg10 : memref<128x128xf32, #tpu.memory_space<vmem>>) offsets(%dma_start3A_111 : memref<128xi32, #tpu.memory_space<vmem>>) semaphore(%arg17 : memref<!tpu.dma_semaphore, #tpu.memory_space<semaphore_mem>>)
    %scan3A = arith.constant 0 : i32
    %scan3A_115 = arith.constant 0 : i32
    %scan3A_116 = arith.constant 19 : i32
    %scan3A_117 = arith.addi %scan3A_115, %scan3A_116 : i32
    %scan3A_118 = arith.constant 1 : i32
    scf.for %scan3A_187 = %scan3A_115 to %scan3A_117 step %scan3A_118  : i32 {
      %mul3A_188 = arith.constant 4 : i32
      %mul3A_189 = arith.muli %mul3A_188, %scan3A_187 : i32
      %add3A_190 = arith.constant 2 : i32
      %add3A_191 = arith.addi %add3A_190, %mul3A_189 : i32
      %add3A_192 = arith.constant 0 : i32
      %add3A_193 = arith.addi %add3A_191, %add3A_192 : i32
      %dma_wait3A_194 = arith.constant 0 : i32
      %dma_wait3A_195 = arith.constant 0 : i32
      %dma_wait3A_196 = tpu.memref_slice %arg8[%dma_wait3A_194, %dma_wait3A_195] : memref<2x128xi32, #tpu.memory_space<vmem>> -> memref<1x128xi32, #tpu.memory_space<vmem>>
      %dma_wait3A_197 = tpu.memref_squeeze %dma_wait3A_196 : memref<1x128xi32, #tpu.memory_space<vmem>> -> memref<128xi32, #tpu.memory_space<vmem>>
      %dma_wait3A_198 = arith.constant 0 : i32
      %dma_wait3A_199 = arith.constant 0 : i32
      %dma_wait3A_200 = tpu.memref_slice %arg3[%dma_wait3A_198, %dma_wait3A_199] : memref<10240x128xf32, #tpu.memory_space<hbm>> -> memref<10240x128xf32, #tpu.memory_space<hbm>>
      tpu.wait_indirect_dma semaphore(%arg17 : memref<!tpu.dma_semaphore, #tpu.memory_space<semaphore_mem>>) src(%dma_wait3A_200 : memref<10240x128xf32, #tpu.memory_space<hbm>>) dst(%arg10 : memref<128x128xf32, #tpu.memory_space<vmem>>)
      %dma_start3A_201 = arith.constant 1 : i32
      %dma_start3A_202 = arith.constant 0 : i32
      %dma_start3A_203 = tpu.memref_slice %arg8[%dma_start3A_201, %dma_start3A_202] : memref<2x128xi32, #tpu.memory_space<vmem>> -> memref<1x128xi32, #tpu.memory_space<vmem>>
      %dma_start3A_204 = tpu.memref_squeeze %dma_start3A_203 : memref<1x128xi32, #tpu.memory_space<vmem>> -> memref<128xi32, #tpu.memory_space<vmem>>
      %dma_start3A_205 = arith.constant 0 : i32
      %dma_start3A_206 = arith.constant 0 : i32
      %dma_start3A_207 = tpu.memref_slice %arg12[%dma_start3A_205, %dma_start3A_206] : memref<10240x128xf32, #tpu.memory_space<vmem_shared>> -> memref<10240x128xf32, #tpu.memory_space<vmem_shared>>
      tpu.enqueue_indirect_dma source(%arg10 : memref<128x128xf32, #tpu.memory_space<vmem>>) target(%dma_start3A_207 : memref<10240x128xf32, #tpu.memory_space<vmem_shared>>) offsets(%dma_start3A_204 : memref<128xi32, #tpu.memory_space<vmem>>) semaphore(%arg19 : memref<!tpu.dma_semaphore, #tpu.memory_space<semaphore_mem>>) {add = true}
      %dma_wait3A_208 = arith.constant 1 : i32
      %dma_wait3A_209 = arith.constant 0 : i32
      %dma_wait3A_210 = tpu.memref_slice %arg7[%dma_wait3A_208, %dma_wait3A_209] : memref<2x128xi32, #tpu.memory_space<vmem>> -> memref<1x128xi32, #tpu.memory_space<vmem>>
      %dma_wait3A_211 = tpu.memref_squeeze %dma_wait3A_210 : memref<1x128xi32, #tpu.memory_space<vmem>> -> memref<128xi32, #tpu.memory_space<vmem>>
      %dma_wait3A_212 = arith.constant 0 : i32
      %dma_wait3A_213 = arith.constant 0 : i32
      %dma_wait3A_214 = tpu.memref_slice %arg12[%dma_wait3A_212, %dma_wait3A_213] : memref<10240x128xf32, #tpu.memory_space<vmem_shared>> -> memref<10240x128xf32, #tpu.memory_space<vmem_shared>>
      tpu.wait_indirect_dma semaphore(%arg20 : memref<!tpu.dma_semaphore, #tpu.memory_space<semaphore_mem>>) src(%arg11 : memref<128x128xf32, #tpu.memory_space<vmem>>) dst(%dma_wait3A_214 : memref<10240x128xf32, #tpu.memory_space<vmem_shared>>)
      %add3A_215 = arith.constant 2 : i32
      %add3A_216 = arith.addi %add3A_193, %add3A_215 : i32
      %mul3A_217 = arith.constant 32 : i32
      %mul3A_218 = arith.muli %mul3A_217, %add3A_216 : i32
      %add3A_219 = arith.addi %add3A, %mul3A_218 : i32
      %mul3A_220 = arith.constant 2 : i32
      %mul3A_221 = arith.muli %mul3A_220, %add3A_219 : i32
      %dma_start3A_222 = arith.constant 0 : i32
      %dma_start3A_223 = tpu.memref_slice %arg2[%mul3A_221, %dma_start3A_222] : memref<5120x128xi32, #tpu.memory_space<hbm>> -> memref<2x128xi32, #tpu.memory_space<hbm>>
      %dma_start3A_224 = arith.constant 0 : i32
      %dma_start3A_225 = tpu.memref_slice %arg2[%mul3A_221, %dma_start3A_224] : memref<5120x128xi32, #tpu.memory_space<hbm>> -> memref<2x128xi32, #tpu.memory_space<hbm>>
      tpu.enqueue_dma source(%dma_start3A_225 : memref<2x128xi32, #tpu.memory_space<hbm>>) target(%arg6 : memref<2x128xi32, #tpu.memory_space<vmem>>) target_semaphore(%arg13 : memref<!tpu.dma_semaphore, #tpu.memory_space<semaphore_mem>>)
      %add3A_226 = arith.constant 1 : i32
      %add3A_227 = arith.addi %add3A_193, %add3A_226 : i32
      %mul3A_228 = arith.constant 32 : i32
      %mul3A_229 = arith.muli %mul3A_228, %add3A_227 : i32
      %add3A_230 = arith.addi %add3A, %mul3A_229 : i32
      %mul3A_231 = arith.constant 2 : i32
      %mul3A_232 = arith.muli %mul3A_231, %add3A_230 : i32
      %dma_wait3A_233 = arith.constant 0 : i32
      %dma_wait3A_234 = tpu.memref_slice %arg2[%mul3A_232, %dma_wait3A_233] : memref<5120x128xi32, #tpu.memory_space<hbm>> -> memref<2x128xi32, #tpu.memory_space<hbm>>
      %dma_wait3A_235 = arith.constant 0 : i32
      %dma_wait3A_236 = tpu.memref_slice %arg2[%mul3A_232, %dma_wait3A_235] : memref<5120x128xi32, #tpu.memory_space<hbm>> -> memref<2x128xi32, #tpu.memory_space<hbm>>
      tpu.wait_dma2 semaphore(%arg16 : memref<!tpu.dma_semaphore, #tpu.memory_space<semaphore_mem>>) src(%dma_wait3A_236 : memref<2x128xi32, #tpu.memory_space<hbm>>) dst(%arg9 : memref<2x128xi32, #tpu.memory_space<vmem>>)
      %dma_start3A_237 = arith.constant 0 : i32
      %dma_start3A_238 = arith.constant 0 : i32
      %dma_start3A_239 = tpu.memref_slice %arg9[%dma_start3A_237, %dma_start3A_238] : memref<2x128xi32, #tpu.memory_space<vmem>> -> memref<1x128xi32, #tpu.memory_space<vmem>>
      %dma_start3A_240 = tpu.memref_squeeze %dma_start3A_239 : memref<1x128xi32, #tpu.memory_space<vmem>> -> memref<128xi32, #tpu.memory_space<vmem>>
      %dma_start3A_241 = arith.constant 0 : i32
      %dma_start3A_242 = arith.constant 0 : i32
      %dma_start3A_243 = tpu.memref_slice %arg3[%dma_start3A_241, %dma_start3A_242] : memref<10240x128xf32, #tpu.memory_space<hbm>> -> memref<10240x128xf32, #tpu.memory_space<hbm>>
      tpu.enqueue_indirect_dma source(%dma_start3A_243 : memref<10240x128xf32, #tpu.memory_space<hbm>>) target(%arg11 : memref<128x128xf32, #tpu.memory_space<vmem>>) offsets(%dma_start3A_240 : memref<128xi32, #tpu.memory_space<vmem>>) semaphore(%arg18 : memref<!tpu.dma_semaphore, #tpu.memory_space<semaphore_mem>>)
      %mul3A_244 = arith.constant 4 : i32
      %mul3A_245 = arith.muli %mul3A_244, %scan3A_187 : i32
      %add3A_246 = arith.constant 2 : i32
      %add3A_247 = arith.addi %add3A_246, %mul3A_245 : i32
      %add3A_248 = arith.constant 1 : i32
      %add3A_249 = arith.addi %add3A_247, %add3A_248 : i32
      %dma_wait3A_250 = arith.constant 0 : i32
      %dma_wait3A_251 = arith.constant 0 : i32
      %dma_wait3A_252 = tpu.memref_slice %arg9[%dma_wait3A_250, %dma_wait3A_251] : memref<2x128xi32, #tpu.memory_space<vmem>> -> memref<1x128xi32, #tpu.memory_space<vmem>>
      %dma_wait3A_253 = tpu.memref_squeeze %dma_wait3A_252 : memref<1x128xi32, #tpu.memory_space<vmem>> -> memref<128xi32, #tpu.memory_space<vmem>>
      %dma_wait3A_254 = arith.constant 0 : i32
      %dma_wait3A_255 = arith.constant 0 : i32
      %dma_wait3A_256 = tpu.memref_slice %arg3[%dma_wait3A_254, %dma_wait3A_255] : memref<10240x128xf32, #tpu.memory_space<hbm>> -> memref<10240x128xf32, #tpu.memory_space<hbm>>
      tpu.wait_indirect_dma semaphore(%arg18 : memref<!tpu.dma_semaphore, #tpu.memory_space<semaphore_mem>>) src(%dma_wait3A_256 : memref<10240x128xf32, #tpu.memory_space<hbm>>) dst(%arg11 : memref<128x128xf32, #tpu.memory_space<vmem>>)
      %dma_start3A_257 = arith.constant 1 : i32
      %dma_start3A_258 = arith.constant 0 : i32
      %dma_start3A_259 = tpu.memref_slice %arg9[%dma_start3A_257, %dma_start3A_258] : memref<2x128xi32, #tpu.memory_space<vmem>> -> memref<1x128xi32, #tpu.memory_space<vmem>>
      %dma_start3A_260 = tpu.memref_squeeze %dma_start3A_259 : memref<1x128xi32, #tpu.memory_space<vmem>> -> memref<128xi32, #tpu.memory_space<vmem>>
      %dma_start3A_261 = arith.constant 0 : i32
      %dma_start3A_262 = arith.constant 0 : i32
      %dma_start3A_263 = tpu.memref_slice %arg12[%dma_start3A_261, %dma_start3A_262] : memref<10240x128xf32, #tpu.memory_space<vmem_shared>> -> memref<10240x128xf32, #tpu.memory_space<vmem_shared>>
      tpu.enqueue_indirect_dma source(%arg11 : memref<128x128xf32, #tpu.memory_space<vmem>>) target(%dma_start3A_263 : memref<10240x128xf32, #tpu.memory_space<vmem_shared>>) offsets(%dma_start3A_260 : memref<128xi32, #tpu.memory_space<vmem>>) semaphore(%arg20 : memref<!tpu.dma_semaphore, #tpu.memory_space<semaphore_mem>>) {add = true}
      %dma_wait3A_264 = arith.constant 1 : i32
      %dma_wait3A_265 = arith.constant 0 : i32
      %dma_wait3A_266 = tpu.memref_slice %arg8[%dma_wait3A_264, %dma_wait3A_265] : memref<2x128xi32, #tpu.memory_space<vmem>> -> memref<1x128xi32, #tpu.memory_space<vmem>>
      %dma_wait3A_267 = tpu.memref_squeeze %dma_wait3A_266 : memref<1x128xi32, #tpu.memory_space<vmem>> -> memref<128xi32, #tpu.memory_space<vmem>>
      %dma_wait3A_268 = arith.constant 0 : i32
      %dma_wait3A_269 = arith.constant 0 : i32
      %dma_wait3A_270 = tpu.memref_slice %arg12[%dma_wait3A_268, %dma_wait3A_269] : memref<10240x128xf32, #tpu.memory_space<vmem_shared>> -> memref<10240x128xf32, #tpu.memory_space<vmem_shared>>
      tpu.wait_indirect_dma semaphore(%arg19 : memref<!tpu.dma_semaphore, #tpu.memory_space<semaphore_mem>>) src(%arg10 : memref<128x128xf32, #tpu.memory_space<vmem>>) dst(%dma_wait3A_270 : memref<10240x128xf32, #tpu.memory_space<vmem_shared>>)
      %add3A_271 = arith.constant 2 : i32
      %add3A_272 = arith.addi %add3A_249, %add3A_271 : i32
      %mul3A_273 = arith.constant 32 : i32
      %mul3A_274 = arith.muli %mul3A_273, %add3A_272 : i32
      %add3A_275 = arith.addi %add3A, %mul3A_274 : i32
      %mul3A_276 = arith.constant 2 : i32
      %mul3A_277 = arith.muli %mul3A_276, %add3A_275 : i32
      %dma_start3A_278 = arith.constant 0 : i32
      %dma_start3A_279 = tpu.memref_slice %arg2[%mul3A_277, %dma_start3A_278] : memref<5120x128xi32, #tpu.memory_space<hbm>> -> memref<2x128xi32, #tpu.memory_space<hbm>>
      %dma_start3A_280 = arith.constant 0 : i32
      %dma_start3A_281 = tpu.memref_slice %arg2[%mul3A_277, %dma_start3A_280] : memref<5120x128xi32, #tpu.memory_space<hbm>> -> memref<2x128xi32, #tpu.memory_space<hbm>>
      tpu.enqueue_dma source(%dma_start3A_281 : memref<2x128xi32, #tpu.memory_space<hbm>>) target(%arg7 : memref<2x128xi32, #tpu.memory_space<vmem>>) target_semaphore(%arg14 : memref<!tpu.dma_semaphore, #tpu.memory_space<semaphore_mem>>)
      %add3A_282 = arith.constant 1 : i32
      %add3A_283 = arith.addi %add3A_249, %add3A_282 : i32
      %mul3A_284 = arith.constant 32 : i32
      %mul3A_285 = arith.muli %mul3A_284, %add3A_283 : i32
      %add3A_286 = arith.addi %add3A, %mul3A_285 : i32
      %mul3A_287 = arith.constant 2 : i32
      %mul3A_288 = arith.muli %mul3A_287, %add3A_286 : i32
      %dma_wait3A_289 = arith.constant 0 : i32
      %dma_wait3A_290 = tpu.memref_slice %arg2[%mul3A_288, %dma_wait3A_289] : memref<5120x128xi32, #tpu.memory_space<hbm>> -> memref<2x128xi32, #tpu.memory_space<hbm>>
      %dma_wait3A_291 = arith.constant 0 : i32
      %dma_wait3A_292 = tpu.memref_slice %arg2[%mul3A_288, %dma_wait3A_291] : memref<5120x128xi32, #tpu.memory_space<hbm>> -> memref<2x128xi32, #tpu.memory_space<hbm>>
      tpu.wait_dma2 semaphore(%arg13 : memref<!tpu.dma_semaphore, #tpu.memory_space<semaphore_mem>>) src(%dma_wait3A_292 : memref<2x128xi32, #tpu.memory_space<hbm>>) dst(%arg6 : memref<2x128xi32, #tpu.memory_space<vmem>>)
      %dma_start3A_293 = arith.constant 0 : i32
      %dma_start3A_294 = arith.constant 0 : i32
      %dma_start3A_295 = tpu.memref_slice %arg6[%dma_start3A_293, %dma_start3A_294] : memref<2x128xi32, #tpu.memory_space<vmem>> -> memref<1x128xi32, #tpu.memory_space<vmem>>
      %dma_start3A_296 = tpu.memref_squeeze %dma_start3A_295 : memref<1x128xi32, #tpu.memory_space<vmem>> -> memref<128xi32, #tpu.memory_space<vmem>>
      %dma_start3A_297 = arith.constant 0 : i32
      %dma_start3A_298 = arith.constant 0 : i32
      %dma_start3A_299 = tpu.memref_slice %arg3[%dma_start3A_297, %dma_start3A_298] : memref<10240x128xf32, #tpu.memory_space<hbm>> -> memref<10240x128xf32, #tpu.memory_space<hbm>>
      tpu.enqueue_indirect_dma source(%dma_start3A_299 : memref<10240x128xf32, #tpu.memory_space<hbm>>) target(%arg10 : memref<128x128xf32, #tpu.memory_space<vmem>>) offsets(%dma_start3A_296 : memref<128xi32, #tpu.memory_space<vmem>>) semaphore(%arg17 : memref<!tpu.dma_semaphore, #tpu.memory_space<semaphore_mem>>)
      %mul3A_300 = arith.constant 4 : i32
      %mul3A_301 = arith.muli %mul3A_300, %scan3A_187 : i32
      %add3A_302 = arith.constant 2 : i32
      %add3A_303 = arith.addi %add3A_302, %mul3A_301 : i32
      %add3A_304 = arith.constant 2 : i32
      %add3A_305 = arith.addi %add3A_303, %add3A_304 : i32
      %dma_wait3A_306 = arith.constant 0 : i32
      %dma_wait3A_307 = arith.constant 0 : i32
      %dma_wait3A_308 = tpu.memref_slice %arg6[%dma_wait3A_306, %dma_wait3A_307] : memref<2x128xi32, #tpu.memory_space<vmem>> -> memref<1x128xi32, #tpu.memory_space<vmem>>
      %dma_wait3A_309 = tpu.memref_squeeze %dma_wait3A_308 : memref<1x128xi32, #tpu.memory_space<vmem>> -> memref<128xi32, #tpu.memory_space<vmem>>
      %dma_wait3A_310 = arith.constant 0 : i32
      %dma_wait3A_311 = arith.constant 0 : i32
      %dma_wait3A_312 = tpu.memref_slice %arg3[%dma_wait3A_310, %dma_wait3A_311] : memref<10240x128xf32, #tpu.memory_space<hbm>> -> memref<10240x128xf32, #tpu.memory_space<hbm>>
      tpu.wait_indirect_dma semaphore(%arg17 : memref<!tpu.dma_semaphore, #tpu.memory_space<semaphore_mem>>) src(%dma_wait3A_312 : memref<10240x128xf32, #tpu.memory_space<hbm>>) dst(%arg10 : memref<128x128xf32, #tpu.memory_space<vmem>>)
      %dma_start3A_313 = arith.constant 1 : i32
      %dma_start3A_314 = arith.constant 0 : i32
      %dma_start3A_315 = tpu.memref_slice %arg6[%dma_start3A_313, %dma_start3A_314] : memref<2x128xi32, #tpu.memory_space<vmem>> -> memref<1x128xi32, #tpu.memory_space<vmem>>
      %dma_start3A_316 = tpu.memref_squeeze %dma_start3A_315 : memref<1x128xi32, #tpu.memory_space<vmem>> -> memref<128xi32, #tpu.memory_space<vmem>>
      %dma_start3A_317 = arith.constant 0 : i32
      %dma_start3A_318 = arith.constant 0 : i32
      %dma_start3A_319 = tpu.memref_slice %arg12[%dma_start3A_317, %dma_start3A_318] : memref<10240x128xf32, #tpu.memory_space<vmem_shared>> -> memref<10240x128xf32, #tpu.memory_space<vmem_shared>>
      tpu.enqueue_indirect_dma source(%arg10 : memref<128x128xf32, #tpu.memory_space<vmem>>) target(%dma_start3A_319 : memref<10240x128xf32, #tpu.memory_space<vmem_shared>>) offsets(%dma_start3A_316 : memref<128xi32, #tpu.memory_space<vmem>>) semaphore(%arg19 : memref<!tpu.dma_semaphore, #tpu.memory_space<semaphore_mem>>) {add = true}
      %dma_wait3A_320 = arith.constant 1 : i32
      %dma_wait3A_321 = arith.constant 0 : i32
      %dma_wait3A_322 = tpu.memref_slice %arg9[%dma_wait3A_320, %dma_wait3A_321] : memref<2x128xi32, #tpu.memory_space<vmem>> -> memref<1x128xi32, #tpu.memory_space<vmem>>
      %dma_wait3A_323 = tpu.memref_squeeze %dma_wait3A_322 : memref<1x128xi32, #tpu.memory_space<vmem>> -> memref<128xi32, #tpu.memory_space<vmem>>
      %dma_wait3A_324 = arith.constant 0 : i32
      %dma_wait3A_325 = arith.constant 0 : i32
      %dma_wait3A_326 = tpu.memref_slice %arg12[%dma_wait3A_324, %dma_wait3A_325] : memref<10240x128xf32, #tpu.memory_space<vmem_shared>> -> memref<10240x128xf32, #tpu.memory_space<vmem_shared>>
      tpu.wait_indirect_dma semaphore(%arg20 : memref<!tpu.dma_semaphore, #tpu.memory_space<semaphore_mem>>) src(%arg11 : memref<128x128xf32, #tpu.memory_space<vmem>>) dst(%dma_wait3A_326 : memref<10240x128xf32, #tpu.memory_space<vmem_shared>>)
      %add3A_327 = arith.constant 2 : i32
      %add3A_328 = arith.addi %add3A_305, %add3A_327 : i32
      %mul3A_329 = arith.constant 32 : i32
      %mul3A_330 = arith.muli %mul3A_329, %add3A_328 : i32
      %add3A_331 = arith.addi %add3A, %mul3A_330 : i32
      %mul3A_332 = arith.constant 2 : i32
      %mul3A_333 = arith.muli %mul3A_332, %add3A_331 : i32
      %dma_start3A_334 = arith.constant 0 : i32
      %dma_start3A_335 = tpu.memref_slice %arg2[%mul3A_333, %dma_start3A_334] : memref<5120x128xi32, #tpu.memory_space<hbm>> -> memref<2x128xi32, #tpu.memory_space<hbm>>
      %dma_start3A_336 = arith.constant 0 : i32
      %dma_start3A_337 = tpu.memref_slice %arg2[%mul3A_333, %dma_start3A_336] : memref<5120x128xi32, #tpu.memory_space<hbm>> -> memref<2x128xi32, #tpu.memory_space<hbm>>
      tpu.enqueue_dma source(%dma_start3A_337 : memref<2x128xi32, #tpu.memory_space<hbm>>) target(%arg8 : memref<2x128xi32, #tpu.memory_space<vmem>>) target_semaphore(%arg15 : memref<!tpu.dma_semaphore, #tpu.memory_space<semaphore_mem>>)
      %add3A_338 = arith.constant 1 : i32
      %add3A_339 = arith.addi %add3A_305, %add3A_338 : i32
      %mul3A_340 = arith.constant 32 : i32
      %mul3A_341 = arith.muli %mul3A_340, %add3A_339 : i32
      %add3A_342 = arith.addi %add3A, %mul3A_341 : i32
      %mul3A_343 = arith.constant 2 : i32
      %mul3A_344 = arith.muli %mul3A_343, %add3A_342 : i32
      %dma_wait3A_345 = arith.constant 0 : i32
      %dma_wait3A_346 = tpu.memref_slice %arg2[%mul3A_344, %dma_wait3A_345] : memref<5120x128xi32, #tpu.memory_space<hbm>> -> memref<2x128xi32, #tpu.memory_space<hbm>>
      %dma_wait3A_347 = arith.constant 0 : i32
      %dma_wait3A_348 = tpu.memref_slice %arg2[%mul3A_344, %dma_wait3A_347] : memref<5120x128xi32, #tpu.memory_space<hbm>> -> memref<2x128xi32, #tpu.memory_space<hbm>>
      tpu.wait_dma2 semaphore(%arg14 : memref<!tpu.dma_semaphore, #tpu.memory_space<semaphore_mem>>) src(%dma_wait3A_348 : memref<2x128xi32, #tpu.memory_space<hbm>>) dst(%arg7 : memref<2x128xi32, #tpu.memory_space<vmem>>)
      %dma_start3A_349 = arith.constant 0 : i32
      %dma_start3A_350 = arith.constant 0 : i32
      %dma_start3A_351 = tpu.memref_slice %arg7[%dma_start3A_349, %dma_start3A_350] : memref<2x128xi32, #tpu.memory_space<vmem>> -> memref<1x128xi32, #tpu.memory_space<vmem>>
      %dma_start3A_352 = tpu.memref_squeeze %dma_start3A_351 : memref<1x128xi32, #tpu.memory_space<vmem>> -> memref<128xi32, #tpu.memory_space<vmem>>
      %dma_start3A_353 = arith.constant 0 : i32
      %dma_start3A_354 = arith.constant 0 : i32
      %dma_start3A_355 = tpu.memref_slice %arg3[%dma_start3A_353, %dma_start3A_354] : memref<10240x128xf32, #tpu.memory_space<hbm>> -> memref<10240x128xf32, #tpu.memory_space<hbm>>
      tpu.enqueue_indirect_dma source(%dma_start3A_355 : memref<10240x128xf32, #tpu.memory_space<hbm>>) target(%arg11 : memref<128x128xf32, #tpu.memory_space<vmem>>) offsets(%dma_start3A_352 : memref<128xi32, #tpu.memory_space<vmem>>) semaphore(%arg18 : memref<!tpu.dma_semaphore, #tpu.memory_space<semaphore_mem>>)
      %mul3A_356 = arith.constant 4 : i32
      %mul3A_357 = arith.muli %mul3A_356, %scan3A_187 : i32
      %add3A_358 = arith.constant 2 : i32
      %add3A_359 = arith.addi %add3A_358, %mul3A_357 : i32
      %add3A_360 = arith.constant 3 : i32
      %add3A_361 = arith.addi %add3A_359, %add3A_360 : i32
      %dma_wait3A_362 = arith.constant 0 : i32
      %dma_wait3A_363 = arith.constant 0 : i32
      %dma_wait3A_364 = tpu.memref_slice %arg7[%dma_wait3A_362, %dma_wait3A_363] : memref<2x128xi32, #tpu.memory_space<vmem>> -> memref<1x128xi32, #tpu.memory_space<vmem>>
      %dma_wait3A_365 = tpu.memref_squeeze %dma_wait3A_364 : memref<1x128xi32, #tpu.memory_space<vmem>> -> memref<128xi32, #tpu.memory_space<vmem>>
      %dma_wait3A_366 = arith.constant 0 : i32
      %dma_wait3A_367 = arith.constant 0 : i32
      %dma_wait3A_368 = tpu.memref_slice %arg3[%dma_wait3A_366, %dma_wait3A_367] : memref<10240x128xf32, #tpu.memory_space<hbm>> -> memref<10240x128xf32, #tpu.memory_space<hbm>>
      tpu.wait_indirect_dma semaphore(%arg18 : memref<!tpu.dma_semaphore, #tpu.memory_space<semaphore_mem>>) src(%dma_wait3A_368 : memref<10240x128xf32, #tpu.memory_space<hbm>>) dst(%arg11 : memref<128x128xf32, #tpu.memory_space<vmem>>)
      %dma_start3A_369 = arith.constant 1 : i32
      %dma_start3A_370 = arith.constant 0 : i32
      %dma_start3A_371 = tpu.memref_slice %arg7[%dma_start3A_369, %dma_start3A_370] : memref<2x128xi32, #tpu.memory_space<vmem>> -> memref<1x128xi32, #tpu.memory_space<vmem>>
      %dma_start3A_372 = tpu.memref_squeeze %dma_start3A_371 : memref<1x128xi32, #tpu.memory_space<vmem>> -> memref<128xi32, #tpu.memory_space<vmem>>
      %dma_start3A_373 = arith.constant 0 : i32
      %dma_start3A_374 = arith.constant 0 : i32
      %dma_start3A_375 = tpu.memref_slice %arg12[%dma_start3A_373, %dma_start3A_374] : memref<10240x128xf32, #tpu.memory_space<vmem_shared>> -> memref<10240x128xf32, #tpu.memory_space<vmem_shared>>
      tpu.enqueue_indirect_dma source(%arg11 : memref<128x128xf32, #tpu.memory_space<vmem>>) target(%dma_start3A_375 : memref<10240x128xf32, #tpu.memory_space<vmem_shared>>) offsets(%dma_start3A_372 : memref<128xi32, #tpu.memory_space<vmem>>) semaphore(%arg20 : memref<!tpu.dma_semaphore, #tpu.memory_space<semaphore_mem>>) {add = true}
      %dma_wait3A_376 = arith.constant 1 : i32
      %dma_wait3A_377 = arith.constant 0 : i32
      %dma_wait3A_378 = tpu.memref_slice %arg6[%dma_wait3A_376, %dma_wait3A_377] : memref<2x128xi32, #tpu.memory_space<vmem>> -> memref<1x128xi32, #tpu.memory_space<vmem>>
      %dma_wait3A_379 = tpu.memref_squeeze %dma_wait3A_378 : memref<1x128xi32, #tpu.memory_space<vmem>> -> memref<128xi32, #tpu.memory_space<vmem>>
      %dma_wait3A_380 = arith.constant 0 : i32
      %dma_wait3A_381 = arith.constant 0 : i32
      %dma_wait3A_382 = tpu.memref_slice %arg12[%dma_wait3A_380, %dma_wait3A_381] : memref<10240x128xf32, #tpu.memory_space<vmem_shared>> -> memref<10240x128xf32, #tpu.memory_space<vmem_shared>>
      tpu.wait_indirect_dma semaphore(%arg19 : memref<!tpu.dma_semaphore, #tpu.memory_space<semaphore_mem>>) src(%arg10 : memref<128x128xf32, #tpu.memory_space<vmem>>) dst(%dma_wait3A_382 : memref<10240x128xf32, #tpu.memory_space<vmem_shared>>)
      %add3A_383 = arith.constant 2 : i32
      %add3A_384 = arith.addi %add3A_361, %add3A_383 : i32
      %mul3A_385 = arith.constant 32 : i32
      %mul3A_386 = arith.muli %mul3A_385, %add3A_384 : i32
      %add3A_387 = arith.addi %add3A, %mul3A_386 : i32
      %mul3A_388 = arith.constant 2 : i32
      %mul3A_389 = arith.muli %mul3A_388, %add3A_387 : i32
      %dma_start3A_390 = arith.constant 0 : i32
      %dma_start3A_391 = tpu.memref_slice %arg2[%mul3A_389, %dma_start3A_390] : memref<5120x128xi32, #tpu.memory_space<hbm>> -> memref<2x128xi32, #tpu.memory_space<hbm>>
      %dma_start3A_392 = arith.constant 0 : i32
      %dma_start3A_393 = tpu.memref_slice %arg2[%mul3A_389, %dma_start3A_392] : memref<5120x128xi32, #tpu.memory_space<hbm>> -> memref<2x128xi32, #tpu.memory_space<hbm>>
      tpu.enqueue_dma source(%dma_start3A_393 : memref<2x128xi32, #tpu.memory_space<hbm>>) target(%arg9 : memref<2x128xi32, #tpu.memory_space<vmem>>) target_semaphore(%arg16 : memref<!tpu.dma_semaphore, #tpu.memory_space<semaphore_mem>>)
      %add3A_394 = arith.constant 1 : i32
      %add3A_395 = arith.addi %add3A_361, %add3A_394 : i32
      %mul3A_396 = arith.constant 32 : i32
      %mul3A_397 = arith.muli %mul3A_396, %add3A_395 : i32
      %add3A_398 = arith.addi %add3A, %mul3A_397 : i32
      %mul3A_399 = arith.constant 2 : i32
      %mul3A_400 = arith.muli %mul3A_399, %add3A_398 : i32
      %dma_wait3A_401 = arith.constant 0 : i32
      %dma_wait3A_402 = tpu.memref_slice %arg2[%mul3A_400, %dma_wait3A_401] : memref<5120x128xi32, #tpu.memory_space<hbm>> -> memref<2x128xi32, #tpu.memory_space<hbm>>
      %dma_wait3A_403 = arith.constant 0 : i32
      %dma_wait3A_404 = tpu.memref_slice %arg2[%mul3A_400, %dma_wait3A_403] : memref<5120x128xi32, #tpu.memory_space<hbm>> -> memref<2x128xi32, #tpu.memory_space<hbm>>
      tpu.wait_dma2 semaphore(%arg15 : memref<!tpu.dma_semaphore, #tpu.memory_space<semaphore_mem>>) src(%dma_wait3A_404 : memref<2x128xi32, #tpu.memory_space<hbm>>) dst(%arg8 : memref<2x128xi32, #tpu.memory_space<vmem>>)
      %dma_start3A_405 = arith.constant 0 : i32
      %dma_start3A_406 = arith.constant 0 : i32
      %dma_start3A_407 = tpu.memref_slice %arg8[%dma_start3A_405, %dma_start3A_406] : memref<2x128xi32, #tpu.memory_space<vmem>> -> memref<1x128xi32, #tpu.memory_space<vmem>>
      %dma_start3A_408 = tpu.memref_squeeze %dma_start3A_407 : memref<1x128xi32, #tpu.memory_space<vmem>> -> memref<128xi32, #tpu.memory_space<vmem>>
      %dma_start3A_409 = arith.constant 0 : i32
      %dma_start3A_410 = arith.constant 0 : i32
      %dma_start3A_411 = tpu.memref_slice %arg3[%dma_start3A_409, %dma_start3A_410] : memref<10240x128xf32, #tpu.memory_space<hbm>> -> memref<10240x128xf32, #tpu.memory_space<hbm>>
      tpu.enqueue_indirect_dma source(%dma_start3A_411 : memref<10240x128xf32, #tpu.memory_space<hbm>>) target(%arg10 : memref<128x128xf32, #tpu.memory_space<vmem>>) offsets(%dma_start3A_408 : memref<128xi32, #tpu.memory_space<vmem>>) semaphore(%arg17 : memref<!tpu.dma_semaphore, #tpu.memory_space<semaphore_mem>>)
    }
    %scan3A_119 = arith.constant 19 : i32
    %dma_wait3A_120 = arith.constant 0 : i32
    %dma_wait3A_121 = arith.constant 0 : i32
    %dma_wait3A_122 = tpu.memref_slice %arg8[%dma_wait3A_120, %dma_wait3A_121] : memref<2x128xi32, #tpu.memory_space<vmem>> -> memref<1x128xi32, #tpu.memory_space<vmem>>
    %dma_wait3A_123 = tpu.memref_squeeze %dma_wait3A_122 : memref<1x128xi32, #tpu.memory_space<vmem>> -> memref<128xi32, #tpu.memory_space<vmem>>
    %dma_wait3A_124 = arith.constant 0 : i32
    %dma_wait3A_125 = arith.constant 0 : i32
    %dma_wait3A_126 = tpu.memref_slice %arg3[%dma_wait3A_124, %dma_wait3A_125] : memref<10240x128xf32, #tpu.memory_space<hbm>> -> memref<10240x128xf32, #tpu.memory_space<hbm>>
    tpu.wait_indirect_dma semaphore(%arg17 : memref<!tpu.dma_semaphore, #tpu.memory_space<semaphore_mem>>) src(%dma_wait3A_126 : memref<10240x128xf32, #tpu.memory_space<hbm>>) dst(%arg10 : memref<128x128xf32, #tpu.memory_space<vmem>>)
    %dma_start3A_127 = arith.constant 1 : i32
    %dma_start3A_128 = arith.constant 0 : i32
    %dma_start3A_129 = tpu.memref_slice %arg8[%dma_start3A_127, %dma_start3A_128] : memref<2x128xi32, #tpu.memory_space<vmem>> -> memref<1x128xi32, #tpu.memory_space<vmem>>
    %dma_start3A_130 = tpu.memref_squeeze %dma_start3A_129 : memref<1x128xi32, #tpu.memory_space<vmem>> -> memref<128xi32, #tpu.memory_space<vmem>>
    %dma_start3A_131 = arith.constant 0 : i32
    %dma_start3A_132 = arith.constant 0 : i32
    %dma_start3A_133 = tpu.memref_slice %arg12[%dma_start3A_131, %dma_start3A_132] : memref<10240x128xf32, #tpu.memory_space<vmem_shared>> -> memref<10240x128xf32, #tpu.memory_space<vmem_shared>>
    tpu.enqueue_indirect_dma source(%arg10 : memref<128x128xf32, #tpu.memory_space<vmem>>) target(%dma_start3A_133 : memref<10240x128xf32, #tpu.memory_space<vmem_shared>>) offsets(%dma_start3A_130 : memref<128xi32, #tpu.memory_space<vmem>>) semaphore(%arg19 : memref<!tpu.dma_semaphore, #tpu.memory_space<semaphore_mem>>) {add = true}
    %dma_wait3A_134 = arith.constant 1 : i32
    %dma_wait3A_135 = arith.constant 0 : i32
    %dma_wait3A_136 = tpu.memref_slice %arg7[%dma_wait3A_134, %dma_wait3A_135] : memref<2x128xi32, #tpu.memory_space<vmem>> -> memref<1x128xi32, #tpu.memory_space<vmem>>
    %dma_wait3A_137 = tpu.memref_squeeze %dma_wait3A_136 : memref<1x128xi32, #tpu.memory_space<vmem>> -> memref<128xi32, #tpu.memory_space<vmem>>
    %dma_wait3A_138 = arith.constant 0 : i32
    %dma_wait3A_139 = arith.constant 0 : i32
    %dma_wait3A_140 = tpu.memref_slice %arg12[%dma_wait3A_138, %dma_wait3A_139] : memref<10240x128xf32, #tpu.memory_space<vmem_shared>> -> memref<10240x128xf32, #tpu.memory_space<vmem_shared>>
    tpu.wait_indirect_dma semaphore(%arg20 : memref<!tpu.dma_semaphore, #tpu.memory_space<semaphore_mem>>) src(%arg11 : memref<128x128xf32, #tpu.memory_space<vmem>>) dst(%dma_wait3A_140 : memref<10240x128xf32, #tpu.memory_space<vmem_shared>>)
    %add3A_141 = arith.constant 2528 : i32
    %add3A_142 = arith.addi %add3A, %add3A_141 : i32
    %mul3A_143 = arith.constant 2 : i32
    %mul3A_144 = arith.muli %mul3A_143, %add3A_142 : i32
    %dma_wait3A_145 = arith.constant 0 : i32
    %dma_wait3A_146 = tpu.memref_slice %arg2[%mul3A_144, %dma_wait3A_145] : memref<5120x128xi32, #tpu.memory_space<hbm>> -> memref<2x128xi32, #tpu.memory_space<hbm>>
    %dma_wait3A_147 = arith.constant 0 : i32
    %dma_wait3A_148 = tpu.memref_slice %arg2[%mul3A_144, %dma_wait3A_147] : memref<5120x128xi32, #tpu.memory_space<hbm>> -> memref<2x128xi32, #tpu.memory_space<hbm>>
    tpu.wait_dma2 semaphore(%arg16 : memref<!tpu.dma_semaphore, #tpu.memory_space<semaphore_mem>>) src(%dma_wait3A_148 : memref<2x128xi32, #tpu.memory_space<hbm>>) dst(%arg9 : memref<2x128xi32, #tpu.memory_space<vmem>>)
    %dma_start3A_149 = arith.constant 0 : i32
    %dma_start3A_150 = arith.constant 0 : i32
    %dma_start3A_151 = tpu.memref_slice %arg9[%dma_start3A_149, %dma_start3A_150] : memref<2x128xi32, #tpu.memory_space<vmem>> -> memref<1x128xi32, #tpu.memory_space<vmem>>
    %dma_start3A_152 = tpu.memref_squeeze %dma_start3A_151 : memref<1x128xi32, #tpu.memory_space<vmem>> -> memref<128xi32, #tpu.memory_space<vmem>>
    %dma_start3A_153 = arith.constant 0 : i32
    %dma_start3A_154 = arith.constant 0 : i32
    %dma_start3A_155 = tpu.memref_slice %arg3[%dma_start3A_153, %dma_start3A_154] : memref<10240x128xf32, #tpu.memory_space<hbm>> -> memref<10240x128xf32, #tpu.memory_space<hbm>>
    tpu.enqueue_indirect_dma source(%dma_start3A_155 : memref<10240x128xf32, #tpu.memory_space<hbm>>) target(%arg11 : memref<128x128xf32, #tpu.memory_space<vmem>>) offsets(%dma_start3A_152 : memref<128xi32, #tpu.memory_space<vmem>>) semaphore(%arg18 : memref<!tpu.dma_semaphore, #tpu.memory_space<semaphore_mem>>)
    %dma_wait3A_156 = arith.constant 0 : i32
    %dma_wait3A_157 = arith.constant 0 : i32
    %dma_wait3A_158 = tpu.memref_slice %arg9[%dma_wait3A_156, %dma_wait3A_157] : memref<2x128xi32, #tpu.memory_space<vmem>> -> memref<1x128xi32, #tpu.memory_space<vmem>>
    %dma_wait3A_159 = tpu.memref_squeeze %dma_wait3A_158 : memref<1x128xi32, #tpu.memory_space<vmem>> -> memref<128xi32, #tpu.memory_space<vmem>>
    %dma_wait3A_160 = arith.constant 0 : i32
    %dma_wait3A_161 = arith.constant 0 : i32
    %dma_wait3A_162 = tpu.memref_slice %arg3[%dma_wait3A_160, %dma_wait3A_161] : memref<10240x128xf32, #tpu.memory_space<hbm>> -> memref<10240x128xf32, #tpu.memory_space<hbm>>
    tpu.wait_indirect_dma semaphore(%arg18 : memref<!tpu.dma_semaphore, #tpu.memory_space<semaphore_mem>>) src(%dma_wait3A_162 : memref<10240x128xf32, #tpu.memory_space<hbm>>) dst(%arg11 : memref<128x128xf32, #tpu.memory_space<vmem>>)
    %dma_start3A_163 = arith.constant 1 : i32
    %dma_start3A_164 = arith.constant 0 : i32
    %dma_start3A_165 = tpu.memref_slice %arg9[%dma_start3A_163, %dma_start3A_164] : memref<2x128xi32, #tpu.memory_space<vmem>> -> memref<1x128xi32, #tpu.memory_space<vmem>>
    %dma_start3A_166 = tpu.memref_squeeze %dma_start3A_165 : memref<1x128xi32, #tpu.memory_space<vmem>> -> memref<128xi32, #tpu.memory_space<vmem>>
    %dma_start3A_167 = arith.constant 0 : i32
    %dma_start3A_168 = arith.constant 0 : i32
    %dma_start3A_169 = tpu.memref_slice %arg12[%dma_start3A_167, %dma_start3A_168] : memref<10240x128xf32, #tpu.memory_space<vmem_shared>> -> memref<10240x128xf32, #tpu.memory_space<vmem_shared>>
    tpu.enqueue_indirect_dma source(%arg11 : memref<128x128xf32, #tpu.memory_space<vmem>>) target(%dma_start3A_169 : memref<10240x128xf32, #tpu.memory_space<vmem_shared>>) offsets(%dma_start3A_166 : memref<128xi32, #tpu.memory_space<vmem>>) semaphore(%arg20 : memref<!tpu.dma_semaphore, #tpu.memory_space<semaphore_mem>>) {add = true}
    %dma_wait3A_170 = arith.constant 1 : i32
    %dma_wait3A_171 = arith.constant 0 : i32
    %dma_wait3A_172 = tpu.memref_slice %arg8[%dma_wait3A_170, %dma_wait3A_171] : memref<2x128xi32, #tpu.memory_space<vmem>> -> memref<1x128xi32, #tpu.memory_space<vmem>>
    %dma_wait3A_173 = tpu.memref_squeeze %dma_wait3A_172 : memref<1x128xi32, #tpu.memory_space<vmem>> -> memref<128xi32, #tpu.memory_space<vmem>>
    %dma_wait3A_174 = arith.constant 0 : i32
    %dma_wait3A_175 = arith.constant 0 : i32
    %dma_wait3A_176 = tpu.memref_slice %arg12[%dma_wait3A_174, %dma_wait3A_175] : memref<10240x128xf32, #tpu.memory_space<vmem_shared>> -> memref<10240x128xf32, #tpu.memory_space<vmem_shared>>
    tpu.wait_indirect_dma semaphore(%arg19 : memref<!tpu.dma_semaphore, #tpu.memory_space<semaphore_mem>>) src(%arg10 : memref<128x128xf32, #tpu.memory_space<vmem>>) dst(%dma_wait3A_176 : memref<10240x128xf32, #tpu.memory_space<vmem_shared>>)
    %dma_wait3A_177 = arith.constant 1 : i32
    %dma_wait3A_178 = arith.constant 0 : i32
    %dma_wait3A_179 = tpu.memref_slice %arg9[%dma_wait3A_177, %dma_wait3A_178] : memref<2x128xi32, #tpu.memory_space<vmem>> -> memref<1x128xi32, #tpu.memory_space<vmem>>
    %dma_wait3A_180 = tpu.memref_squeeze %dma_wait3A_179 : memref<1x128xi32, #tpu.memory_space<vmem>> -> memref<128xi32, #tpu.memory_space<vmem>>
    %dma_wait3A_181 = arith.constant 0 : i32
    %dma_wait3A_182 = arith.constant 0 : i32
    %dma_wait3A_183 = tpu.memref_slice %arg12[%dma_wait3A_181, %dma_wait3A_182] : memref<10240x128xf32, #tpu.memory_space<vmem_shared>> -> memref<10240x128xf32, #tpu.memory_space<vmem_shared>>
    tpu.wait_indirect_dma semaphore(%arg20 : memref<!tpu.dma_semaphore, #tpu.memory_space<semaphore_mem>>) src(%arg11 : memref<128x128xf32, #tpu.memory_space<vmem>>) dst(%dma_wait3A_183 : memref<10240x128xf32, #tpu.memory_space<vmem_shared>>)
    %barrier3A_184 = arith.constant 0 : index
    tpu.barrier barrier_id(%barrier3A_184)
    %mul3A_185 = arith.constant 640 : i32
    %mul3A_186 = arith.muli %arg1, %mul3A_185 : i32
    "tpu.region"() ({
      %run_scoped3A = tpu.sem_alloc : memref<!tpu.dma_semaphore, #tpu.memory_space<semaphore_mem>>
      %dma_start3A_187 = arith.constant 0 : i32
      %dma_start3A_188 = arith.constant 0 : i32
      %dma_start3A_189 = tpu.memref_slice %arg5[%arg0, %arg1, %dma_start3A_187, %dma_start3A_188] : memref<2x16x640x128xf32, #tpu.memory_space<hbm>> -> memref<1x1x640x128xf32, #tpu.memory_space<hbm>>
      %dma_start3A_190 = tpu.memref_squeeze %dma_start3A_189 : memref<1x1x640x128xf32, #tpu.memory_space<hbm>> -> memref<640x128xf32, #tpu.memory_space<hbm>>
      %dma_start3A_191 = arith.constant 0 : i32
      %dma_start3A_192 = tpu.memref_slice %arg12[%mul3A_186, %dma_start3A_191] : memref<10240x128xf32, #tpu.memory_space<vmem_shared>> -> memref<640x128xf32, #tpu.memory_space<vmem_shared>>
      tpu.enqueue_dma source(%dma_start3A_192 : memref<640x128xf32, #tpu.memory_space<vmem_shared>>) target(%dma_start3A_190 : memref<640x128xf32, #tpu.memory_space<hbm>>) target_semaphore(%run_scoped3A : memref<!tpu.dma_semaphore, #tpu.memory_space<semaphore_mem>>)
      %dma_wait3A_193 = arith.constant 0 : i32
      %dma_wait3A_194 = arith.constant 0 : i32
      %dma_wait3A_195 = tpu.memref_slice %arg5[%arg0, %arg1, %dma_wait3A_193, %dma_wait3A_194] : memref<2x16x640x128xf32, #tpu.memory_space<hbm>> -> memref<1x1x640x128xf32, #tpu.memory_space<hbm>>
      %dma_wait3A_196 = tpu.memref_squeeze %dma_wait3A_195 : memref<1x1x640x128xf32, #tpu.memory_space<hbm>> -> memref<640x128xf32, #tpu.memory_space<hbm>>
      %dma_wait3A_197 = arith.constant 0 : i32
      %dma_wait3A_198 = tpu.memref_slice %arg12[%mul3A_186, %dma_wait3A_197] : memref<10240x128xf32, #tpu.memory_space<vmem_shared>> -> memref<640x128xf32, #tpu.memory_space<vmem_shared>>
      tpu.wait_dma2 semaphore(%run_scoped3A : memref<!tpu.dma_semaphore, #tpu.memory_space<semaphore_mem>>) src(%dma_wait3A_198 : memref<640x128xf32, #tpu.memory_space<vmem_shared>>) dst(%dma_wait3A_196 : memref<640x128xf32, #tpu.memory_space<hbm>>)
      tpu.yield
    }) : () -> ()
    return
  }
}

module attributes {stable_mosaic.version = 14 : i64} {
  func.func @_tc_pre_body(%arg0: i32, %arg1: memref<2000x1xf32, #tpu.memory_space<vmem>>, %arg2: memref<2000x1xf32, #tpu.memory_space<vmem>>, %arg3: memref<2000x128xf32, #tpu.memory_space<vmem>>, %arg4: memref<2000x1xf32, #tpu.memory_space<vmem>>, %arg5: memref<2000x128xf32, #tpu.memory_space<vmem>>) attributes {dimension_semantics = [#tpu.dimension_semantics<arbitrary>], iteration_bounds = array<i64: 5>, scalar_prefetch = 0 : i64, scratch_operands = 0 : i64, tpu.core_type = #tpu.core_type<tc>, window_params = [{transform_indices = @transform_0, window_bounds = array<i64: 2000, 1>}, {transform_indices = @transform_1, window_bounds = array<i64: 2000, 1>}, {transform_indices = @transform_2, window_bounds = array<i64: 2000, 128>}, {transform_indices = @transform_3, window_bounds = array<i64: 2000, 1>}, {transform_indices = @transform_4, window_bounds = array<i64: 2000, 128>}]} {
    %get3A = arith.constant 0 : index
    %get3A_0 = arith.constant 0 : index
    %get3A_1 = vector.load %arg1[%get3A, %get3A_0] : memref<2000x1xf32, #tpu.memory_space<vmem>>, vector<2000x1xf32>
    %get3A_2 = arith.constant 0 : index
    %get3A_3 = arith.constant 0 : index
    %get3A_4 = vector.load %arg2[%get3A_2, %get3A_3] : memref<2000x1xf32, #tpu.memory_space<vmem>>, vector<2000x1xf32>
    %add3A = arith.addf %get3A_1, %get3A_4 : vector<2000x1xf32>
    %add3A_5 = arith.constant 1.000000e+00 : f32
    %add3A_6 = vector.broadcast %add3A_5 : f32 to vector<2000x1xf32>
    %add3A_7 = arith.addf %add3A, %add3A_6 : vector<2000x1xf32>
    %rsqrt3A = math.rsqrt %add3A_7 : vector<2000x1xf32>
    %swap3A = arith.constant 0 : index
    %swap3A_8 = arith.constant 0 : index
    %swap3A_9 = vector.load %arg4[%swap3A, %swap3A_8] : memref<2000x1xf32, #tpu.memory_space<vmem>>, vector<2000x1xf32>
    tpu.vector_store %arg4[%swap3A, %swap3A_8], %rsqrt3A {strides = array<i32>} : memref<2000x1xf32, #tpu.memory_space<vmem>>, vector<2000x1xf32>,
    %get3A_10 = arith.constant 0 : index
    %get3A_11 = arith.constant 0 : index
    %get3A_12 = vector.load %arg3[%get3A_10, %get3A_11] : memref<2000x128xf32, #tpu.memory_space<vmem>>, vector<2000x128xf32>
    %mul3A = vector.broadcast %rsqrt3A : vector<2000x1xf32> to vector<2000x128xf32>
    %mul3A_13 = arith.mulf %get3A_12, %mul3A : vector<2000x128xf32>
    %swap3A_14 = arith.constant 0 : index
    %swap3A_15 = arith.constant 0 : index
    %swap3A_16 = vector.load %arg5[%swap3A_14, %swap3A_15] : memref<2000x128xf32, #tpu.memory_space<vmem>>, vector<2000x128xf32>
    tpu.vector_store %arg5[%swap3A_14, %swap3A_15], %mul3A_13 {strides = array<i32>} : memref<2000x128xf32, #tpu.memory_space<vmem>>, vector<2000x128xf32>,
    return
  }
  func.func @transform_0(%arg0: i32) -> (i32, i32) {
    %c0_i32 = arith.constant 0 : i32
    %c0_i32_0 = arith.constant 0 : i32
    return %arg0, %c0_i32 : i32, i32
  }
  func.func @transform_1(%arg0: i32) -> (i32, i32) {
    %c0_i32 = arith.constant 0 : i32
    %c0_i32_0 = arith.constant 0 : i32
    return %arg0, %c0_i32 : i32, i32
  }
  func.func @transform_2(%arg0: i32) -> (i32, i32) {
    %c0_i32 = arith.constant 0 : i32
    %c0_i32_0 = arith.constant 0 : i32
    return %arg0, %c0_i32 : i32, i32
  }
  func.func @transform_3(%arg0: i32) -> (i32, i32) {
    %c0_i32 = arith.constant 0 : i32
    %c0_i32_0 = arith.constant 0 : i32
    return %arg0, %c0_i32 : i32, i32
  }
  func.func @transform_4(%arg0: i32) -> (i32, i32) {
    %c0_i32 = arith.constant 0 : i32
    %c0_i32_0 = arith.constant 0 : i32
    return %arg0, %c0_i32 : i32, i32
  }
}

module attributes {stable_mosaic.version = 14 : i64} {
  func.func @_tc_mid_body(%arg0: i32, %arg1: memref<2000x128xf32, #tpu.memory_space<vmem>>, %arg2: memref<2000x128xf32, #tpu.memory_space<vmem>>, %arg3: memref<2000x128xf32, #tpu.memory_space<vmem>>, %arg4: memref<2000x1xf32, #tpu.memory_space<vmem>>, %arg5: memref<128x256xf32, #tpu.memory_space<vmem>>, %arg6: memref<1x256xf32, #tpu.memory_space<vmem>>, %arg7: memref<256x128xf32, #tpu.memory_space<vmem>>, %arg8: memref<2000x128xf32, #tpu.memory_space<vmem>>) attributes {dimension_semantics = [#tpu.dimension_semantics<arbitrary>], iteration_bounds = array<i64: 5>, scalar_prefetch = 0 : i64, scratch_operands = 0 : i64, tpu.core_type = #tpu.core_type<tc>, window_params = [{transform_indices = @transform_0, window_bounds = array<i64: 2000, 128>}, {transform_indices = @transform_1, window_bounds = array<i64: 2000, 128>}, {transform_indices = @transform_2, window_bounds = array<i64: 2000, 128>}, {transform_indices = @transform_3, window_bounds = array<i64: 2000, 1>}, {pipeline_mode = #tpu.pipeline_mode<synchronous>, transform_indices = @transform_4, window_bounds = array<i64: 128, 256>}, {pipeline_mode = #tpu.pipeline_mode<synchronous>, transform_indices = @transform_5, window_bounds = array<i64: 1, 256>}, {pipeline_mode = #tpu.pipeline_mode<synchronous>, transform_indices = @transform_6, window_bounds = array<i64: 256, 128>}, {transform_indices = @transform_7, window_bounds = array<i64: 2000, 128>}]} {
    %get3A = arith.constant 0 : index
    %get3A_0 = arith.constant 0 : index
    %get3A_1 = vector.load %arg1[%get3A, %get3A_0] : memref<2000x128xf32, #tpu.memory_space<vmem>>, vector<2000x128xf32>
    %get3A_2 = arith.constant 0 : index
    %get3A_3 = arith.constant 0 : index
    %get3A_4 = vector.load %arg2[%get3A_2, %get3A_3] : memref<2000x128xf32, #tpu.memory_space<vmem>>, vector<2000x128xf32>
    %add3A = arith.addf %get3A_1, %get3A_4 : vector<2000x128xf32>
    %get3A_5 = arith.constant 0 : index
    %get3A_6 = arith.constant 0 : index
    %get3A_7 = vector.load %arg3[%get3A_5, %get3A_6] : memref<2000x128xf32, #tpu.memory_space<vmem>>, vector<2000x128xf32>
    %add3A_8 = arith.addf %add3A, %get3A_7 : vector<2000x128xf32>
    %get3A_9 = arith.constant 0 : index
    %get3A_10 = arith.constant 0 : index
    %get3A_11 = vector.load %arg4[%get3A_9, %get3A_10] : memref<2000x1xf32, #tpu.memory_space<vmem>>, vector<2000x1xf32>
    %mul3A = vector.broadcast %get3A_11 : vector<2000x1xf32> to vector<2000x128xf32>
    %mul3A_12 = arith.mulf %add3A_8, %mul3A : vector<2000x128xf32>
    %get3A_13 = arith.constant 0 : index
    %get3A_14 = arith.constant 0 : index
    %get3A_15 = vector.load %arg5[%get3A_13, %get3A_14] : memref<128x256xf32, #tpu.memory_space<vmem>>, vector<128x256xf32>
    %dot_general3A = arith.constant dense<0.000000e+00> : vector<2000x256xf32>
    %dot_general3A_16 = tpu.matmul %mul3A_12, %get3A_15, %dot_general3A {dimension_numbers = #tpu.dot_dimension_numbers<[1], [0], [0], [1], [0, 0, 1, 1], [], []>, transpose_lhs_hint = false} : vector<2000x128xf32>, vector<128x256xf32>, vector<2000x256xf32> -> vector<2000x256xf32>
    %get3A_17 = arith.constant 0 : index
    %get3A_18 = arith.constant 0 : index
    %get3A_19 = vector.load %arg6[%get3A_17, %get3A_18] : memref<1x256xf32, #tpu.memory_space<vmem>>, vector<1x256xf32>
    %add3A_20 = vector.broadcast %get3A_19 : vector<1x256xf32> to vector<2000x256xf32>
    %add3A_21 = arith.addf %dot_general3A_16, %add3A_20 : vector<2000x256xf32>
    %max3A = arith.constant 0.000000e+00 : f32
    %max3A_22 = vector.broadcast %max3A : f32 to vector<2000x256xf32>
    %max3A_23 = arith.maximumf %add3A_21, %max3A_22 : vector<2000x256xf32>
    %get3A_24 = arith.constant 0 : index
    %get3A_25 = arith.constant 0 : index
    %get3A_26 = vector.load %arg7[%get3A_24, %get3A_25] : memref<256x128xf32, #tpu.memory_space<vmem>>, vector<256x128xf32>
    %dot_general3A_27 = arith.constant dense<0.000000e+00> : vector<2000x128xf32>
    %dot_general3A_28 = tpu.matmul %max3A_23, %get3A_26, %dot_general3A_27 {dimension_numbers = #tpu.dot_dimension_numbers<[1], [0], [0], [1], [0, 0, 1, 1], [], []>, transpose_lhs_hint = false} : vector<2000x256xf32>, vector<256x128xf32>, vector<2000x128xf32> -> vector<2000x128xf32>
    %get3A_29 = arith.constant 0 : index
    %get3A_30 = arith.constant 0 : index
    %get3A_31 = vector.load %arg4[%get3A_29, %get3A_30] : memref<2000x1xf32, #tpu.memory_space<vmem>>, vector<2000x1xf32>
    %mul3A_32 = vector.broadcast %get3A_31 : vector<2000x1xf32> to vector<2000x128xf32>
    %mul3A_33 = arith.mulf %dot_general3A_28, %mul3A_32 : vector<2000x128xf32>
    %swap3A = arith.constant 0 : index
    %swap3A_34 = arith.constant 0 : index
    %swap3A_35 = vector.load %arg8[%swap3A, %swap3A_34] : memref<2000x128xf32, #tpu.memory_space<vmem>>, vector<2000x128xf32>
    tpu.vector_store %arg8[%swap3A, %swap3A_34], %mul3A_33 {strides = array<i32>} : memref<2000x128xf32, #tpu.memory_space<vmem>>, vector<2000x128xf32>,
    return
  }
  func.func @transform_0(%arg0: i32) -> (i32, i32) {
    %c0_i32 = arith.constant 0 : i32
    %c0_i32_0 = arith.constant 0 : i32
    return %arg0, %c0_i32 : i32, i32
  }
  func.func @transform_1(%arg0: i32) -> (i32, i32) {
    %c0_i32 = arith.constant 0 : i32
    %c0_i32_0 = arith.constant 0 : i32
    return %arg0, %c0_i32 : i32, i32
  }
  func.func @transform_2(%arg0: i32) -> (i32, i32) {
    %c0_i32 = arith.constant 0 : i32
    %c0_i32_0 = arith.constant 0 : i32
    return %arg0, %c0_i32 : i32, i32
  }
  func.func @transform_3(%arg0: i32) -> (i32, i32) {
    %c0_i32 = arith.constant 0 : i32
    %c0_i32_0 = arith.constant 0 : i32
    return %arg0, %c0_i32 : i32, i32
  }
  func.func @transform_4(%arg0: i32) -> (i32, i32) {
    %c0_i32 = arith.constant 0 : i32
    %c0_i32_0 = arith.constant 0 : i32
    %c0_i32_1 = arith.constant 0 : i32
    return %c0_i32, %c0_i32_0 : i32, i32
  }
  func.func @transform_5(%arg0: i32) -> (i32, i32) {
    %c0_i32 = arith.constant 0 : i32
    %c0_i32_0 = arith.constant 0 : i32
    %c0_i32_1 = arith.constant 0 : i32
    return %c0_i32, %c0_i32_0 : i32, i32
  }
  func.func @transform_6(%arg0: i32) -> (i32, i32) {
    %c0_i32 = arith.constant 0 : i32
    %c0_i32_0 = arith.constant 0 : i32
    %c0_i32_1 = arith.constant 0 : i32
    return %c0_i32, %c0_i32_0 : i32, i32
  }
  func.func @transform_7(%arg0: i32) -> (i32, i32) {
    %c0_i32 = arith.constant 0 : i32
    %c0_i32_0 = arith.constant 0 : i32
    return %arg0, %c0_i32 : i32, i32
  }
}

module attributes {stable_mosaic.version = 14 : i64} {
  func.func @_tc_fin_body(%arg0: i32, %arg1: memref<2000x128xf32, #tpu.memory_space<vmem>>, %arg2: memref<2000x128xf32, #tpu.memory_space<vmem>>, %arg3: memref<2000x128xf32, #tpu.memory_space<vmem>>, %arg4: memref<2000x1xf32, #tpu.memory_space<vmem>>, %arg5: memref<1x128xf32, #tpu.memory_space<vmem>>, %arg6: memref<2000x128xf32, #tpu.memory_space<vmem>>) attributes {dimension_semantics = [#tpu.dimension_semantics<arbitrary>], iteration_bounds = array<i64: 5>, scalar_prefetch = 0 : i64, scratch_operands = 0 : i64, tpu.core_type = #tpu.core_type<tc>, window_params = [{transform_indices = @transform_0, window_bounds = array<i64: 2000, 128>}, {transform_indices = @transform_1, window_bounds = array<i64: 2000, 128>}, {transform_indices = @transform_2, window_bounds = array<i64: 2000, 128>}, {transform_indices = @transform_3, window_bounds = array<i64: 2000, 1>}, {pipeline_mode = #tpu.pipeline_mode<synchronous>, transform_indices = @transform_4, window_bounds = array<i64: 1, 128>}, {transform_indices = @transform_5, window_bounds = array<i64: 2000, 128>}]} {
    %get3A = arith.constant 0 : index
    %get3A_0 = arith.constant 0 : index
    %get3A_1 = vector.load %arg1[%get3A, %get3A_0] : memref<2000x128xf32, #tpu.memory_space<vmem>>, vector<2000x128xf32>
    %get3A_2 = arith.constant 0 : index
    %get3A_3 = arith.constant 0 : index
    %get3A_4 = vector.load %arg2[%get3A_2, %get3A_3] : memref<2000x128xf32, #tpu.memory_space<vmem>>, vector<2000x128xf32>
    %add3A = arith.addf %get3A_1, %get3A_4 : vector<2000x128xf32>
    %get3A_5 = arith.constant 0 : index
    %get3A_6 = arith.constant 0 : index
    %get3A_7 = vector.load %arg3[%get3A_5, %get3A_6] : memref<2000x128xf32, #tpu.memory_space<vmem>>, vector<2000x128xf32>
    %add3A_8 = arith.addf %add3A, %get3A_7 : vector<2000x128xf32>
    %get3A_9 = arith.constant 0 : index
    %get3A_10 = arith.constant 0 : index
    %get3A_11 = vector.load %arg4[%get3A_9, %get3A_10] : memref<2000x1xf32, #tpu.memory_space<vmem>>, vector<2000x1xf32>
    %mul3A = vector.broadcast %get3A_11 : vector<2000x1xf32> to vector<2000x128xf32>
    %mul3A_12 = arith.mulf %add3A_8, %mul3A : vector<2000x128xf32>
    %get3A_13 = arith.constant 0 : index
    %get3A_14 = arith.constant 0 : index
    %get3A_15 = vector.load %arg5[%get3A_13, %get3A_14] : memref<1x128xf32, #tpu.memory_space<vmem>>, vector<1x128xf32>
    %add3A_16 = vector.broadcast %get3A_15 : vector<1x128xf32> to vector<2000x128xf32>
    %add3A_17 = arith.addf %mul3A_12, %add3A_16 : vector<2000x128xf32>
    %swap3A = arith.constant 0 : index
    %swap3A_18 = arith.constant 0 : index
    %swap3A_19 = vector.load %arg6[%swap3A, %swap3A_18] : memref<2000x128xf32, #tpu.memory_space<vmem>>, vector<2000x128xf32>
    tpu.vector_store %arg6[%swap3A, %swap3A_18], %add3A_17 {strides = array<i32>} : memref<2000x128xf32, #tpu.memory_space<vmem>>, vector<2000x128xf32>,
    return
  }
  func.func @transform_0(%arg0: i32) -> (i32, i32) {
    %c0_i32 = arith.constant 0 : i32
    %c0_i32_0 = arith.constant 0 : i32
    return %arg0, %c0_i32 : i32, i32
  }
  func.func @transform_1(%arg0: i32) -> (i32, i32) {
    %c0_i32 = arith.constant 0 : i32
    %c0_i32_0 = arith.constant 0 : i32
    return %arg0, %c0_i32 : i32, i32
  }
  func.func @transform_2(%arg0: i32) -> (i32, i32) {
    %c0_i32 = arith.constant 0 : i32
    %c0_i32_0 = arith.constant 0 : i32
    return %arg0, %c0_i32 : i32, i32
  }
  func.func @transform_3(%arg0: i32) -> (i32, i32) {
    %c0_i32 = arith.constant 0 : i32
    %c0_i32_0 = arith.constant 0 : i32
    return %arg0, %c0_i32 : i32, i32
  }
  func.func @transform_4(%arg0: i32) -> (i32, i32) {
    %c0_i32 = arith.constant 0 : i32
    %c0_i32_0 = arith.constant 0 : i32
    %c0_i32_1 = arith.constant 0 : i32
    return %c0_i32, %c0_i32_0 : i32, i32
  }
  func.func @transform_5(%arg0: i32) -> (i32, i32) {
    %c0_i32 = arith.constant 0 : i32
    %c0_i32_0 = arith.constant 0 : i32
    return %arg0, %c0_i32 : i32, i32
  }
}

</mosaic_0001>

<sc_bundles>
// kernel: kernel.11.cloned.1.call-start
scs
__scs_entry_jumppad:
0x0: {  	(pc) =	sbr.rel $0x88, $3  }
0x1: {  	(tag) =	ssettag $0x0;
	lr =	simm.s32 $0x1  }
0x2: {  	[smem:$0x3F9B] =	sst lr;
	_ =	strace $0xD0000000  }
0x3: {  	_ = 	snop  }
0x4: {  	_ = 	snop  }
0x5: {  	_ = 	snop  }
0x6: {  	_ = 	snop  }
0x7: {  	_ = 	snop  }
__scs_overlays_trampoline_lowered:
0x8: {  	[smem:$0x3FAA] =	sst s0  }
0x9: {  	[smem:$0x3FAB] =	sst s1  }
0xa: {  	[smem:$0x3FAC] =	sst s2  }
0xb: {  	[smem:$0x3FAD] =	sst s3  }
0xc: {  	[smem:$0x3FAE] =	sst s4  }
0xd: {  	[smem:$0x3FAF] =	sst s5  }
0xe: {  	[smem:$0x3FB0] =	sst s6  }
0xf: {  	[smem:$0x3FB1] =	sst s7  }
0x10: {  	[smem:$0x3FB2] =	sst s8  }
0x11: {  	[smem:$0x3FB3] =	sst s9;
	s0 =	simm.s32 @!p0 $0x0  }
0x12: {  	s1 =	sld [smem:$0x3F99];
	s0 =	simm.s32 @p0 $0x1  }
0x13: {  	[smem:$0x3FB4] =	sst s0;
	s0 =	simm.s32 @!p1 $0x0  }
0x14: {  	s2 =	sld [smem:$0x3F98];
	s0 =	simm.s32 @p1 $0x1  }
0x15: {  	[smem:$0x3FB5] =	sst s0;
	s0 =	simm.s32 @!p2 $0x0  }
0x16: {  	s3 =	sld [smem:$0x3FDB];
	s0 =	simm.s32 @p2 $0x1  }
0x17: {  	s4 =	simm.s32 $0x1BF5;
	[smem:$0x3FB7] =	sst s0  }
0x18: {  	s0 =	sld [smem:$0x3F9A];
	_ =	swait.ge [sflag:s4], $0x0  }
0x19: {  	s7 =	sld [smem:$0x3F9B]  }
0x1a: {  	s8 =	sadd.s32 $0xFFFFE003, lr  }
0x1b: {  	s9 =	sadd.s32 $0xFFFFFEF7, lr;
	s5 =	simm.s32 $0xFFFFFFFF;
	p2 =	slt.u32 s8, $0xFFFFF086  }
0x1c: {  	p1 =	slt.u32 s9, $0xF7A;
	s5 =	simm.s32 @!p2 $0x0  }
0x1d: {  	s5 =	simm.s32 @p1 $0x1;
	p0 =	seq.s32 s7, s2  }
0x1e: {  	s7 =	smul.u32 @!p0 $0xF7A, s2;
	p2 =	seq.s32 @!p0 s5, $0x0  }
0x1f: {  	s9 =	smul.u32 $0xF7A, s1;
	s8 =	simm.s32 @!p0 $0x1BF5;
	p2 =	por !p2, p0  }
0x20: {  	[sflag:s8] =	ssyncset.s32 @!p0 $0xFFFFF086;
	s6 =	sadd.s32 @!p0 s3, s7;
	s7 =	simm.s32 @!p0 $0x108  }
0x21: {  	s3 =	sadd.s32 s3, s9;
	s6 =	sadd.s32 @!p0 $0x88, s6;
	s7 =	simm.s32 @p2 $0x1082  }
0x22: {  	[simem:s7], [sflag:s8] =	dma.local @!p0 [hbm:s6], $0xF7A  }
0x23: {  	s9 =	sor.u32 $0xD0000000, s2;
	s6 =	simm.s32 $0x108;
	_ =	swait.ge @!p0 [sflag:s8], $0x0  }
0x24: {  	s3 =	sadd.s32 $0x88, s3;
	s6 =	simm.s32 @!p1 $0x1082;
	[sflag:s4] =	ssyncset.s32 $0xFFFFF086  }
0x25: {  	[simem:s6], [sflag:s4] =	dma.local [hbm:s3], $0xF7A  }
0x26: {  	[smem:$0x3F9B] =	sst s1;
	(tag) =	ssettag s2;
	_ =	strace s9  }
0x27: {  	s1 =	sld [smem:$0x3FAB]  }
0x28: {  	s2 =	sld [smem:$0x3FAC]  }
0x29: {  	s4 =	sld [smem:$0x3FAE]  }
0x2a: {  	p0 =	seq.s32 s5, $0x0;
	s5 =	sld [smem:$0x3FAF]  }
0x2b: {  	s6 =	sld [smem:$0x3FB0]  }
0x2c: {  	s7 =	sld [smem:$0x3FB1]  }
0x2d: {  	s3 =	simm.s32 $0x108;
	s8 =	sld [smem:$0x3FB2]  }
0x2e: {  	s3 =	simm.s32 @!p0 $0x1082;
	s9 =	sld [smem:$0x3FB3]  }
0x2f: {  	lr =	sadd.s32 s0, s3;
	s0 =	sld [smem:$0x3FAA]  }
0x30: {  	s3 =	sld [smem:$0x3FAD]  }
0x31: {  	[smem:$0x3FB6] =	sst s10  }
0x32: {  	s10 =	sld [smem:$0x3FB4];
	_ =	sdelay $0x3  }
0x33: {  	p0 =	seq.s32 s10, $0x1;
	s10 =	sld [smem:$0x3FB6];
	_ =	sdelay $0x3  }
0x34: {  	[smem:$0x3FB6] =	sst s10  }
0x35: {  	s10 =	sld [smem:$0x3FB5];
	_ =	sdelay $0x3  }
0x36: {  	p1 =	seq.s32 s10, $0x1;
	s10 =	sld [smem:$0x3FB6];
	_ =	sdelay $0x3  }
0x37: {  	[smem:$0x3FB6] =	sst s10  }
0x38: {  	s10 =	sld [smem:$0x3FB7]  }
0x39: {  	_ = 	snop;
	(pc) =	sbr.ind lr, $3  }
0x3a: {  	_ = 	snop  }
0x3b: {  	_ = 	snop  }
0x3c: {  	p2 =	seq.s32 s10, $0x1;
	s10 =	sld [smem:$0x3FB6]  }
0x3d: {  	_ =	shalt  }
0x3e: {  	_ =	shalt  }
0x3f: {  	_ =	shalt  }
0x40: {  	_ =	shalt  }
0x41: {  	_ =	shalt  }
0x42: {  	_ =	shalt  }
0x43: {  	_ =	shalt  }
0x44: {  	_ =	shalt  }
0x45: {  	_ =	shalt  }
0x46: {  	_ =	shalt  }
0x47: {  	_ =	shalt  }
0x48: {  	_ =	shalt  }
0x49: {  	_ =	shalt  }
0x4a: {  	_ =	shalt  }
0x4b: {  	_ =	shalt  }
0x4c: {  	_ =	shalt  }
0x4d: {  	_ =	shalt  }
0x4e: {  	_ =	shalt  }
0x4f: {  	_ =	shalt  }
0x50: {  	_ =	shalt  }
0x51: {  	_ =	shalt  }
0x52: {  	_ =	shalt  }
0x53: {  	_ =	shalt  }
0x54: {  	_ =	shalt  }
0x55: {  	_ =	shalt  }
0x56: {  	_ =	shalt  }
0x57: {  	_ =	shalt  }
0x58: {  	_ =	shalt  }
0x59: {  	_ =	shalt  }
0x5a: {  	_ =	shalt  }
0x5b: {  	_ =	shalt  }
0x5c: {  	_ =	shalt  }
0x5d: {  	_ =	shalt  }
0x5e: {  	_ =	shalt  }
0x5f: {  	_ =	shalt  }
0x60: {  	_ =	shalt  }
0x61: {  	_ =	shalt  }
0x62: {  	_ =	shalt  }
0x63: {  	_ =	shalt  }
0x64: {  	_ =	shalt  }
0x65: {  	_ =	shalt  }
0x66: {  	_ =	shalt  }
0x67: {  	_ =	shalt  }
0x68: {  	_ =	shalt  }
0x69: {  	_ =	shalt  }
0x6a: {  	_ =	shalt  }
0x6b: {  	_ =	shalt  }
0x6c: {  	_ =	shalt  }
0x6d: {  	_ =	shalt  }
0x6e: {  	_ =	shalt  }
0x6f: {  	_ =	shalt  }
0x70: {  	_ =	shalt  }
0x71: {  	_ =	shalt  }
0x72: {  	_ =	shalt  }
0x73: {  	_ =	shalt  }
0x74: {  	_ =	shalt  }
0x75: {  	_ =	shalt  }
0x76: {  	_ =	shalt  }
0x77: {  	_ =	shalt  }
0x78: {  	_ =	shalt  }
0x79: {  	_ =	shalt  }
0x7a: {  	_ =	shalt  }
0x7b: {  	_ =	shalt  }
0x7c: {  	_ =	shalt  }
0x7d: {  	_ =	shalt  }
0x7e: {  	_ =	shalt  }
0x7f: {  	_ =	shalt  }
0x80: {  	_ =	shalt  }
0x81: {  	_ =	shalt  }
0x82: {  	_ =	shalt  }
0x83: {  	_ =	shalt  }
0x84: {  	_ =	shalt  }
0x85: {  	_ =	shalt  }
0x86: {  	_ =	shalt  }
0x87: {  	_ =	shalt  }
.Lfunc_end0:
.L_simem_size_0:
called_computation.1_lowered:
.L_overlay_start_0:
0x88: {  	s2 =	sld [smem:$0x3FD9]  }
0x89: {  	s3 =	sld [smem:$0x3FFE];
	_ =	sdelay $0x1  }
0x8a: {  	s1 =	srdreg.scid  }
0x8b: {  	s0 =	sand.u32 $0x1, s1  }
0x8c: {  	s16 =	sshll.u32 s0, $0xA;
	s2 =	sadd.s32 s3, s2  }
0x8d: {  	s2 =	sadd.s32 s2, s16  }
0x8e: {  	[smem:$0x3FC2] =	sst s2  }
0x8f: {  	_ = 	snop  }
0x90: {  	(tm) =	ssettm $0x1  }
0x91: {  	s17 =	sld [smem:$0x3FFB];
	_ =	sdelay $0x3  }
0x92: {  	_ =	strace s17  }
0x93: {  	s2 =	sld [smem:$0x3FFC];
	_ =	sdelay $0x3  }
0x94: {  	_ =	strace s2  }
0x95: {  	s2 =	sld [smem:$0x3FFD];
	_ =	sdelay $0x3  }
0x96: {  	_ =	strace s2  }
0x97: {  	_ =	strace $0x8FFFFFFF  }
0x98: {  	s18 =	sld [smem:$0x3FDB];
	_ =	sdelay $0x1  }
0x99: {  	s19 =	simm.s32 $_scs_section_size  }
0x9a: {  	s4 =	simm.s32 $_size__tile_overlayer_lowered;
	s5 =	simm.s32 $_tile_overlayer_lowered  }
0x9b: {  	s22 =	simm.s32 $0x1BFF;
	s21 =	sshll.u32 s5, $0x1;
	s2 =	sadd.s32 s19, s18  }
0x9c: {  	s6 =	simm.s32 $0x0;
	s20 =	sshll.u32 s4, $0x1;
	s4 =	sadd.s32 s21, s2  }
0x9d: {  	[timem:s6], [sflag:s22] =	dma.local [hbm:s4], s20  }
0x9e: {  	_ =	swait.ge [sflag:s22], s20  }
0x9f: {  	s3 =	ssub.s32 $0x0, s20;
	[sflag:s22] =	ssyncset.done $0x0  }
0xa0: {  	[sflag:s22] =	ssyncadd.s32 s3;
	_ =	sdelay $0x1  }
0xa1: {  	s23 =	simm.s32 $0x1B8B  }
0xa2: {  	_ =	swait.ge [sflag:s23], $0x1  }
0xa3: {  	[sflag:s23] =	ssyncset.done $0x0  }
0xa4: {  	s25 =	simm.s32 $0x1B8E;
	s24 =	sld [smem:$0x3FFE];
	[sflag:s23] =	ssyncadd.s32 $0xFFFFFFFF  }
0xa5: {  	s26 =	simm.s32 $execute0_lowered;
	[smem:$0x3FD2] =	sst s25  }
0xa6: {  	s4 =	sshll.u32 s26, $0x1;
	_ =	strace $0x80000049;
	[dreg:$0x1] =	wrdreg $0xFFFFFFFF  }
0xa7: {  	s28 =	simm.s32 $_size_execute0_lowered;
	s2 =	sadd.s32 s2, s4;
	[dreg:$0x0] =	wrdreg $0x0  }
0xa8: {  	s4 =	sshll.u32 s28, $0x1;
	[dreg:$0x2] =	wrdreg s2  }
0xa9: {  	[dreg:$0x3] =	wrdreg s4  }
0xaa: {  	[dreg:$0x4] =	wrdreg $0xC0  }
0xab: {  	_ =	task [dreg:s6], $0x5FFFF  }
0xac: {  	[dreg:$0x1] =	wrdreg $0xFFFFFFFF  }
0xad: {  	[dreg:$0x0] =	wrdreg $0x60  }
0xae: {  	[dreg:$0x2] =	wrdreg s24  }
0xaf: {  	[dreg:$0x3] =	wrdreg $0x84000  }
0xb0: {  	[dreg:$0x4] =	wrdreg $0x9  }
0xb1: {  	_ =	task.clear_ibuf [dreg:s6], $0x5FFFF;
	_ =	strace $0x90000049  }
0xb2: {  	s29 =	simm.s32 $0x9;
	_ =	strace $0x8000004B  }
0xb3: {  	_ =	swait.ge [sflag:s29], $0x1  }
0xb4: {  	[sflag:s29] =	ssyncadd.s32 $0xFFFFFFFF  }
0xb5: {  	_ =	strace $0x9000004B  }
0xb6: {  	_ =	sfence  }
0xb7: {  	s30 =	sld [smem:$0x0];
	_ =	sdelay $0x2  }
0xb8: {  	s31 =	sshll.u32 s1, $0xD;
	s1 =	sshrl.u32 s1, $0x2  }
0xb9: {  	s3 =	sand.u32 $0x4000, s31;
	s1 =	sadd.s32 s1, s30  }
0xba: {  	s0 =	sor.u32 s3, s0;
	s1 =	sshll.u32 s1, $0x11  }
0xbb: {  	s0 =	sor.u32 s1, s0  }
0xbc: {  	s0 =	sadd.s32 $0x8F2B, s0  }
0xbd: {  	[sflag:s0] =	ssyncadd.remote.s32 $0x1  }
0xbe: {  	_ =	sfence.sel $0xFFFF  }
0xbf: {  	[dreg:$0x0] =	wrdreg $0xFFFFFFFF;
	(pc) =	sbr.abs _section_cstart, $3  }
0xc0: {  	[dreg:$0x1] =	wrdreg $0xFFFFFFFF  }
0xc1: {  	_ =	task.clear_ibuf [dreg:s6], $0x2FFFF;
	_ =	strace $0x9FFFFFFF  }
0xc2: {  	(tm) =	ssettm $0x7FFFFFFF  }
0xc3: {  	_ =	shalt  }
tec
execute0_lowered:
.L_overlay_start_1:
0x0: {  	(tag) =	ssettag $0x1  }
0x1: {  	s0 =	rddreg [dreg:$0x0]  }
0x2: {  	s2 =	rddreg [dreg:$0x1];
	s12 =	stileid.u32  }
0x3: {  	s1 =	srdreg.scid;
	s3 =	simm.s32 $0x0;
	s28 =	simm.s32 $0x6  }
0x4: {  	s29 =	simm.s32 $0x180;
	s30 =	simm.s32 $0x7;
	s31 =	simm.s32 $0x300  }
0x5: {  	s5 =	smul.u32 $0x2800, s12;
	s1 =	sand.u32 $0x1, s1;
	[smem:$0x7FF] =	sst s3  }
0x6: {  	s7 =	smul.u32 $0x14000, s12;
	s9 =	sadd.s32 $0x2000, s0;
	s4 =	sadd.s32 $0x16000, s0  }
0x7: {  	s14 =	sshll.u32 s12, $0x5;
	s19 =	sshll.u32 s12, $0x6;
	s6 =	smul.u32 $0x140000, s1  }
0x8: {  	_ =	strace $0x8000004A;
	s13 =	sshll.u32 s1, $0x9;
	s1 =	ssub.s32 $0x2, s1  }
0x9: {  	s8 =	sadd.s32 s5, s0;
	s15 =	sshrl.u32 s1, $0x1;
	s11 =	sadd.s32 s7, s6  }
0xa: {  	s6 =	sor.u32 s14, s13;
	s7 =	sand.u32 $0x60, s14;
	s1 =	ssub.s32 s1, s15  }
0xb: {  	s8 =	sadd.s32 $0x3E000, s8;
	s5 =	sshrl.u32 s11, $0x3;
	s10 =	sand.u32 $0x380, s6  }
0xc: {  	s11 =	smul.u32 $0x50000, s12;
	[dreg:$0x5] =	wrdreg s8;
	s8 =	sor.u32 $0x1C09, s19  }
0xd: {  	s20 =	sor.u32 $0x1C00, s6;
	s22 =	smax.u32 s1, $0x1;
	s24 =	sor.u32 $0x1800, s6  }
0xe: {  	s25 =	sor.u32 $0x1400, s6;
	s6 =	sor.u32 $0x1000, s6;
	s19 =	simm.s32 $0x9  }
0xf: {  	s0 =	sadd.s32 s5, s0;
	s10 =	sor.u32 s7, s10;
	[dreg:$0x9] =	wrdreg s22  }
0x10: {  	s1 =	sand.u32 $0x1780, s25;
	s6 =	sand.u32 $0x1380, s6;
	s22 =	simm.s32 $0x400  }
0x11: {  	s25 =	simm.s32 $0x2;
	s16 =	sadd.s32 s9, s10;
	s17 =	sshrl.u32 s11, $0x2  }
0x12: {  	s11 =	sand.u32 $0x1F80, s20;
	s0 =	sadd.s32 $0x66000, s0;
	s1 =	sadd.s32 s1, s9  }
0x13: {  	s26 =	sadd.s32 s6, s9;
	s20 =	simm.s32 $0x1;
	s6 =	simm.s32 $0x8  }
0x14: {  	s18 =	sadd.s32 $0x400, s16;
	s10 =	sadd.s32 s17, s2;
	[dreg:$0x3] =	wrdreg s16  }
0x15: {  	s21 =	sadd.s32 $0x800, s16;
	s5 =	sadd.s32 $0xC00, s16;
	[dreg:$0x8] =	wrdreg s0  }
0x16: {  	s23 =	sadd.s32 s11, s9;
	s0 =	sand.u32 $0x1B80, s24;
	s15 =	sadd.s32 s7, s1  }
0x17: {  	s16 =	sadd.s32 s7, s26;
	s17 =	simm.s32 $0x100;
	[dreg:$0x4] =	wrdreg s18  }
0x18: {  	s24 =	simm.s32 $0x200;
	s26 =	simm.s32 $0x4400;
	[dreg:$0x6] =	wrdreg s21  }
0x19: {  	s1 =	simm.s32 $0x280;
	[dreg:$0x7] =	wrdreg s5;
	s13 =	sadd.s32 s7, s23  }
0x1a: {  	s0 =	sadd.s32 s0, s9;
	s18 =	sshrl.u32 s10, $0x3;
	s21 =	simm.s32 $0x80  }
0x1b: {  	s23 =	simm.s32 $0x5;
	s9 =	simm.s32 $0x380;
	s10 =	simm.s32 $0x0  }
0x1c: {  	s14 =	sadd.s32 s7, s0;
	s0 =	simm.s32 $0x3;
	s7 =	simm.s32 $0x4  }
.LBB2_1:
0x1d: {  	s5 =	rddreg [dreg:$0x3]  }
0x1e: {  	s12 =	rddreg [dreg:$0x4]  }
0x1f: {  	[tilespmem:s3], [sflag:$0x1] =	stream.linear.gather [hbm4b:s5+s3], $0x100, $0x38;
	[tilespmem:$0x1C400] =	vst v63  }
0x20: {  	s11 =	rddreg [dreg:$0x5]  }
0x21: {  	[tilespmem:s17], [sflag:$0x2] =	stream.linear.gather [hbm4b:s12+s3], $0x100, $0x38;
	[tilespmem:$0x1C400] =	vst v63  }
0x22: {  	[spmem:s18], [sflag:s8] =	dma.local [hbm:s11], $0x2800  }
0x23: {  	_ =	swait.ge [sflag:s19], $0x2800  }
0x24: {  	[sflag:s19] =	ssyncset.done $0x0  }
0x25: {  	[sflag:s19] =	ssyncadd.s32 $0xFFFFD800  }
0x26: {  	_ =	swait.ge [sflag:s20], $0x100  }
0x27: {  	[sflag:s20] =	ssyncset.done $0x0  }
0x28: {  	[sflag:s20] =	ssyncadd.s32 $0xFFFFFF00  }
0x29: {  	[tilespmem:s22], [sflag:$0x5] =	stream.indirect.gather [hbm4b:s4+s21], $0x80, s3, s21, $0xb8;
	[tilespmem:$0x1C400] =	vst v63  }
0x2a: {  	[bflag:$0x0] =	sbarrier.arrive $0xFFFF  }
0x2b: {  	_ =	swait.ge [sflag:s23], $0x4000  }
0x2c: {  	[sflag:s23] =	ssyncset.done $0x0  }
0x2d: {  	[sflag:s23] =	ssyncadd.s32 $0xFFFFC000  }
0x2e: {  	[spmem:s2] =	stream.indirect.scatter.add.f32 [tilespmem:s22], [sflag:$0x7], $0x80, s21, s21, $0xb8;
	[tilespmem:$0x1C400] =	vst v63  }
0x2f: {  	s12 =	rddreg [dreg:$0x6]  }
0x30: {  	[tilespmem:s24], [sflag:$0x3] =	stream.linear.gather [hbm4b:s12+s3], $0x100, $0x38;
	[tilespmem:$0x1C400] =	vst v63  }
0x31: {  	_ =	swait.ge [sflag:s25], $0x100  }
0x32: {  	[sflag:s25] =	ssyncset.done $0x0  }
0x33: {  	[sflag:s25] =	ssyncadd.s32 $0xFFFFFF00  }
0x34: {  	[tilespmem:s26], [sflag:$0x6] =	stream.indirect.gather [hbm4b:s4+s21], $0x80, s17, s21, $0xb8;
	[tilespmem:$0x1C400] =	vst v63  }
0x35: {  	_ =	swait.ge [sflag:s28], $0x4000  }
0x36: {  	[sflag:s28] =	ssyncset.done $0x0  }
0x37: {  	[sflag:s28] =	ssyncadd.s32 $0xFFFFC000  }
0x38: {  	[spmem:s2] =	stream.indirect.scatter.add.f32 [tilespmem:s26], [sflag:$0x8], $0x80, s29, s21, $0xb8;
	[tilespmem:$0x1C400] =	vst v63  }
0x39: {  	_ =	swait.ge [sflag:s30], $0x4000  }
0x3a: {  	[sflag:s30] =	ssyncset.done $0x0  }
0x3b: {  	s11 =	rddreg [dreg:$0x7];
	[sflag:s30] =	ssyncadd.s32 $0xFFFFC000  }
0x3c: {  	[tilespmem:s31], [sflag:$0x4] =	stream.linear.gather [hbm4b:s11+s3], $0x100, $0x38;
	[tilespmem:$0x1C400] =	vst v63  }
0x3d: {  	_ =	swait.ge [sflag:s0], $0x100  }
0x3e: {  	[sflag:s0] =	ssyncset.done $0x0  }
0x3f: {  	[sflag:s0] =	ssyncadd.s32 $0xFFFFFF00  }
0x40: {  	[tilespmem:s22], [sflag:$0x5] =	stream.indirect.gather [hbm4b:s4+s21], $0x80, s24, s21, $0xb8;
	[tilespmem:$0x1C400] =	vst v63  }
0x41: {  	_ =	swait.ge [sflag:s23], $0x4000  }
0x42: {  	[sflag:s23] =	ssyncset.done $0x0  }
0x43: {  	[sflag:s23] =	ssyncadd.s32 $0xFFFFC000  }
0x44: {  	[spmem:s2] =	stream.indirect.scatter.add.f32 [tilespmem:s22], [sflag:$0x7], $0x80, s1, s21, $0xb8;
	[tilespmem:$0x1C400] =	vst v63  }
0x45: {  	_ =	swait.ge [sflag:s6], $0x4000  }
0x46: {  	[sflag:s6] =	ssyncset.done $0x0  }
0x47: {  	s11 =	sadd.s32 $0x0, s16;
	[sflag:s6] =	ssyncadd.s32 $0xFFFFC000  }
0x48: {  	[tilespmem:s3], [sflag:$0x1] =	stream.linear.gather [hbm4b:s11+s3], $0x100, $0x38;
	[tilespmem:$0x1C400] =	vst v63  }
0x49: {  	_ =	swait.ge [sflag:s7], $0x100  }
0x4a: {  	[sflag:s7] =	ssyncset.done $0x0  }
0x4b: {  	[sflag:s7] =	ssyncadd.s32 $0xFFFFFF00  }
0x4c: {  	[tilespmem:s26], [sflag:$0x6] =	stream.indirect.gather [hbm4b:s4+s21], $0x80, s31, s21, $0xb8;
	[tilespmem:$0x1C400] =	vst v63  }
0x4d: {  	_ =	swait.ge [sflag:s28], $0x4000  }
0x4e: {  	[sflag:s28] =	ssyncset.done $0x0  }
0x4f: {  	[sflag:s28] =	ssyncadd.s32 $0xFFFFC000  }
0x50: {  	[spmem:s2] =	stream.indirect.scatter.add.f32 [tilespmem:s26], [sflag:$0x8], $0x80, s9, s21, $0xb8;
	[tilespmem:$0x1C400] =	vst v63  }
0x51: {  	_ =	swait.ge [sflag:s30], $0x4000  }
0x52: {  	[sflag:s30] =	ssyncset.done $0x0  }
0x53: {  	s12 =	sadd.s32 $0x0, s15;
	[sflag:s30] =	ssyncadd.s32 $0xFFFFC000  }
0x54: {  	[tilespmem:s17], [sflag:$0x2] =	stream.linear.gather [hbm4b:s12+s3], $0x100, $0x38;
	[tilespmem:$0x1C400] =	vst v63  }
0x55: {  	_ =	swait.ge [sflag:s20], $0x100  }
0x56: {  	[sflag:s20] =	ssyncset.done $0x0  }
0x57: {  	[sflag:s20] =	ssyncadd.s32 $0xFFFFFF00  }
0x58: {  	[tilespmem:s22], [sflag:$0x5] =	stream.indirect.gather [hbm4b:s4+s21], $0x80, s3, s21, $0xb8;
	[tilespmem:$0x1C400] =	vst v63  }
0x59: {  	_ =	swait.ge [sflag:s23], $0x4000  }
0x5a: {  	[sflag:s23] =	ssyncset.done $0x0  }
0x5b: {  	[sflag:s23] =	ssyncadd.s32 $0xFFFFC000  }
0x5c: {  	[spmem:s2] =	stream.indirect.scatter.add.f32 [tilespmem:s22], [sflag:$0x7], $0x80, s21, s21, $0xb8;
	[tilespmem:$0x1C400] =	vst v63  }
0x5d: {  	_ =	swait.ge [sflag:s6], $0x4000  }
0x5e: {  	[sflag:s6] =	ssyncset.done $0x0  }
0x5f: {  	s5 =	sadd.s32 $0x0, s14;
	[sflag:s6] =	ssyncadd.s32 $0xFFFFC000  }
0x60: {  	[tilespmem:s24], [sflag:$0x3] =	stream.linear.gather [hbm4b:s5+s3], $0x100, $0x38;
	[tilespmem:$0x1C400] =	vst v63  }
0x61: {  	_ =	swait.ge [sflag:s25], $0x100  }
0x62: {  	[sflag:s25] =	ssyncset.done $0x0  }
0x63: {  	[sflag:s25] =	ssyncadd.s32 $0xFFFFFF00  }
0x64: {  	[tilespmem:s26], [sflag:$0x6] =	stream.indirect.gather [hbm4b:s4+s21], $0x80, s17, s21, $0xb8;
	[tilespmem:$0x1C400] =	vst v63  }
0x65: {  	_ =	swait.ge [sflag:s28], $0x4000  }
0x66: {  	[sflag:s28] =	ssyncset.done $0x0  }
0x67: {  	[sflag:s28] =	ssyncadd.s32 $0xFFFFC000  }
0x68: {  	[spmem:s2] =	stream.indirect.scatter.add.f32 [tilespmem:s26], [sflag:$0x8], $0x80, s29, s21, $0xb8;
	[tilespmem:$0x1C400] =	vst v63  }
0x69: {  	_ =	swait.ge [sflag:s30], $0x4000  }
0x6a: {  	[sflag:s30] =	ssyncset.done $0x0  }
0x6b: {  	s12 =	sadd.s32 $0x0, s13;
	[sflag:s30] =	ssyncadd.s32 $0xFFFFC000  }
0x6c: {  	[tilespmem:s31], [sflag:$0x4] =	stream.linear.gather [hbm4b:s12+s3], $0x100, $0x38;
	[tilespmem:$0x1C400] =	vst v63  }
0x6d: {  	_ =	swait.ge [sflag:s0], $0x100  }
0x6e: {  	[sflag:s0] =	ssyncset.done $0x0  }
0x6f: {  	s11 =	simm.s32 $0x1000;
	[sflag:s0] =	ssyncadd.s32 $0xFFFFFF00  }
.LBB2_2:
0x70: {  	[tilespmem:s22], [sflag:$0x5] =	stream.indirect.gather [hbm4b:s4+s21], $0x80, s24, s21, $0xb8;
	[tilespmem:$0x1C400] =	vst v63  }
0x71: {  	s12 =	smov.u32 s11  }
0x72: {  	p0 =	sne.s32 s11, $0x12000;
	s11 =	sadd.s32 $0x1000, s11;
	_ =	swait.ge [sflag:s23], $0x4000  }
0x73: {  	[sflag:s23] =	ssyncset.done $0x0  }
0x74: {  	[sflag:s23] =	ssyncadd.s32 $0xFFFFC000  }
0x75: {  	[spmem:s2] =	stream.indirect.scatter.add.f32 [tilespmem:s22], [sflag:$0x7], $0x80, s1, s21, $0xb8;
	[tilespmem:$0x1C400] =	vst v63  }
0x76: {  	_ =	swait.ge [sflag:s6], $0x4000  }
0x77: {  	[sflag:s6] =	ssyncset.done $0x0  }
0x78: {  	s5 =	sadd.s32 s12, s16;
	[sflag:s6] =	ssyncadd.s32 $0xFFFFC000  }
0x79: {  	[tilespmem:s3], [sflag:$0x1] =	stream.linear.gather [hbm4b:s5+s3], $0x100, $0x38;
	[tilespmem:$0x1C400] =	vst v63  }
0x7a: {  	_ =	swait.ge [sflag:s7], $0x100  }
0x7b: {  	[sflag:s7] =	ssyncset.done $0x0  }
0x7c: {  	[sflag:s7] =	ssyncadd.s32 $0xFFFFFF00  }
0x7d: {  	[tilespmem:s26], [sflag:$0x6] =	stream.indirect.gather [hbm4b:s4+s21], $0x80, s31, s21, $0xb8;
	[tilespmem:$0x1C400] =	vst v63  }
0x7e: {  	_ =	swait.ge [sflag:s28], $0x4000  }
0x7f: {  	[sflag:s28] =	ssyncset.done $0x0  }
0x80: {  	[sflag:s28] =	ssyncadd.s32 $0xFFFFC000  }
0x81: {  	[spmem:s2] =	stream.indirect.scatter.add.f32 [tilespmem:s26], [sflag:$0x8], $0x80, s9, s21, $0xb8;
	[tilespmem:$0x1C400] =	vst v63  }
0x82: {  	_ =	swait.ge [sflag:s30], $0x4000  }
0x83: {  	[sflag:s30] =	ssyncset.done $0x0  }
0x84: {  	s5 =	sadd.s32 s12, s15;
	[sflag:s30] =	ssyncadd.s32 $0xFFFFC000  }
0x85: {  	[tilespmem:s17], [sflag:$0x2] =	stream.linear.gather [hbm4b:s5+s3], $0x100, $0x38;
	[tilespmem:$0x1C400] =	vst v63  }
0x86: {  	_ =	swait.ge [sflag:s20], $0x100  }
0x87: {  	[sflag:s20] =	ssyncset.done $0x0  }
0x88: {  	[sflag:s20] =	ssyncadd.s32 $0xFFFFFF00  }
0x89: {  	[tilespmem:s22], [sflag:$0x5] =	stream.indirect.gather [hbm4b:s4+s21], $0x80, s3, s21, $0xb8;
	[tilespmem:$0x1C400] =	vst v63  }
0x8a: {  	_ =	swait.ge [sflag:s23], $0x4000  }
0x8b: {  	[sflag:s23] =	ssyncset.done $0x0  }
0x8c: {  	[sflag:s23] =	ssyncadd.s32 $0xFFFFC000  }
0x8d: {  	[spmem:s2] =	stream.indirect.scatter.add.f32 [tilespmem:s22], [sflag:$0x7], $0x80, s21, s21, $0xb8;
	[tilespmem:$0x1C400] =	vst v63  }
0x8e: {  	_ =	swait.ge [sflag:s6], $0x4000  }
0x8f: {  	[sflag:s6] =	ssyncset.done $0x0  }
0x90: {  	s5 =	sadd.s32 s12, s14;
	[sflag:s6] =	ssyncadd.s32 $0xFFFFC000  }
0x91: {  	[tilespmem:s24], [sflag:$0x3] =	stream.linear.gather [hbm4b:s5+s3], $0x100, $0x38;
	[tilespmem:$0x1C400] =	vst v63  }
0x92: {  	_ =	swait.ge [sflag:s25], $0x100  }
0x93: {  	[sflag:s25] =	ssyncset.done $0x0  }
0x94: {  	[sflag:s25] =	ssyncadd.s32 $0xFFFFFF00  }
0x95: {  	[tilespmem:s26], [sflag:$0x6] =	stream.indirect.gather [hbm4b:s4+s21], $0x80, s17, s21, $0xb8;
	[tilespmem:$0x1C400] =	vst v63  }
0x96: {  	_ =	swait.ge [sflag:s28], $0x4000  }
0x97: {  	[sflag:s28] =	ssyncset.done $0x0  }
0x98: {  	[sflag:s28] =	ssyncadd.s32 $0xFFFFC000  }
0x99: {  	[spmem:s2] =	stream.indirect.scatter.add.f32 [tilespmem:s26], [sflag:$0x8], $0x80, s29, s21, $0xb8;
	[tilespmem:$0x1C400] =	vst v63  }
0x9a: {  	_ =	swait.ge [sflag:s30], $0x4000  }
0x9b: {  	[sflag:s30] =	ssyncset.done $0x0  }
.Ltmp0:
0x9c: {  	s5 =	sadd.s32 s12, s13;
	[sflag:s30] =	ssyncadd.s32 $0xFFFFC000;
	(pc) =	sbr.rel @p0 .LBB2_2-.Ltmp0, $4  }
0x9d: {  	[tilespmem:s31], [sflag:$0x4] =	stream.linear.gather [hbm4b:s5+s3], $0x100, $0x38;
	[tilespmem:$0x1C400] =	vst v63  }
0x9e: {  	_ =	swait.ge [sflag:s0], $0x100  }
0x9f: {  	[sflag:s0] =	ssyncset.done $0x0  }
0xa0: {  	[sflag:s0] =	ssyncadd.s32 $0xFFFFFF00  }
0xa1: {  	[tilespmem:s22], [sflag:$0x5] =	stream.indirect.gather [hbm4b:s4+s21], $0x80, s24, s21, $0xb8;
	[tilespmem:$0x1C400] =	vst v63  }
0xa2: {  	_ =	swait.ge [sflag:s23], $0x4000  }
0xa3: {  	[sflag:s23] =	ssyncset.done $0x0  }
0xa4: {  	[sflag:s23] =	ssyncadd.s32 $0xFFFFC000  }
0xa5: {  	[spmem:s2] =	stream.indirect.scatter.add.f32 [tilespmem:s22], [sflag:$0x7], $0x80, s1, s21, $0xb8;
	[tilespmem:$0x1C400] =	vst v63  }
0xa6: {  	_ =	swait.ge [sflag:s6], $0x4000  }
0xa7: {  	[sflag:s6] =	ssyncset.done $0x0  }
0xa8: {  	[sflag:s6] =	ssyncadd.s32 $0xFFFFC000  }
0xa9: {  	_ =	swait.ge [sflag:s7], $0x100  }
0xaa: {  	[sflag:s7] =	ssyncset.done $0x0  }
0xab: {  	[sflag:s7] =	ssyncadd.s32 $0xFFFFFF00  }
0xac: {  	[tilespmem:s26], [sflag:$0x6] =	stream.indirect.gather [hbm4b:s4+s21], $0x80, s31, s21, $0xb8;
	[tilespmem:$0x1C400] =	vst v63  }
0xad: {  	_ =	swait.ge [sflag:s28], $0x4000  }
0xae: {  	[sflag:s28] =	ssyncset.done $0x0  }
0xaf: {  	[sflag:s28] =	ssyncadd.s32 $0xFFFFC000  }
0xb0: {  	[spmem:s2] =	stream.indirect.scatter.add.f32 [tilespmem:s26], [sflag:$0x8], $0x80, s9, s21, $0xb8;
	[tilespmem:$0x1C400] =	vst v63  }
0xb1: {  	_ =	swait.ge [sflag:s30], $0x4000  }
0xb2: {  	[sflag:s30] =	ssyncset.done $0x0  }
0xb3: {  	[sflag:s30] =	ssyncadd.s32 $0xFFFFC000  }
0xb4: {  	_ =	swait.ge [sflag:s6], $0x4000  }
0xb5: {  	[sflag:s6] =	ssyncset.done $0x0  }
0xb6: {  	[sflag:s6] =	ssyncadd.s32 $0xFFFFC000  }
0xb7: {  	[bflag:$0x0] =	sbarrier.arrive $0xFFFF  }
0xb8: {  	s5 =	rddreg [dreg:$0x8]  }
0xb9: {  	[hbm:s5], [sflag:s8] =	dma.local [spmem:s18], $0x2800  }
0xba: {  	_ =	swait.ge [sflag:s19], $0x2800  }
0xbb: {  	s10 =	sadd.s32 $0x1, s10;
	s12 =	rddreg [dreg:$0x9]  }
0xbc: {  	p0 =	sne.s32 s10, s12  }
.Ltmp1:
0xbd: {  	_ = 	snop;
	(pc) =	sbr.rel @p0 .LBB2_1-.Ltmp1, $3  }
0xbe: {  	_ =	sdelay $0x1  }
0xbf: {  	[sflag:s19] =	ssyncset.done $0x0  }
0xc0: {  	[sflag:s19] =	ssyncadd.s32 $0xFFFFD800  }
0xc1: {  	_ =	sfence.sel $0x180000  }
0xc2: {  	[bflag:$0x0] =	sbarrier.arrive $0xFFFF  }
0xc3: {  	_ =	strace $0x9000004A  }
0xc4: {  	s0 =	stileid.u32;
	[bflag:$0x2] =	sbarrier.arrive $0xFFFF  }
0xc5: {  	p0 =	sne.s32 s0, $0x0;
	s0 =	rddreg [dreg:$0x2]  }
0xc6: {  	s0 =	sadd.s32 @!p0 $0x100000, s0  }
0xc7: {  	[sflag:s0] =	ssyncadd.tile.s32 @!p0 $0x1;
	_ =	shalt  }
.Lfunc_end2:
_tile_overlayer_lowered:
.L_overlay_start_2:
0xc8: {  	(tag) =	ssettag $0x2  }
0xc9: {  	s0 =	rddreg [dreg:$0x0];
	s2 =	stileid.u32  }
0xca: {  	s1 =	rddreg [dreg:$0x1];
	p0 =	sne.s32 s2, $0x0  }
0xcb: {  	s3 =	rddreg [dreg:$0x2];
	[bflag:$0x3] =	sbarrier.arrive $0xFFFF;
	s2 =	simm.s32 @!p0 $0x1C09  }
0xcc: {  	[timem:s3], [sflag:s2] =	dma.local @!p0 [hbm:s0], s1  }
0xcd: {  	s0 =	simm.s32 @!p0 $0x9  }
0xce: {  	_ =	swait.ge @!p0 [sflag:s0], s1  }
0xcf: {  	s1 =	ssub.s32 @!p0 $0x0, s1;
	[sflag:s0] =	ssyncset.done @!p0 $0x0  }
0xd0: {  	[sflag:s0] =	ssyncadd.s32 @!p0 s1  }
0xd1: {  	[bflag:$0x3] =	sbarrier.arrive $0xFFFF  }
0xd2: {  	_ =	shalt  }

// kernel: kernel.14.cloned.1.call-start
scs
__scs_entry_jumppad:
0x0: {  	(pc) =	sbr.rel $0x88, $3  }
0x1: {  	(tag) =	ssettag $0x0;
	lr =	simm.s32 $0x1  }
0x2: {  	[smem:$0x3F9B] =	sst lr;
	_ =	strace $0xD0000000  }
0x3: {  	_ = 	snop  }
0x4: {  	_ = 	snop  }
0x5: {  	_ = 	snop  }
0x6: {  	_ = 	snop  }
0x7: {  	_ = 	snop  }
__scs_overlays_trampoline_lowered:
0x8: {  	[smem:$0x3FAA] =	sst s0  }
0x9: {  	[smem:$0x3FAB] =	sst s1  }
0xa: {  	[smem:$0x3FAC] =	sst s2  }
0xb: {  	[smem:$0x3FAD] =	sst s3  }
0xc: {  	[smem:$0x3FAE] =	sst s4  }
0xd: {  	[smem:$0x3FAF] =	sst s5  }
0xe: {  	[smem:$0x3FB0] =	sst s6  }
0xf: {  	[smem:$0x3FB1] =	sst s7  }
0x10: {  	[smem:$0x3FB2] =	sst s8  }
0x11: {  	[smem:$0x3FB3] =	sst s9;
	s0 =	simm.s32 @!p0 $0x0  }
0x12: {  	s1 =	sld [smem:$0x3F99];
	s0 =	simm.s32 @p0 $0x1  }
0x13: {  	[smem:$0x3FB4] =	sst s0;
	s0 =	simm.s32 @!p1 $0x0  }
0x14: {  	s2 =	sld [smem:$0x3F98];
	s0 =	simm.s32 @p1 $0x1  }
0x15: {  	[smem:$0x3FB5] =	sst s0;
	s0 =	simm.s32 @!p2 $0x0  }
0x16: {  	s3 =	sld [smem:$0x3FDB];
	s0 =	simm.s32 @p2 $0x1  }
0x17: {  	s4 =	simm.s32 $0x1BF5;
	[smem:$0x3FB7] =	sst s0  }
0x18: {  	s0 =	sld [smem:$0x3F9A];
	_ =	swait.ge [sflag:s4], $0x0  }
0x19: {  	s7 =	sld [smem:$0x3F9B]  }
0x1a: {  	s8 =	sadd.s32 $0xFFFFE003, lr  }
0x1b: {  	s9 =	sadd.s32 $0xFFFFFEF7, lr;
	s5 =	simm.s32 $0xFFFFFFFF;
	p2 =	slt.u32 s8, $0xFFFFF086  }
0x1c: {  	p1 =	slt.u32 s9, $0xF7A;
	s5 =	simm.s32 @!p2 $0x0  }
0x1d: {  	s5 =	simm.s32 @p1 $0x1;
	p0 =	seq.s32 s7, s2  }
0x1e: {  	s7 =	smul.u32 @!p0 $0xF7A, s2;
	p2 =	seq.s32 @!p0 s5, $0x0  }
0x1f: {  	s9 =	smul.u32 $0xF7A, s1;
	s8 =	simm.s32 @!p0 $0x1BF5;
	p2 =	por !p2, p0  }
0x20: {  	[sflag:s8] =	ssyncset.s32 @!p0 $0xFFFFF086;
	s6 =	sadd.s32 @!p0 s3, s7;
	s7 =	simm.s32 @!p0 $0x108  }
0x21: {  	s3 =	sadd.s32 s3, s9;
	s6 =	sadd.s32 @!p0 $0x88, s6;
	s7 =	simm.s32 @p2 $0x1082  }
0x22: {  	[simem:s7], [sflag:s8] =	dma.local @!p0 [hbm:s6], $0xF7A  }
0x23: {  	s9 =	sor.u32 $0xD0000000, s2;
	s6 =	simm.s32 $0x108;
	_ =	swait.ge @!p0 [sflag:s8], $0x0  }
0x24: {  	s3 =	sadd.s32 $0x88, s3;
	s6 =	simm.s32 @!p1 $0x1082;
	[sflag:s4] =	ssyncset.s32 $0xFFFFF086  }
0x25: {  	[simem:s6], [sflag:s4] =	dma.local [hbm:s3], $0xF7A  }
0x26: {  	[smem:$0x3F9B] =	sst s1;
	(tag) =	ssettag s2;
	_ =	strace s9  }
0x27: {  	s1 =	sld [smem:$0x3FAB]  }
0x28: {  	s2 =	sld [smem:$0x3FAC]  }
0x29: {  	s4 =	sld [smem:$0x3FAE]  }
0x2a: {  	p0 =	seq.s32 s5, $0x0;
	s5 =	sld [smem:$0x3FAF]  }
0x2b: {  	s6 =	sld [smem:$0x3FB0]  }
0x2c: {  	s7 =	sld [smem:$0x3FB1]  }
0x2d: {  	s3 =	simm.s32 $0x108;
	s8 =	sld [smem:$0x3FB2]  }
0x2e: {  	s3 =	simm.s32 @!p0 $0x1082;
	s9 =	sld [smem:$0x3FB3]  }
0x2f: {  	lr =	sadd.s32 s0, s3;
	s0 =	sld [smem:$0x3FAA]  }
0x30: {  	s3 =	sld [smem:$0x3FAD]  }
0x31: {  	[smem:$0x3FB6] =	sst s10  }
0x32: {  	s10 =	sld [smem:$0x3FB4];
	_ =	sdelay $0x3  }
0x33: {  	p0 =	seq.s32 s10, $0x1;
	s10 =	sld [smem:$0x3FB6];
	_ =	sdelay $0x3  }
0x34: {  	[smem:$0x3FB6] =	sst s10  }
0x35: {  	s10 =	sld [smem:$0x3FB5];
	_ =	sdelay $0x3  }
0x36: {  	p1 =	seq.s32 s10, $0x1;
	s10 =	sld [smem:$0x3FB6];
	_ =	sdelay $0x3  }
0x37: {  	[smem:$0x3FB6] =	sst s10  }
0x38: {  	s10 =	sld [smem:$0x3FB7]  }
0x39: {  	_ = 	snop;
	(pc) =	sbr.ind lr, $3  }
0x3a: {  	_ = 	snop  }
0x3b: {  	_ = 	snop  }
0x3c: {  	p2 =	seq.s32 s10, $0x1;
	s10 =	sld [smem:$0x3FB6]  }
0x3d: {  	_ =	shalt  }
0x3e: {  	_ =	shalt  }
0x3f: {  	_ =	shalt  }
0x40: {  	_ =	shalt  }
0x41: {  	_ =	shalt  }
0x42: {  	_ =	shalt  }
0x43: {  	_ =	shalt  }
0x44: {  	_ =	shalt  }
0x45: {  	_ =	shalt  }
0x46: {  	_ =	shalt  }
0x47: {  	_ =	shalt  }
0x48: {  	_ =	shalt  }
0x49: {  	_ =	shalt  }
0x4a: {  	_ =	shalt  }
0x4b: {  	_ =	shalt  }
0x4c: {  	_ =	shalt  }
0x4d: {  	_ =	shalt  }
0x4e: {  	_ =	shalt  }
0x4f: {  	_ =	shalt  }
0x50: {  	_ =	shalt  }
0x51: {  	_ =	shalt  }
0x52: {  	_ =	shalt  }
0x53: {  	_ =	shalt  }
0x54: {  	_ =	shalt  }
0x55: {  	_ =	shalt  }
0x56: {  	_ =	shalt  }
0x57: {  	_ =	shalt  }
0x58: {  	_ =	shalt  }
0x59: {  	_ =	shalt  }
0x5a: {  	_ =	shalt  }
0x5b: {  	_ =	shalt  }
0x5c: {  	_ =	shalt  }
0x5d: {  	_ =	shalt  }
0x5e: {  	_ =	shalt  }
0x5f: {  	_ =	shalt  }
0x60: {  	_ =	shalt  }
0x61: {  	_ =	shalt  }
0x62: {  	_ =	shalt  }
0x63: {  	_ =	shalt  }
0x64: {  	_ =	shalt  }
0x65: {  	_ =	shalt  }
0x66: {  	_ =	shalt  }
0x67: {  	_ =	shalt  }
0x68: {  	_ =	shalt  }
0x69: {  	_ =	shalt  }
0x6a: {  	_ =	shalt  }
0x6b: {  	_ =	shalt  }
0x6c: {  	_ =	shalt  }
0x6d: {  	_ =	shalt  }
0x6e: {  	_ =	shalt  }
0x6f: {  	_ =	shalt  }
0x70: {  	_ =	shalt  }
0x71: {  	_ =	shalt  }
0x72: {  	_ =	shalt  }
0x73: {  	_ =	shalt  }
0x74: {  	_ =	shalt  }
0x75: {  	_ =	shalt  }
0x76: {  	_ =	shalt  }
0x77: {  	_ =	shalt  }
0x78: {  	_ =	shalt  }
0x79: {  	_ =	shalt  }
0x7a: {  	_ =	shalt  }
0x7b: {  	_ =	shalt  }
0x7c: {  	_ =	shalt  }
0x7d: {  	_ =	shalt  }
0x7e: {  	_ =	shalt  }
0x7f: {  	_ =	shalt  }
0x80: {  	_ =	shalt  }
0x81: {  	_ =	shalt  }
0x82: {  	_ =	shalt  }
0x83: {  	_ =	shalt  }
0x84: {  	_ =	shalt  }
0x85: {  	_ =	shalt  }
0x86: {  	_ =	shalt  }
0x87: {  	_ =	shalt  }
.Lfunc_end0:
.L_simem_size_0:
called_computation.2_lowered:
.L_overlay_start_0:
0x88: {  	s2 =	sld [smem:$0x3FD9]  }
0x89: {  	s3 =	sld [smem:$0x3FFE];
	_ =	sdelay $0x1  }
0x8a: {  	s1 =	srdreg.scid  }
0x8b: {  	s0 =	sand.u32 $0x1, s1  }
0x8c: {  	s16 =	sshll.u32 s0, $0xA;
	s2 =	sadd.s32 s3, s2  }
0x8d: {  	s2 =	sadd.s32 s2, s16  }
0x8e: {  	[smem:$0x3FC2] =	sst s2  }
0x8f: {  	_ = 	snop  }
0x90: {  	(tm) =	ssettm $0x1  }
0x91: {  	s17 =	sld [smem:$0x3FFB];
	_ =	sdelay $0x3  }
0x92: {  	_ =	strace s17  }
0x93: {  	s2 =	sld [smem:$0x3FFC];
	_ =	sdelay $0x3  }
0x94: {  	_ =	strace s2  }
0x95: {  	s2 =	sld [smem:$0x3FFD];
	_ =	sdelay $0x3  }
0x96: {  	_ =	strace s2  }
0x97: {  	_ =	strace $0x8FFFFFFF  }
0x98: {  	s18 =	sld [smem:$0x3FDB];
	_ =	sdelay $0x1  }
0x99: {  	s19 =	simm.s32 $_scs_section_size  }
0x9a: {  	s4 =	simm.s32 $_size__tile_overlayer_lowered;
	s5 =	simm.s32 $_tile_overlayer_lowered  }
0x9b: {  	s22 =	simm.s32 $0x1BFF;
	s21 =	sshll.u32 s5, $0x1;
	s2 =	sadd.s32 s19, s18  }
0x9c: {  	s6 =	simm.s32 $0x0;
	s20 =	sshll.u32 s4, $0x1;
	s4 =	sadd.s32 s21, s2  }
0x9d: {  	[timem:s6], [sflag:s22] =	dma.local [hbm:s4], s20  }
0x9e: {  	_ =	swait.ge [sflag:s22], s20  }
0x9f: {  	s3 =	ssub.s32 $0x0, s20;
	[sflag:s22] =	ssyncset.done $0x0  }
0xa0: {  	[sflag:s22] =	ssyncadd.s32 s3;
	_ =	sdelay $0x1  }
0xa1: {  	s23 =	simm.s32 $0x1B8B  }
0xa2: {  	_ =	swait.ge [sflag:s23], $0x1  }
0xa3: {  	[sflag:s23] =	ssyncset.done $0x0  }
0xa4: {  	s25 =	simm.s32 $0x1B8E;
	s24 =	sld [smem:$0x3FFE];
	[sflag:s23] =	ssyncadd.s32 $0xFFFFFFFF  }
0xa5: {  	s26 =	simm.s32 $execute0_lowered;
	[smem:$0x3FD2] =	sst s25  }
0xa6: {  	s4 =	sshll.u32 s26, $0x1;
	_ =	strace $0x8000004C;
	[dreg:$0x1] =	wrdreg $0xFFFFFFFF  }
0xa7: {  	s28 =	simm.s32 $_size_execute0_lowered;
	s2 =	sadd.s32 s2, s4;
	[dreg:$0x0] =	wrdreg $0x0  }
0xa8: {  	s4 =	sshll.u32 s28, $0x1;
	[dreg:$0x2] =	wrdreg s2  }
0xa9: {  	[dreg:$0x3] =	wrdreg s4  }
0xaa: {  	[dreg:$0x4] =	wrdreg $0xC0  }
0xab: {  	_ =	task [dreg:s6], $0x5FFFF  }
0xac: {  	[dreg:$0x1] =	wrdreg $0xFFFFFFFF  }
0xad: {  	[dreg:$0x0] =	wrdreg $0x60  }
0xae: {  	[dreg:$0x2] =	wrdreg s24  }
0xaf: {  	[dreg:$0x3] =	wrdreg $0x84000  }
0xb0: {  	[dreg:$0x4] =	wrdreg $0x9  }
0xb1: {  	_ =	task.clear_ibuf [dreg:s6], $0x5FFFF;
	_ =	strace $0x9000004C  }
0xb2: {  	s29 =	simm.s32 $0x9;
	_ =	strace $0x8000004E  }
0xb3: {  	_ =	swait.ge [sflag:s29], $0x1  }
0xb4: {  	[sflag:s29] =	ssyncadd.s32 $0xFFFFFFFF  }
0xb5: {  	_ =	strace $0x9000004E  }
0xb6: {  	_ =	sfence  }
0xb7: {  	s30 =	sld [smem:$0x0];
	_ =	sdelay $0x2  }
0xb8: {  	s31 =	sshll.u32 s1, $0xD;
	s1 =	sshrl.u32 s1, $0x2  }
0xb9: {  	s3 =	sand.u32 $0x4000, s31;
	s1 =	sadd.s32 s1, s30  }
0xba: {  	s0 =	sor.u32 s3, s0;
	s1 =	sshll.u32 s1, $0x11  }
0xbb: {  	s0 =	sor.u32 s1, s0  }
0xbc: {  	s0 =	sadd.s32 $0x8F2B, s0  }
0xbd: {  	[sflag:s0] =	ssyncadd.remote.s32 $0x1  }
0xbe: {  	_ =	sfence.sel $0xFFFF  }
0xbf: {  	[dreg:$0x0] =	wrdreg $0xFFFFFFFF;
	(pc) =	sbr.abs _section_cstart, $3  }
0xc0: {  	[dreg:$0x1] =	wrdreg $0xFFFFFFFF  }
0xc1: {  	_ =	task.clear_ibuf [dreg:s6], $0x2FFFF;
	_ =	strace $0x9FFFFFFF  }
0xc2: {  	(tm) =	ssettm $0x7FFFFFFF  }
0xc3: {  	_ =	shalt  }
tec
execute0_lowered:
.L_overlay_start_1:
0x0: {  	(tag) =	ssettag $0x1  }
0x1: {  	s0 =	rddreg [dreg:$0x0]  }
0x2: {  	s2 =	rddreg [dreg:$0x1];
	s12 =	stileid.u32  }
0x3: {  	s1 =	srdreg.scid;
	s3 =	simm.s32 $0x0;
	s28 =	simm.s32 $0x6  }
0x4: {  	s29 =	simm.s32 $0x180;
	s30 =	simm.s32 $0x7;
	s31 =	simm.s32 $0x300  }
0x5: {  	s5 =	smul.u32 $0x2800, s12;
	s1 =	sand.u32 $0x1, s1;
	[smem:$0x7FF] =	sst s3  }
0x6: {  	s7 =	smul.u32 $0x14000, s12;
	s9 =	sadd.s32 $0x2000, s0;
	s4 =	sadd.s32 $0x16000, s0  }
0x7: {  	s14 =	sshll.u32 s12, $0x5;
	s19 =	sshll.u32 s12, $0x6;
	s6 =	smul.u32 $0x140000, s1  }
0x8: {  	_ =	strace $0x8000004D;
	s13 =	sshll.u32 s1, $0x9;
	s1 =	ssub.s32 $0x2, s1  }
0x9: {  	s8 =	sadd.s32 s5, s0;
	s15 =	sshrl.u32 s1, $0x1;
	s11 =	sadd.s32 s7, s6  }
0xa: {  	s6 =	sor.u32 s14, s13;
	s7 =	sand.u32 $0x60, s14;
	s1 =	ssub.s32 s1, s15  }
0xb: {  	s8 =	sadd.s32 $0x3E000, s8;
	s5 =	sshrl.u32 s11, $0x3;
	s10 =	sand.u32 $0x380, s6  }
0xc: {  	s11 =	smul.u32 $0x50000, s12;
	[dreg:$0x5] =	wrdreg s8;
	s8 =	sor.u32 $0x1C09, s19  }
0xd: {  	s20 =	sor.u32 $0x1C00, s6;
	s22 =	smax.u32 s1, $0x1;
	s24 =	sor.u32 $0x1800, s6  }
0xe: {  	s25 =	sor.u32 $0x1400, s6;
	s6 =	sor.u32 $0x1000, s6;
	s19 =	simm.s32 $0x9  }
0xf: {  	s0 =	sadd.s32 s5, s0;
	s10 =	sor.u32 s7, s10;
	[dreg:$0x9] =	wrdreg s22  }
0x10: {  	s1 =	sand.u32 $0x1780, s25;
	s6 =	sand.u32 $0x1380, s6;
	s22 =	simm.s32 $0x400  }
0x11: {  	s25 =	simm.s32 $0x2;
	s16 =	sadd.s32 s9, s10;
	s17 =	sshrl.u32 s11, $0x2  }
0x12: {  	s11 =	sand.u32 $0x1F80, s20;
	s0 =	sadd.s32 $0x66000, s0;
	s1 =	sadd.s32 s1, s9  }
0x13: {  	s26 =	sadd.s32 s6, s9;
	s20 =	simm.s32 $0x1;
	s6 =	simm.s32 $0x8  }
0x14: {  	s18 =	sadd.s32 $0x400, s16;
	s10 =	sadd.s32 s17, s2;
	[dreg:$0x3] =	wrdreg s16  }
0x15: {  	s21 =	sadd.s32 $0x800, s16;
	s5 =	sadd.s32 $0xC00, s16;
	[dreg:$0x8] =	wrdreg s0  }
0x16: {  	s23 =	sadd.s32 s11, s9;
	s0 =	sand.u32 $0x1B80, s24;
	s15 =	sadd.s32 s7, s1  }
0x17: {  	s16 =	sadd.s32 s7, s26;
	s17 =	simm.s32 $0x100;
	[dreg:$0x4] =	wrdreg s18  }
0x18: {  	s24 =	simm.s32 $0x200;
	s26 =	simm.s32 $0x4400;
	[dreg:$0x6] =	wrdreg s21  }
0x19: {  	s1 =	simm.s32 $0x280;
	[dreg:$0x7] =	wrdreg s5;
	s13 =	sadd.s32 s7, s23  }
0x1a: {  	s0 =	sadd.s32 s0, s9;
	s18 =	sshrl.u32 s10, $0x3;
	s21 =	simm.s32 $0x80  }
0x1b: {  	s23 =	simm.s32 $0x5;
	s9 =	simm.s32 $0x380;
	s10 =	simm.s32 $0x0  }
0x1c: {  	s14 =	sadd.s32 s7, s0;
	s0 =	simm.s32 $0x3;
	s7 =	simm.s32 $0x4  }
.LBB2_1:
0x1d: {  	s5 =	rddreg [dreg:$0x3]  }
0x1e: {  	s12 =	rddreg [dreg:$0x4]  }
0x1f: {  	[tilespmem:s3], [sflag:$0x1] =	stream.linear.gather [hbm4b:s5+s3], $0x100, $0x38;
	[tilespmem:$0x1C400] =	vst v63  }
0x20: {  	s11 =	rddreg [dreg:$0x5]  }
0x21: {  	[tilespmem:s17], [sflag:$0x2] =	stream.linear.gather [hbm4b:s12+s3], $0x100, $0x38;
	[tilespmem:$0x1C400] =	vst v63  }
0x22: {  	[spmem:s18], [sflag:s8] =	dma.local [hbm:s11], $0x2800  }
0x23: {  	_ =	swait.ge [sflag:s19], $0x2800  }
0x24: {  	[sflag:s19] =	ssyncset.done $0x0  }
0x25: {  	[sflag:s19] =	ssyncadd.s32 $0xFFFFD800  }
0x26: {  	_ =	swait.ge [sflag:s20], $0x100  }
0x27: {  	[sflag:s20] =	ssyncset.done $0x0  }
0x28: {  	[sflag:s20] =	ssyncadd.s32 $0xFFFFFF00  }
0x29: {  	[tilespmem:s22], [sflag:$0x5] =	stream.indirect.gather [hbm4b:s4+s21], $0x80, s3, s21, $0xb8;
	[tilespmem:$0x1C400] =	vst v63  }
0x2a: {  	[bflag:$0x0] =	sbarrier.arrive $0xFFFF  }
0x2b: {  	_ =	swait.ge [sflag:s23], $0x4000  }
0x2c: {  	[sflag:s23] =	ssyncset.done $0x0  }
0x2d: {  	[sflag:s23] =	ssyncadd.s32 $0xFFFFC000  }
0x2e: {  	[spmem:s2] =	stream.indirect.scatter.add.f32 [tilespmem:s22], [sflag:$0x7], $0x80, s21, s21, $0xb8;
	[tilespmem:$0x1C400] =	vst v63  }
0x2f: {  	s12 =	rddreg [dreg:$0x6]  }
0x30: {  	[tilespmem:s24], [sflag:$0x3] =	stream.linear.gather [hbm4b:s12+s3], $0x100, $0x38;
	[tilespmem:$0x1C400] =	vst v63  }
0x31: {  	_ =	swait.ge [sflag:s25], $0x100  }
0x32: {  	[sflag:s25] =	ssyncset.done $0x0  }
0x33: {  	[sflag:s25] =	ssyncadd.s32 $0xFFFFFF00  }
0x34: {  	[tilespmem:s26], [sflag:$0x6] =	stream.indirect.gather [hbm4b:s4+s21], $0x80, s17, s21, $0xb8;
	[tilespmem:$0x1C400] =	vst v63  }
0x35: {  	_ =	swait.ge [sflag:s28], $0x4000  }
0x36: {  	[sflag:s28] =	ssyncset.done $0x0  }
0x37: {  	[sflag:s28] =	ssyncadd.s32 $0xFFFFC000  }
0x38: {  	[spmem:s2] =	stream.indirect.scatter.add.f32 [tilespmem:s26], [sflag:$0x8], $0x80, s29, s21, $0xb8;
	[tilespmem:$0x1C400] =	vst v63  }
0x39: {  	_ =	swait.ge [sflag:s30], $0x4000  }
0x3a: {  	[sflag:s30] =	ssyncset.done $0x0  }
0x3b: {  	s11 =	rddreg [dreg:$0x7];
	[sflag:s30] =	ssyncadd.s32 $0xFFFFC000  }
0x3c: {  	[tilespmem:s31], [sflag:$0x4] =	stream.linear.gather [hbm4b:s11+s3], $0x100, $0x38;
	[tilespmem:$0x1C400] =	vst v63  }
0x3d: {  	_ =	swait.ge [sflag:s0], $0x100  }
0x3e: {  	[sflag:s0] =	ssyncset.done $0x0  }
0x3f: {  	[sflag:s0] =	ssyncadd.s32 $0xFFFFFF00  }
0x40: {  	[tilespmem:s22], [sflag:$0x5] =	stream.indirect.gather [hbm4b:s4+s21], $0x80, s24, s21, $0xb8;
	[tilespmem:$0x1C400] =	vst v63  }
0x41: {  	_ =	swait.ge [sflag:s23], $0x4000  }
0x42: {  	[sflag:s23] =	ssyncset.done $0x0  }
0x43: {  	[sflag:s23] =	ssyncadd.s32 $0xFFFFC000  }
0x44: {  	[spmem:s2] =	stream.indirect.scatter.add.f32 [tilespmem:s22], [sflag:$0x7], $0x80, s1, s21, $0xb8;
	[tilespmem:$0x1C400] =	vst v63  }
0x45: {  	_ =	swait.ge [sflag:s6], $0x4000  }
0x46: {  	[sflag:s6] =	ssyncset.done $0x0  }
0x47: {  	s11 =	sadd.s32 $0x0, s16;
	[sflag:s6] =	ssyncadd.s32 $0xFFFFC000  }
0x48: {  	[tilespmem:s3], [sflag:$0x1] =	stream.linear.gather [hbm4b:s11+s3], $0x100, $0x38;
	[tilespmem:$0x1C400] =	vst v63  }
0x49: {  	_ =	swait.ge [sflag:s7], $0x100  }
0x4a: {  	[sflag:s7] =	ssyncset.done $0x0  }
0x4b: {  	[sflag:s7] =	ssyncadd.s32 $0xFFFFFF00  }
0x4c: {  	[tilespmem:s26], [sflag:$0x6] =	stream.indirect.gather [hbm4b:s4+s21], $0x80, s31, s21, $0xb8;
	[tilespmem:$0x1C400] =	vst v63  }
0x4d: {  	_ =	swait.ge [sflag:s28], $0x4000  }
0x4e: {  	[sflag:s28] =	ssyncset.done $0x0  }
0x4f: {  	[sflag:s28] =	ssyncadd.s32 $0xFFFFC000  }
0x50: {  	[spmem:s2] =	stream.indirect.scatter.add.f32 [tilespmem:s26], [sflag:$0x8], $0x80, s9, s21, $0xb8;
	[tilespmem:$0x1C400] =	vst v63  }
0x51: {  	_ =	swait.ge [sflag:s30], $0x4000  }
0x52: {  	[sflag:s30] =	ssyncset.done $0x0  }
0x53: {  	s12 =	sadd.s32 $0x0, s15;
	[sflag:s30] =	ssyncadd.s32 $0xFFFFC000  }
0x54: {  	[tilespmem:s17], [sflag:$0x2] =	stream.linear.gather [hbm4b:s12+s3], $0x100, $0x38;
	[tilespmem:$0x1C400] =	vst v63  }
0x55: {  	_ =	swait.ge [sflag:s20], $0x100  }
0x56: {  	[sflag:s20] =	ssyncset.done $0x0  }
0x57: {  	[sflag:s20] =	ssyncadd.s32 $0xFFFFFF00  }
0x58: {  	[tilespmem:s22], [sflag:$0x5] =	stream.indirect.gather [hbm4b:s4+s21], $0x80, s3, s21, $0xb8;
	[tilespmem:$0x1C400] =	vst v63  }
0x59: {  	_ =	swait.ge [sflag:s23], $0x4000  }
0x5a: {  	[sflag:s23] =	ssyncset.done $0x0  }
0x5b: {  	[sflag:s23] =	ssyncadd.s32 $0xFFFFC000  }
0x5c: {  	[spmem:s2] =	stream.indirect.scatter.add.f32 [tilespmem:s22], [sflag:$0x7], $0x80, s21, s21, $0xb8;
	[tilespmem:$0x1C400] =	vst v63  }
0x5d: {  	_ =	swait.ge [sflag:s6], $0x4000  }
0x5e: {  	[sflag:s6] =	ssyncset.done $0x0  }
0x5f: {  	s5 =	sadd.s32 $0x0, s14;
	[sflag:s6] =	ssyncadd.s32 $0xFFFFC000  }
0x60: {  	[tilespmem:s24], [sflag:$0x3] =	stream.linear.gather [hbm4b:s5+s3], $0x100, $0x38;
	[tilespmem:$0x1C400] =	vst v63  }
0x61: {  	_ =	swait.ge [sflag:s25], $0x100  }
0x62: {  	[sflag:s25] =	ssyncset.done $0x0  }
0x63: {  	[sflag:s25] =	ssyncadd.s32 $0xFFFFFF00  }
0x64: {  	[tilespmem:s26], [sflag:$0x6] =	stream.indirect.gather [hbm4b:s4+s21], $0x80, s17, s21, $0xb8;
	[tilespmem:$0x1C400] =	vst v63  }
0x65: {  	_ =	swait.ge [sflag:s28], $0x4000  }
0x66: {  	[sflag:s28] =	ssyncset.done $0x0  }
0x67: {  	[sflag:s28] =	ssyncadd.s32 $0xFFFFC000  }
0x68: {  	[spmem:s2] =	stream.indirect.scatter.add.f32 [tilespmem:s26], [sflag:$0x8], $0x80, s29, s21, $0xb8;
	[tilespmem:$0x1C400] =	vst v63  }
0x69: {  	_ =	swait.ge [sflag:s30], $0x4000  }
0x6a: {  	[sflag:s30] =	ssyncset.done $0x0  }
0x6b: {  	s12 =	sadd.s32 $0x0, s13;
	[sflag:s30] =	ssyncadd.s32 $0xFFFFC000  }
0x6c: {  	[tilespmem:s31], [sflag:$0x4] =	stream.linear.gather [hbm4b:s12+s3], $0x100, $0x38;
	[tilespmem:$0x1C400] =	vst v63  }
0x6d: {  	_ =	swait.ge [sflag:s0], $0x100  }
0x6e: {  	[sflag:s0] =	ssyncset.done $0x0  }
0x6f: {  	s11 =	simm.s32 $0x1000;
	[sflag:s0] =	ssyncadd.s32 $0xFFFFFF00  }
.LBB2_2:
0x70: {  	[tilespmem:s22], [sflag:$0x5] =	stream.indirect.gather [hbm4b:s4+s21], $0x80, s24, s21, $0xb8;
	[tilespmem:$0x1C400] =	vst v63  }
0x71: {  	s12 =	smov.u32 s11  }
0x72: {  	p0 =	sne.s32 s11, $0x12000;
	s11 =	sadd.s32 $0x1000, s11;
	_ =	swait.ge [sflag:s23], $0x4000  }
0x73: {  	[sflag:s23] =	ssyncset.done $0x0  }
0x74: {  	[sflag:s23] =	ssyncadd.s32 $0xFFFFC000  }
0x75: {  	[spmem:s2] =	stream.indirect.scatter.add.f32 [tilespmem:s22], [sflag:$0x7], $0x80, s1, s21, $0xb8;
	[tilespmem:$0x1C400] =	vst v63  }
0x76: {  	_ =	swait.ge [sflag:s6], $0x4000  }
0x77: {  	[sflag:s6] =	ssyncset.done $0x0  }
0x78: {  	s5 =	sadd.s32 s12, s16;
	[sflag:s6] =	ssyncadd.s32 $0xFFFFC000  }
0x79: {  	[tilespmem:s3], [sflag:$0x1] =	stream.linear.gather [hbm4b:s5+s3], $0x100, $0x38;
	[tilespmem:$0x1C400] =	vst v63  }
0x7a: {  	_ =	swait.ge [sflag:s7], $0x100  }
0x7b: {  	[sflag:s7] =	ssyncset.done $0x0  }
0x7c: {  	[sflag:s7] =	ssyncadd.s32 $0xFFFFFF00  }
0x7d: {  	[tilespmem:s26], [sflag:$0x6] =	stream.indirect.gather [hbm4b:s4+s21], $0x80, s31, s21, $0xb8;
	[tilespmem:$0x1C400] =	vst v63  }
0x7e: {  	_ =	swait.ge [sflag:s28], $0x4000  }
0x7f: {  	[sflag:s28] =	ssyncset.done $0x0  }
0x80: {  	[sflag:s28] =	ssyncadd.s32 $0xFFFFC000  }
0x81: {  	[spmem:s2] =	stream.indirect.scatter.add.f32 [tilespmem:s26], [sflag:$0x8], $0x80, s9, s21, $0xb8;
	[tilespmem:$0x1C400] =	vst v63  }
0x82: {  	_ =	swait.ge [sflag:s30], $0x4000  }
0x83: {  	[sflag:s30] =	ssyncset.done $0x0  }
0x84: {  	s5 =	sadd.s32 s12, s15;
	[sflag:s30] =	ssyncadd.s32 $0xFFFFC000  }
0x85: {  	[tilespmem:s17], [sflag:$0x2] =	stream.linear.gather [hbm4b:s5+s3], $0x100, $0x38;
	[tilespmem:$0x1C400] =	vst v63  }
0x86: {  	_ =	swait.ge [sflag:s20], $0x100  }
0x87: {  	[sflag:s20] =	ssyncset.done $0x0  }
0x88: {  	[sflag:s20] =	ssyncadd.s32 $0xFFFFFF00  }
0x89: {  	[tilespmem:s22], [sflag:$0x5] =	stream.indirect.gather [hbm4b:s4+s21], $0x80, s3, s21, $0xb8;
	[tilespmem:$0x1C400] =	vst v63  }
0x8a: {  	_ =	swait.ge [sflag:s23], $0x4000  }
0x8b: {  	[sflag:s23] =	ssyncset.done $0x0  }
0x8c: {  	[sflag:s23] =	ssyncadd.s32 $0xFFFFC000  }
0x8d: {  	[spmem:s2] =	stream.indirect.scatter.add.f32 [tilespmem:s22], [sflag:$0x7], $0x80, s21, s21, $0xb8;
	[tilespmem:$0x1C400] =	vst v63  }
0x8e: {  	_ =	swait.ge [sflag:s6], $0x4000  }
0x8f: {  	[sflag:s6] =	ssyncset.done $0x0  }
0x90: {  	s5 =	sadd.s32 s12, s14;
	[sflag:s6] =	ssyncadd.s32 $0xFFFFC000  }
0x91: {  	[tilespmem:s24], [sflag:$0x3] =	stream.linear.gather [hbm4b:s5+s3], $0x100, $0x38;
	[tilespmem:$0x1C400] =	vst v63  }
0x92: {  	_ =	swait.ge [sflag:s25], $0x100  }
0x93: {  	[sflag:s25] =	ssyncset.done $0x0  }
0x94: {  	[sflag:s25] =	ssyncadd.s32 $0xFFFFFF00  }
0x95: {  	[tilespmem:s26], [sflag:$0x6] =	stream.indirect.gather [hbm4b:s4+s21], $0x80, s17, s21, $0xb8;
	[tilespmem:$0x1C400] =	vst v63  }
0x96: {  	_ =	swait.ge [sflag:s28], $0x4000  }
0x97: {  	[sflag:s28] =	ssyncset.done $0x0  }
0x98: {  	[sflag:s28] =	ssyncadd.s32 $0xFFFFC000  }
0x99: {  	[spmem:s2] =	stream.indirect.scatter.add.f32 [tilespmem:s26], [sflag:$0x8], $0x80, s29, s21, $0xb8;
	[tilespmem:$0x1C400] =	vst v63  }
0x9a: {  	_ =	swait.ge [sflag:s30], $0x4000  }
0x9b: {  	[sflag:s30] =	ssyncset.done $0x0  }
.Ltmp0:
0x9c: {  	s5 =	sadd.s32 s12, s13;
	[sflag:s30] =	ssyncadd.s32 $0xFFFFC000;
	(pc) =	sbr.rel @p0 .LBB2_2-.Ltmp0, $4  }
0x9d: {  	[tilespmem:s31], [sflag:$0x4] =	stream.linear.gather [hbm4b:s5+s3], $0x100, $0x38;
	[tilespmem:$0x1C400] =	vst v63  }
0x9e: {  	_ =	swait.ge [sflag:s0], $0x100  }
0x9f: {  	[sflag:s0] =	ssyncset.done $0x0  }
0xa0: {  	[sflag:s0] =	ssyncadd.s32 $0xFFFFFF00  }
0xa1: {  	[tilespmem:s22], [sflag:$0x5] =	stream.indirect.gather [hbm4b:s4+s21], $0x80, s24, s21, $0xb8;
	[tilespmem:$0x1C400] =	vst v63  }
0xa2: {  	_ =	swait.ge [sflag:s23], $0x4000  }
0xa3: {  	[sflag:s23] =	ssyncset.done $0x0  }
0xa4: {  	[sflag:s23] =	ssyncadd.s32 $0xFFFFC000  }
0xa5: {  	[spmem:s2] =	stream.indirect.scatter.add.f32 [tilespmem:s22], [sflag:$0x7], $0x80, s1, s21, $0xb8;
	[tilespmem:$0x1C400] =	vst v63  }
0xa6: {  	_ =	swait.ge [sflag:s6], $0x4000  }
0xa7: {  	[sflag:s6] =	ssyncset.done $0x0  }
0xa8: {  	[sflag:s6] =	ssyncadd.s32 $0xFFFFC000  }
0xa9: {  	_ =	swait.ge [sflag:s7], $0x100  }
0xaa: {  	[sflag:s7] =	ssyncset.done $0x0  }
0xab: {  	[sflag:s7] =	ssyncadd.s32 $0xFFFFFF00  }
0xac: {  	[tilespmem:s26], [sflag:$0x6] =	stream.indirect.gather [hbm4b:s4+s21], $0x80, s31, s21, $0xb8;
	[tilespmem:$0x1C400] =	vst v63  }
0xad: {  	_ =	swait.ge [sflag:s28], $0x4000  }
0xae: {  	[sflag:s28] =	ssyncset.done $0x0  }
0xaf: {  	[sflag:s28] =	ssyncadd.s32 $0xFFFFC000  }
0xb0: {  	[spmem:s2] =	stream.indirect.scatter.add.f32 [tilespmem:s26], [sflag:$0x8], $0x80, s9, s21, $0xb8;
	[tilespmem:$0x1C400] =	vst v63  }
0xb1: {  	_ =	swait.ge [sflag:s30], $0x4000  }
0xb2: {  	[sflag:s30] =	ssyncset.done $0x0  }
0xb3: {  	[sflag:s30] =	ssyncadd.s32 $0xFFFFC000  }
0xb4: {  	_ =	swait.ge [sflag:s6], $0x4000  }
0xb5: {  	[sflag:s6] =	ssyncset.done $0x0  }
0xb6: {  	[sflag:s6] =	ssyncadd.s32 $0xFFFFC000  }
0xb7: {  	[bflag:$0x0] =	sbarrier.arrive $0xFFFF  }
0xb8: {  	s5 =	rddreg [dreg:$0x8]  }
0xb9: {  	[hbm:s5], [sflag:s8] =	dma.local [spmem:s18], $0x2800  }
0xba: {  	_ =	swait.ge [sflag:s19], $0x2800  }
0xbb: {  	s10 =	sadd.s32 $0x1, s10;
	s12 =	rddreg [dreg:$0x9]  }
0xbc: {  	p0 =	sne.s32 s10, s12  }
.Ltmp1:
0xbd: {  	_ = 	snop;
	(pc) =	sbr.rel @p0 .LBB2_1-.Ltmp1, $3  }
0xbe: {  	_ =	sdelay $0x1  }
0xbf: {  	[sflag:s19] =	ssyncset.done $0x0  }
0xc0: {  	[sflag:s19] =	ssyncadd.s32 $0xFFFFD800  }
0xc1: {  	_ =	sfence.sel $0x180000  }
0xc2: {  	[bflag:$0x0] =	sbarrier.arrive $0xFFFF  }
0xc3: {  	_ =	strace $0x9000004D  }
0xc4: {  	s0 =	stileid.u32;
	[bflag:$0x2] =	sbarrier.arrive $0xFFFF  }
0xc5: {  	p0 =	sne.s32 s0, $0x0;
	s0 =	rddreg [dreg:$0x2]  }
0xc6: {  	s0 =	sadd.s32 @!p0 $0x100000, s0  }
0xc7: {  	[sflag:s0] =	ssyncadd.tile.s32 @!p0 $0x1;
	_ =	shalt  }
.Lfunc_end2:
_tile_overlayer_lowered:
.L_overlay_start_2:
0xc8: {  	(tag) =	ssettag $0x2  }
0xc9: {  	s0 =	rddreg [dreg:$0x0];
	s2 =	stileid.u32  }
0xca: {  	s1 =	rddreg [dreg:$0x1];
	p0 =	sne.s32 s2, $0x0  }
0xcb: {  	s3 =	rddreg [dreg:$0x2];
	[bflag:$0x3] =	sbarrier.arrive $0xFFFF;
	s2 =	simm.s32 @!p0 $0x1C09  }
0xcc: {  	[timem:s3], [sflag:s2] =	dma.local @!p0 [hbm:s0], s1  }
0xcd: {  	s0 =	simm.s32 @!p0 $0x9  }
0xce: {  	_ =	swait.ge @!p0 [sflag:s0], s1  }
0xcf: {  	s1 =	ssub.s32 @!p0 $0x0, s1;
	[sflag:s0] =	ssyncset.done @!p0 $0x0  }
0xd0: {  	[sflag:s0] =	ssyncadd.s32 @!p0 s1  }
0xd1: {  	[bflag:$0x3] =	sbarrier.arrive $0xFFFF  }
0xd2: {  	_ =	shalt  }

// kernel: kernel.8.cloned.1.call-start
scs
__scs_entry_jumppad:
0x0: {  	(pc) =	sbr.rel $0x88, $3  }
0x1: {  	(tag) =	ssettag $0x0;
	lr =	simm.s32 $0x1  }
0x2: {  	[smem:$0x3F9B] =	sst lr;
	_ =	strace $0xD0000000  }
0x3: {  	_ = 	snop  }
0x4: {  	_ = 	snop  }
0x5: {  	_ = 	snop  }
0x6: {  	_ = 	snop  }
0x7: {  	_ = 	snop  }
__scs_overlays_trampoline_lowered:
0x8: {  	[smem:$0x3FAA] =	sst s0  }
0x9: {  	[smem:$0x3FAB] =	sst s1  }
0xa: {  	[smem:$0x3FAC] =	sst s2  }
0xb: {  	[smem:$0x3FAD] =	sst s3  }
0xc: {  	[smem:$0x3FAE] =	sst s4  }
0xd: {  	[smem:$0x3FAF] =	sst s5  }
0xe: {  	[smem:$0x3FB0] =	sst s6  }
0xf: {  	[smem:$0x3FB1] =	sst s7  }
0x10: {  	[smem:$0x3FB2] =	sst s8  }
0x11: {  	[smem:$0x3FB3] =	sst s9;
	s0 =	simm.s32 @!p0 $0x0  }
0x12: {  	s1 =	sld [smem:$0x3F99];
	s0 =	simm.s32 @p0 $0x1  }
0x13: {  	[smem:$0x3FB4] =	sst s0;
	s0 =	simm.s32 @!p1 $0x0  }
0x14: {  	s2 =	sld [smem:$0x3F98];
	s0 =	simm.s32 @p1 $0x1  }
0x15: {  	[smem:$0x3FB5] =	sst s0;
	s0 =	simm.s32 @!p2 $0x0  }
0x16: {  	s3 =	sld [smem:$0x3FDB];
	s0 =	simm.s32 @p2 $0x1  }
0x17: {  	s4 =	simm.s32 $0x1BF5;
	[smem:$0x3FB7] =	sst s0  }
0x18: {  	s0 =	sld [smem:$0x3F9A];
	_ =	swait.ge [sflag:s4], $0x0  }
0x19: {  	s7 =	sld [smem:$0x3F9B]  }
0x1a: {  	s8 =	sadd.s32 $0xFFFFE003, lr  }
0x1b: {  	s9 =	sadd.s32 $0xFFFFFEF7, lr;
	s5 =	simm.s32 $0xFFFFFFFF;
	p2 =	slt.u32 s8, $0xFFFFF086  }
0x1c: {  	p1 =	slt.u32 s9, $0xF7A;
	s5 =	simm.s32 @!p2 $0x0  }
0x1d: {  	s5 =	simm.s32 @p1 $0x1;
	p0 =	seq.s32 s7, s2  }
0x1e: {  	s7 =	smul.u32 @!p0 $0xF7A, s2;
	p2 =	seq.s32 @!p0 s5, $0x0  }
0x1f: {  	s9 =	smul.u32 $0xF7A, s1;
	s8 =	simm.s32 @!p0 $0x1BF5;
	p2 =	por !p2, p0  }
0x20: {  	[sflag:s8] =	ssyncset.s32 @!p0 $0xFFFFF086;
	s6 =	sadd.s32 @!p0 s3, s7;
	s7 =	simm.s32 @!p0 $0x108  }
0x21: {  	s3 =	sadd.s32 s3, s9;
	s6 =	sadd.s32 @!p0 $0x88, s6;
	s7 =	simm.s32 @p2 $0x1082  }
0x22: {  	[simem:s7], [sflag:s8] =	dma.local @!p0 [hbm:s6], $0xF7A  }
0x23: {  	s9 =	sor.u32 $0xD0000000, s2;
	s6 =	simm.s32 $0x108;
	_ =	swait.ge @!p0 [sflag:s8], $0x0  }
0x24: {  	s3 =	sadd.s32 $0x88, s3;
	s6 =	simm.s32 @!p1 $0x1082;
	[sflag:s4] =	ssyncset.s32 $0xFFFFF086  }
0x25: {  	[simem:s6], [sflag:s4] =	dma.local [hbm:s3], $0xF7A  }
0x26: {  	[smem:$0x3F9B] =	sst s1;
	(tag) =	ssettag s2;
	_ =	strace s9  }
0x27: {  	s1 =	sld [smem:$0x3FAB]  }
0x28: {  	s2 =	sld [smem:$0x3FAC]  }
0x29: {  	s4 =	sld [smem:$0x3FAE]  }
0x2a: {  	p0 =	seq.s32 s5, $0x0;
	s5 =	sld [smem:$0x3FAF]  }
0x2b: {  	s6 =	sld [smem:$0x3FB0]  }
0x2c: {  	s7 =	sld [smem:$0x3FB1]  }
0x2d: {  	s3 =	simm.s32 $0x108;
	s8 =	sld [smem:$0x3FB2]  }
0x2e: {  	s3 =	simm.s32 @!p0 $0x1082;
	s9 =	sld [smem:$0x3FB3]  }
0x2f: {  	lr =	sadd.s32 s0, s3;
	s0 =	sld [smem:$0x3FAA]  }
0x30: {  	s3 =	sld [smem:$0x3FAD]  }
0x31: {  	[smem:$0x3FB6] =	sst s10  }
0x32: {  	s10 =	sld [smem:$0x3FB4];
	_ =	sdelay $0x3  }
0x33: {  	p0 =	seq.s32 s10, $0x1;
	s10 =	sld [smem:$0x3FB6];
	_ =	sdelay $0x3  }
0x34: {  	[smem:$0x3FB6] =	sst s10  }
0x35: {  	s10 =	sld [smem:$0x3FB5];
	_ =	sdelay $0x3  }
0x36: {  	p1 =	seq.s32 s10, $0x1;
	s10 =	sld [smem:$0x3FB6];
	_ =	sdelay $0x3  }
0x37: {  	[smem:$0x3FB6] =	sst s10  }
0x38: {  	s10 =	sld [smem:$0x3FB7]  }
0x39: {  	_ = 	snop;
	(pc) =	sbr.ind lr, $3  }
0x3a: {  	_ = 	snop  }
0x3b: {  	_ = 	snop  }
0x3c: {  	p2 =	seq.s32 s10, $0x1;
	s10 =	sld [smem:$0x3FB6]  }
0x3d: {  	_ =	shalt  }
0x3e: {  	_ =	shalt  }
0x3f: {  	_ =	shalt  }
0x40: {  	_ =	shalt  }
0x41: {  	_ =	shalt  }
0x42: {  	_ =	shalt  }
0x43: {  	_ =	shalt  }
0x44: {  	_ =	shalt  }
0x45: {  	_ =	shalt  }
0x46: {  	_ =	shalt  }
0x47: {  	_ =	shalt  }
0x48: {  	_ =	shalt  }
0x49: {  	_ =	shalt  }
0x4a: {  	_ =	shalt  }
0x4b: {  	_ =	shalt  }
0x4c: {  	_ =	shalt  }
0x4d: {  	_ =	shalt  }
0x4e: {  	_ =	shalt  }
0x4f: {  	_ =	shalt  }
0x50: {  	_ =	shalt  }
0x51: {  	_ =	shalt  }
0x52: {  	_ =	shalt  }
0x53: {  	_ =	shalt  }
0x54: {  	_ =	shalt  }
0x55: {  	_ =	shalt  }
0x56: {  	_ =	shalt  }
0x57: {  	_ =	shalt  }
0x58: {  	_ =	shalt  }
0x59: {  	_ =	shalt  }
0x5a: {  	_ =	shalt  }
0x5b: {  	_ =	shalt  }
0x5c: {  	_ =	shalt  }
0x5d: {  	_ =	shalt  }
0x5e: {  	_ =	shalt  }
0x5f: {  	_ =	shalt  }
0x60: {  	_ =	shalt  }
0x61: {  	_ =	shalt  }
0x62: {  	_ =	shalt  }
0x63: {  	_ =	shalt  }
0x64: {  	_ =	shalt  }
0x65: {  	_ =	shalt  }
0x66: {  	_ =	shalt  }
0x67: {  	_ =	shalt  }
0x68: {  	_ =	shalt  }
0x69: {  	_ =	shalt  }
0x6a: {  	_ =	shalt  }
0x6b: {  	_ =	shalt  }
0x6c: {  	_ =	shalt  }
0x6d: {  	_ =	shalt  }
0x6e: {  	_ =	shalt  }
0x6f: {  	_ =	shalt  }
0x70: {  	_ =	shalt  }
0x71: {  	_ =	shalt  }
0x72: {  	_ =	shalt  }
0x73: {  	_ =	shalt  }
0x74: {  	_ =	shalt  }
0x75: {  	_ =	shalt  }
0x76: {  	_ =	shalt  }
0x77: {  	_ =	shalt  }
0x78: {  	_ =	shalt  }
0x79: {  	_ =	shalt  }
0x7a: {  	_ =	shalt  }
0x7b: {  	_ =	shalt  }
0x7c: {  	_ =	shalt  }
0x7d: {  	_ =	shalt  }
0x7e: {  	_ =	shalt  }
0x7f: {  	_ =	shalt  }
0x80: {  	_ =	shalt  }
0x81: {  	_ =	shalt  }
0x82: {  	_ =	shalt  }
0x83: {  	_ =	shalt  }
0x84: {  	_ =	shalt  }
0x85: {  	_ =	shalt  }
0x86: {  	_ =	shalt  }
0x87: {  	_ =	shalt  }
.Lfunc_end0:
.L_simem_size_0:
called_computation_lowered:
.L_overlay_start_0:
0x88: {  	s2 =	sld [smem:$0x3FD9]  }
0x89: {  	s3 =	sld [smem:$0x3FFE];
	_ =	sdelay $0x1  }
0x8a: {  	s1 =	srdreg.scid  }
0x8b: {  	s0 =	sand.u32 $0x1, s1  }
0x8c: {  	s17 =	sshll.u32 s0, $0xA;
	s2 =	sadd.s32 s3, s2  }
0x8d: {  	s2 =	sadd.s32 s2, s17  }
0x8e: {  	[smem:$0x3FC2] =	sst s2  }
0x8f: {  	_ = 	snop  }
0x90: {  	s2 =	sld [smem:$0x3FD0];
	(tm) =	ssettm $0x1  }
0x91: {  	s18 =	sld [smem:$0x3FFB];
	_ =	sdelay $0x3  }
0x92: {  	_ =	strace s18  }
0x93: {  	s3 =	sld [smem:$0x3FFC];
	_ =	sdelay $0x3  }
0x94: {  	_ =	strace s3  }
0x95: {  	s3 =	sld [smem:$0x3FFD];
	_ =	sdelay $0x3  }
0x96: {  	_ =	strace s3  }
0x97: {  	_ =	strace $0x8FFFFFFF  }
0x98: {  	s19 =	sld [smem:$0x3FDB];
	_ =	sdelay $0x1  }
0x99: {  	s4 =	simm.s32 $_scs_section_size  }
0x9a: {  	s5 =	simm.s32 $_size__tile_overlayer_lowered;
	s6 =	simm.s32 $_tile_overlayer_lowered  }
0x9b: {  	s22 =	simm.s32 $0x1BFF;
	s21 =	sshll.u32 s6, $0x1;
	s3 =	sadd.s32 s4, s19  }
0x9c: {  	s7 =	simm.s32 $0x0;
	s20 =	sshll.u32 s5, $0x1;
	s5 =	sadd.s32 s21, s3  }
0x9d: {  	[timem:s7], [sflag:s22] =	dma.local [hbm:s5], s20  }
0x9e: {  	_ =	swait.ge [sflag:s22], s20  }
0x9f: {  	s4 =	ssub.s32 $0x0, s20;
	[sflag:s22] =	ssyncset.done $0x0  }
0xa0: {  	[sflag:s22] =	ssyncadd.s32 s4;
	_ =	sdelay $0x1  }
0xa1: {  	s23 =	simm.s32 $0x1B8B  }
0xa2: {  	_ =	swait.ge [sflag:s23], $0x1  }
0xa3: {  	[sflag:s23] =	ssyncset.done $0x0  }
0xa4: {  	s25 =	simm.s32 $0x1B8E;
	s24 =	sld [smem:$0x3FFE];
	[sflag:s23] =	ssyncadd.s32 $0xFFFFFFFF  }
0xa5: {  	s26 =	simm.s32 $execute0_lowered;
	[smem:$0x3FD2] =	sst s25  }
0xa6: {  	s5 =	sshll.u32 s26, $0x1;
	_ =	strace $0x80000046;
	[dreg:$0x1] =	wrdreg $0xFFFFFFFF  }
0xa7: {  	s28 =	simm.s32 $_size_execute0_lowered;
	s3 =	sadd.s32 s3, s5;
	[dreg:$0x0] =	wrdreg $0x0  }
0xa8: {  	s5 =	sshll.u32 s28, $0x1;
	[dreg:$0x2] =	wrdreg s3  }
0xa9: {  	[dreg:$0x3] =	wrdreg s5  }
0xaa: {  	[dreg:$0x4] =	wrdreg $0xC0  }
0xab: {  	_ =	task [dreg:s7], $0x5FFFF  }
0xac: {  	[dreg:$0x1] =	wrdreg $0xFFFFFFFF  }
0xad: {  	[dreg:$0x0] =	wrdreg $0x60  }
0xae: {  	[dreg:$0x2] =	wrdreg s24  }
0xaf: {  	[dreg:$0x3] =	wrdreg s2  }
0xb0: {  	[dreg:$0x4] =	wrdreg $0x50800  }
0xb1: {  	[dreg:$0x5] =	wrdreg $0x9  }
0xb2: {  	_ =	task.clear_ibuf [dreg:s7], $0x6FFFF;
	_ =	strace $0x90000046  }
0xb3: {  	s29 =	simm.s32 $0x9;
	_ =	strace $0x80000048  }
0xb4: {  	_ =	swait.ge [sflag:s29], $0x1  }
0xb5: {  	[sflag:s29] =	ssyncadd.s32 $0xFFFFFFFF  }
0xb6: {  	_ =	strace $0x90000048  }
0xb7: {  	_ =	sfence  }
0xb8: {  	s30 =	sld [smem:$0x0];
	_ =	sdelay $0x2  }
0xb9: {  	s31 =	sshll.u32 s1, $0xD;
	s1 =	sshrl.u32 s1, $0x2  }
0xba: {  	s3 =	sand.u32 $0x4000, s31;
	s1 =	sadd.s32 s1, s30  }
0xbb: {  	s0 =	sor.u32 s3, s0;
	s1 =	sshll.u32 s1, $0x11  }
0xbc: {  	s0 =	sor.u32 s1, s0  }
0xbd: {  	s0 =	sadd.s32 $0x8F2B, s0  }
0xbe: {  	[sflag:s0] =	ssyncadd.remote.s32 $0x1  }
0xbf: {  	_ =	sfence.sel $0xFFFF  }
0xc0: {  	[dreg:$0x0] =	wrdreg $0xFFFFFFFF;
	(pc) =	sbr.abs _section_cstart, $3  }
0xc1: {  	[dreg:$0x1] =	wrdreg $0xFFFFFFFF  }
0xc2: {  	_ =	task.clear_ibuf [dreg:s7], $0x2FFFF;
	_ =	strace $0x9FFFFFFF  }
0xc3: {  	(tm) =	ssettm $0x7FFFFFFF  }
tec
execute0_lowered:
.L_overlay_start_1:
0x0: {  	(tag) =	ssettag $0x1  }
0x1: {  	s5 =	rddreg [dreg:$0x0]  }
0x2: {  	s7 =	rddreg [dreg:$0x1];
	s2 =	srdreg.scid  }
0x3: {  	s1 =	rddreg [dreg:$0x2];
	s6 =	sand.u32 $0x1, s2  }
0x4: {  	s2 =	stileid.u32;
	s4 =	smul.u32 $0xA000, s6  }
0x5: {  	s0 =	rddreg [dreg:$0x3];
	s3 =	simm.s32 $0x0;
	s8 =	smul.u32 $0xA00, s2  }
0x6: {  	s15 =	simm.s32 $0x10;
	[smem:$0x7FF] =	sst s3;
	s9 =	smul.u32 $0x280, s2  }
0x7: {  	s16 =	simm.s32 $0x0;
	_ =	strace $0x80000047;
	s25 =	smul.u32 $0x2800, s6  }
0x8: {  	s10 =	sshrl.u32 s2, $0x3;
	s6 =	ssub.s32 $0x2, s6;
	s13 =	sshll.u32 s2, $0x7  }
0x9: {  	s31 =	sshll.u32 s2, $0x6;
	s10 =	smul.u32 $0x1400, s10;
	s14 =	sshrl.u32 s6, $0x1  }
0xa: {  	s26 =	sand.u32 $0x380, s13;
	s13 =	simm.s32 $0x80;
	s4 =	sadd.s32 s8, s4  }
0xb: {  	s12 =	sshrl.u32 s9, $0x3;
	s28 =	ssub.s32 s6, s14;
	s30 =	sadd.s32 s9, s1  }
0xc: {  	s9 =	simm.s32 $0x2;
	s14 =	simm.s32 $0x1;
	s11 =	sadd.s32 s4, s5  }
0xd: {  	s4 =	sadd.s32 $0x16000, s5;
	s8 =	sadd.s32 s25, s10;
	s12 =	sadd.s32 s12, s5  }
0xe: {  	s10 =	simm.s32 $0x5000;
	s29 =	sor.u32 s26, s8;
	s5 =	sadd.s32 $0x2000, s11  }
0xf: {  	s6 =	sadd.s32 $0x16200, s12;
	s11 =	sor.u32 $0x1C02, s31;
	s8 =	sshrl.u32 s29, $0x3  }
0x10: {  	s12 =	sshrl.u32 s30, $0x3;
	s7 =	sadd.s32 s7, s8;
	s8 =	smax.u32 s28, $0x1  }
.LBB2_1:
0x11: {  	[tilespmem:s3], [sflag:$0x2] =	stream.linear.gather [hbm4b:s5+s3], $0x5000, $0x38;
	[tilespmem:$0x5300] =	vst v63  }
0x12: {  	_ =	swait.ge [sflag:s9], $0x5000  }
0x13: {  	[sflag:s9] =	ssyncset.done $0x0  }
0x14: {  	[sflag:s9] =	ssyncadd.s32 $0xFFFFB000  }
0x15: {  	[tilespmem:s10], [sflag:$0x2] =	stream.linear.gather [hbm4b:s4+s3], $0x80, $0x38;
	[tilespmem:$0x5300] =	vst v63  }
0x16: {  	_ =	swait.ge [sflag:s9], $0x80  }
0x17: {  	[sflag:s9] =	ssyncset.done $0x0  }
0x18: {  	[sflag:s9] =	ssyncadd.s32 $0xFFFFFF80  }
0x19: {  	[spmem:s12], [sflag:s11] =	dma.local [hbm:s6], $0x50  }
0x1a: {  	_ =	swait.ge [sflag:s9], $0x50  }
0x1b: {  	[sflag:s9] =	ssyncset.done $0x0  }
0x1c: {  	[sflag:s9] =	ssyncadd.s32 $0xFFFFFFB0  }
0x1d: {  	s17 =	simm.s32 $0x200;
	[bflag:$0x0] =	sbarrier.arrive $0xFFFF  }
.LBB2_2:
0x1e: {  	p0 =	sne.s32 s17, $0x13E00  }
.Ltmp0:
0x1f: {  	_ = 	snop;
	(pc) =	sbr.rel @p0 .LBB2_2-.Ltmp0, $3  }
0x20: {  	_ =	sdelay $0x1  }
0x21: {  	s18 =	sshra.s32 s17, $0x2;
	s17 =	sadd.s32 $0x400, s17  }
0x22: {  	[spmem:s1] =	stream.indirect.scatter.add.f32 [tilespmem:s10], [sflag:$0x1], $0x1, s18, s13, $0xb8;
	[tilespmem:$0x5300] =	vst v63  }
0x23: {  	_ =	swait.ge [sflag:s14], $0x80  }
0x24: {  	s17 =	simm.s32 $0x4F;
	[sflag:s14] =	ssyncset.done $0x0  }
.LBB2_4:
0x25: {  	p0 =	sne.s32 s17, $0x1;
	s17 =	sadd.s32 $0xFFFFFFFF, s17;
	[sflag:s14] =	ssyncadd.s32 $0xFFFFFF80  }
.Ltmp1:
0x26: {  	(pc) =	sbr.rel @p0 .LBB2_4-.Ltmp1, $3  }
0x27: {  	_ =	sdelay $0x1  }
0x28: {  	_ =	swait.ge [sflag:s14], $0x80  }
0x29: {  	[sflag:s14] =	ssyncset.done $0x0  }
0x2a: {  	s16 =	sadd.s32 $0x1, s16  }
0x2b: {  	[sflag:s14] =	ssyncadd.s32 $0xFFFFFF80;
	p0 =	sne.s32 s16, s8  }
.Ltmp2:
0x2c: {  	[bflag:$0x0] =	sbarrier.arrive $0xFFFF;
	(pc) =	sbr.rel @p0 .LBB2_1-.Ltmp2, $4  }
0x2d: {  	[hbm:s7@s13], [sflag:s11] =	dma.strided [spmem:s12@s15], $0x50, s14, $0x10   }
0x2e: {  	_ =	swait.ge [sflag:s9], $0x50  }
0x2f: {  	[sflag:s9] =	ssyncset.done $0x0  }
0x30: {  	[sflag:s9] =	ssyncadd.s32 $0xFFFFFFB0  }
0x31: {  	_ =	sfence.sel $0x180000  }
0x32: {  	[bflag:$0x0] =	sbarrier.arrive $0xFFFF  }
0x33: {  	p0 =	sne.s32 s2, $0x0;
	_ =	strace $0x90000047  }
0x34: {  	s0 =	sadd.s32 @!p0 $0x100000, s0;
	[bflag:$0x2] =	sbarrier.arrive $0xFFFF  }
0x35: {  	[sflag:s0] =	ssyncadd.tile.s32 @!p0 $0x1;
	_ =	shalt  }
.Lfunc_end2:
_tile_overlayer_lowered:
.L_overlay_start_2:
0x36: {  	(tag) =	ssettag $0x2  }
0x37: {  	s0 =	rddreg [dreg:$0x0];
	s2 =	stileid.u32  }
0x38: {  	s1 =	rddreg [dreg:$0x1];
	p0 =	sne.s32 s2, $0x0  }
0x39: {  	s3 =	rddreg [dreg:$0x2];
	[bflag:$0x3] =	sbarrier.arrive $0xFFFF;
	s2 =	simm.s32 @!p0 $0x1C02  }
0x3a: {  	[timem:s3], [sflag:s2] =	dma.local @!p0 [hbm:s0], s1  }
0x3b: {  	s0 =	simm.s32 @!p0 $0x2  }
0x3c: {  	_ =	swait.ge @!p0 [sflag:s0], s1  }
0x3d: {  	s1 =	ssub.s32 @!p0 $0x0, s1;
	[sflag:s0] =	ssyncset.done @!p0 $0x0  }
0x3e: {  	[sflag:s0] =	ssyncadd.s32 @!p0 s1  }
0x3f: {  	[bflag:$0x3] =	sbarrier.arrive $0xFFFF  }
0x40: {  	_ =	shalt  }

</sc_bundles>
